<compile_context>
chip_gen: v7x
topology: tpu7x:2x2x1
jax: 0.10.2.dev20260603
libtpu: 0.0.44.dev20260713+nightly
codegen_flags: <defaults>
</compile_context>

<pallas_src>
import functools

import jax
import jax.numpy as jnp
import numpy as np
from jax import lax
from jax.experimental import pallas as pl
from jax.experimental.pallas import tpu as pltpu
from jax.experimental.pallas import tpu_sc as plsc

_B, _L, _C = 16, 4096, 128


def _spiral_pattern(L):
    PI = float(np.arccos(0.0) * 2.0)
    size = np.sqrt(L / (PI / 4.0 * 0.7))
    size = np.round(size / 2.0)
    size = int(size * 2 + 1)
    rnge = (np.arange(size, dtype=np.float32) - np.float32(size / 2.0)
            + np.float32(0.5)).astype(np.float32)
    x1, x2 = np.meshgrid(rnge, rnge)
    r = np.sqrt(np.abs(x1 * x1 + x2 * x2), dtype=np.float32)
    with np.errstate(invalid="ignore", divide="ignore"):
        phi = np.arccos((x1 / r).astype(np.float32)).astype(np.float32)
    phi = np.where(np.isnan(phi), np.float32(0.0), phi)
    phi = (phi * np.sign(x2)).astype(np.float32)
    is_pi = (np.logical_and(x2 == 0, x1 < 0).astype(np.float32)
             * np.float32(PI)).astype(np.float32)
    phi = (phi + is_pi).astype(np.float32)
    phi2 = (np.round(r).astype(np.float32) * np.float32(2.0)
            * np.float32(PI) + phi).astype(np.float32)
    idx = np.argsort(phi2.reshape(-1), kind="stable")[:L]
    return size, idx.astype(np.int64)


_SIZE, _IDX = _spiral_pattern(_L)
_S2 = _SIZE * _SIZE

_NW = 32
_CHUNK = 128

_rows = (np.arange(_B, dtype=np.int64)[:, None] * _S2 + _IDX[None, :]).reshape(-1)
_N_SCHUNK = (_B * _L) // (_NW * _CHUNK)
_SIDX_NP = _rows.reshape(_NW, _N_SCHUNK, _CHUNK).astype(np.int32)

_mask = np.ones(_S2, dtype=bool)
_mask[_IDX] = False
_comp = np.nonzero(_mask)[0].astype(np.int64)
_zrows = (np.arange(_B, dtype=np.int64)[:, None]) * _S2 + _comp[None, :]
_zrows = _zrows.reshape(-1)
_N_ZCHUNK = -(-len(_zrows) // (_NW * _CHUNK))
_pad = _N_ZCHUNK * _NW * _CHUNK - len(_zrows)
_zrows = np.concatenate([_zrows, _zrows[:_pad]])
_ZIDX_NP = _zrows.reshape(_NW, _N_ZCHUNK, _CHUNK).astype(np.int32)

_ROWS_PER_W = _N_SCHUNK * _CHUNK
_GIDX_NP = np.arange(_B * _L, dtype=np.int32).reshape(_NW, _N_SCHUNK, _CHUNK)
_WIN = 6 * _CHUNK
_ZOFF = _WIN
_PHASES = [list(range(0, 6)), list(range(6, 12)), list(range(12, 16))]


def _make_scatter():
    mesh = plsc.VectorSubcoreMesh(core_axis_name="c", subcore_axis_name="s")

    @functools.partial(
        pl.kernel,
        mesh=mesh,
        out_type=jax.ShapeDtypeStruct((_B * _S2, _C), jnp.float32),
        scratch_types=[
            pltpu.VMEM((_N_SCHUNK, _CHUNK), jnp.int32),
            pltpu.VMEM((_N_SCHUNK, _CHUNK), jnp.int32),
            pltpu.VMEM((_N_ZCHUNK, _CHUNK), jnp.int32),
            pltpu.VMEM((_WIN + _CHUNK, _C), jnp.float32),
            pltpu.SemaphoreType.DMA,
            pltpu.SemaphoreType.DMA,
        ],
    )
    def scatter(in_hbm, sidx_hbm, gidx_hbm, zidx_hbm, zeros_hbm, out_hbm,
                sidx_v, gidx_v, zidx_v, buf_v, sem_in, sem_out):
        nc = 2
        wid = lax.axis_index("s") * nc + lax.axis_index("c")
        base = wid * _ROWS_PER_W

        m0 = pltpu.async_copy(sidx_hbm.at[wid], sidx_v, sem_in)
        mg = pltpu.async_copy(gidx_hbm.at[wid], gidx_v, sem_in)
        m1 = pltpu.async_copy(zidx_hbm.at[wid], zidx_v, sem_in)
        m2 = pltpu.async_copy(zeros_hbm, buf_v.at[pl.ds(_ZOFF, _CHUNK)],
                              sem_in)
        m0.wait(); mg.wait(); m1.wait(); m2.wait()

        for pi, chunks in enumerate(_PHASES):
            st = [pltpu.async_copy(
                      in_hbm.at[gidx_v.at[c]],
                      buf_v.at[pl.ds(j * _CHUNK, _CHUNK)], sem_in)
                  for j, c in enumerate(chunks)]
            for d in st:
                d.wait()
            sc = [pltpu.async_copy(
                      buf_v.at[pl.ds(j * _CHUNK, _CHUNK)],
                      out_hbm.at[sidx_v.at[c]], sem_out)
                  for j, c in enumerate(chunks)]
            if pi == 0:
                sc += [pltpu.async_copy(
                           buf_v.at[pl.ds(_ZOFF, _CHUNK)],
                           out_hbm.at[zidx_v.at[z]], sem_out)
                       for z in range(_N_ZCHUNK)]
            for d in sc:
                d.wait()

    return scatter


_scatter = _make_scatter()


def kernel(inputs):
    B, L, C = inputs.shape
    flat = inputs.reshape(B * L, C)
    sidx = jnp.asarray(_SIDX_NP)
    gidx = jnp.asarray(_GIDX_NP)
    zidx = jnp.asarray(_ZIDX_NP)
    zeros = jnp.zeros((_CHUNK, _C), dtype=jnp.float32)
    out = _scatter(flat, sidx, gidx, zidx, zeros)
    return out.reshape(B, _SIZE, _SIZE, C)

# --- scband reference (transcript-rebuilt; emitter-appended) ---
"""Pipeline reference for scband-spiral-12601434046976 (READ-ONLY COPY).

The authoritative reference and input builder live on the scoring server;
editing this copy changes nothing except your own understanding.
"""

import jax, jax.numpy as jnp
import numpy as np


def _spiral_indices(L):
    PI = float(np.arccos(0.0) * 2.0)
    size = np.sqrt(L / (PI / 4.0 * 0.7))
    size = np.round(size / 2.0)
    size = int(size * 2 + 1)
    rnge = jnp.arange(size, dtype=jnp.float32) - size / 2.0 + 0.5
    x1, x2 = jnp.meshgrid(rnge, rnge)
    r = jnp.sqrt(jnp.abs(x1 * x1 + x2 * x2))
    phi = jnp.arccos(x1 / r)
    phi = jnp.where(jnp.isnan(phi), 0.0, phi)
    phi = phi * jnp.sign(x2)
    is_pi = jnp.logical_and(x2 == 0, x1 < 0).astype(jnp.float32) * PI
    phi = phi + is_pi
    phi2 = jnp.round(r) * 2.0 * PI + phi
    idx = jnp.argsort(phi2.reshape(-1))[:L]
    return size, idx


def setup_inputs(seed: int = 0):
    key = jax.random.key(seed)
    inputs = jax.random.normal(key, (16, 4096, 128), dtype=jnp.float32)
    return {"inputs": inputs}


def reference(inputs):
    B, L, C = inputs.shape
    size, idx = _spiral_indices(L)
    size2 = size * size
    # scatter-overwrite: signal position s of each (batch, channel) goes to grid cell idx[s]
    out = jnp.zeros((B, size2, C), dtype=inputs.dtype)
    out = out.at[:, idx, :].set(inputs)
    out = out.reshape(B, size, size, C)
    return out

if __name__ == "__main__":
    import jax
    _d = setup_inputs()
    print(jax.jit(kernel)(*tuple(_d.values())))

</pallas_src>

<mosaic_0001>
#map = affine_map<(d0, d1) -> (0, 0)>
#map1 = affine_map<(d0, d1) -> (0, 0, 0)>
module attributes {stable_mosaic.version = 14 : i64} {
  func.func @scatter(%arg0: i32, %arg1: i32, %arg2: memref<65536x128xf32, #tpu.memory_space<hbm>>, %arg3: memref<32x16x128xi32, #tpu.memory_space<hbm>>, %arg4: memref<32x16x128xi32, #tpu.memory_space<hbm>>, %arg5: memref<32x14x128xi32, #tpu.memory_space<hbm>>, %arg6: memref<128x128xf32, #tpu.memory_space<hbm>>, %arg7: memref<121104x128xf32, #tpu.memory_space<hbm>>, %arg8: memref<16x128xi32, #tpu.memory_space<vmem>>, %arg9: memref<16x128xi32, #tpu.memory_space<vmem>>, %arg10: memref<14x128xi32, #tpu.memory_space<vmem>>, %arg11: memref<896x128xf32, #tpu.memory_space<vmem>>, %arg12: memref<!tpu.dma_semaphore, #tpu.memory_space<semaphore_mem>>, %arg13: memref<!tpu.dma_semaphore, #tpu.memory_space<semaphore_mem>>) attributes {dimension_semantics = [#tpu.dimension_semantics<core_parallel>, #tpu.dimension_semantics<subcore_parallel>], iteration_bounds = array<i64: 2, 16>, scalar_prefetch = 0 : i64, scratch_operands = 6 : i64, tpu.core_type = #tpu.core_type<sc_vector_subcore>, window_params = [{transform_indices = #map}, {transform_indices = #map1}, {transform_indices = #map1}, {transform_indices = #map1}, {transform_indices = #map}, {transform_indices = #map}]} {
    %mul3A = arith.constant 2 : i32
    %mul3A_0 = arith.muli %arg1, %mul3A : i32
    %add3A = arith.addi %mul3A_0, %arg0 : i32
    %mul3A_1 = arith.constant 2048 : i32
    %mul3A_2 = arith.muli %add3A, %mul3A_1 : i32
    %dma_start3A = arith.constant 0 : i32
    %dma_start3A_3 = arith.constant 0 : i32
    %dma_start3A_4 = tpu.memref_slice %arg3[%add3A, %dma_start3A, %dma_start3A_3] : memref<32x16x128xi32, #tpu.memory_space<hbm>> -> memref<1x16x128xi32, #tpu.memory_space<hbm>>
    %dma_start3A_5 = tpu.memref_squeeze %dma_start3A_4 : memref<1x16x128xi32, #tpu.memory_space<hbm>> -> memref<16x128xi32, #tpu.memory_space<hbm>>
    %dma_start3A_6 = arith.constant 0 : i32
    %dma_start3A_7 = arith.constant 0 : i32
    %dma_start3A_8 = tpu.memref_slice %arg3[%add3A, %dma_start3A_6, %dma_start3A_7] : memref<32x16x128xi32, #tpu.memory_space<hbm>> -> memref<1x16x128xi32, #tpu.memory_space<hbm>>
    %dma_start3A_9 = tpu.memref_squeeze %dma_start3A_8 : memref<1x16x128xi32, #tpu.memory_space<hbm>> -> memref<16x128xi32, #tpu.memory_space<hbm>>
    tpu.enqueue_dma source(%dma_start3A_9 : memref<16x128xi32, #tpu.memory_space<hbm>>) target(%arg8 : memref<16x128xi32, #tpu.memory_space<vmem>>) target_semaphore(%arg12 : memref<!tpu.dma_semaphore, #tpu.memory_space<semaphore_mem>>)
    %dma_start3A_10 = arith.constant 0 : i32
    %dma_start3A_11 = arith.constant 0 : i32
    %dma_start3A_12 = tpu.memref_slice %arg4[%add3A, %dma_start3A_10, %dma_start3A_11] : memref<32x16x128xi32, #tpu.memory_space<hbm>> -> memref<1x16x128xi32, #tpu.memory_space<hbm>>
    %dma_start3A_13 = tpu.memref_squeeze %dma_start3A_12 : memref<1x16x128xi32, #tpu.memory_space<hbm>> -> memref<16x128xi32, #tpu.memory_space<hbm>>
    %dma_start3A_14 = arith.constant 0 : i32
    %dma_start3A_15 = arith.constant 0 : i32
    %dma_start3A_16 = tpu.memref_slice %arg4[%add3A, %dma_start3A_14, %dma_start3A_15] : memref<32x16x128xi32, #tpu.memory_space<hbm>> -> memref<1x16x128xi32, #tpu.memory_space<hbm>>
    %dma_start3A_17 = tpu.memref_squeeze %dma_start3A_16 : memref<1x16x128xi32, #tpu.memory_space<hbm>> -> memref<16x128xi32, #tpu.memory_space<hbm>>
    tpu.enqueue_dma source(%dma_start3A_17 : memref<16x128xi32, #tpu.memory_space<hbm>>) target(%arg9 : memref<16x128xi32, #tpu.memory_space<vmem>>) target_semaphore(%arg12 : memref<!tpu.dma_semaphore, #tpu.memory_space<semaphore_mem>>)
    %dma_start3A_18 = arith.constant 0 : i32
    %dma_start3A_19 = arith.constant 0 : i32
    %dma_start3A_20 = tpu.memref_slice %arg5[%add3A, %dma_start3A_18, %dma_start3A_19] : memref<32x14x128xi32, #tpu.memory_space<hbm>> -> memref<1x14x128xi32, #tpu.memory_space<hbm>>
    %dma_start3A_21 = tpu.memref_squeeze %dma_start3A_20 : memref<1x14x128xi32, #tpu.memory_space<hbm>> -> memref<14x128xi32, #tpu.memory_space<hbm>>
    %dma_start3A_22 = arith.constant 0 : i32
    %dma_start3A_23 = arith.constant 0 : i32
    %dma_start3A_24 = tpu.memref_slice %arg5[%add3A, %dma_start3A_22, %dma_start3A_23] : memref<32x14x128xi32, #tpu.memory_space<hbm>> -> memref<1x14x128xi32, #tpu.memory_space<hbm>>
    %dma_start3A_25 = tpu.memref_squeeze %dma_start3A_24 : memref<1x14x128xi32, #tpu.memory_space<hbm>> -> memref<14x128xi32, #tpu.memory_space<hbm>>
    tpu.enqueue_dma source(%dma_start3A_25 : memref<14x128xi32, #tpu.memory_space<hbm>>) target(%arg10 : memref<14x128xi32, #tpu.memory_space<vmem>>) target_semaphore(%arg12 : memref<!tpu.dma_semaphore, #tpu.memory_space<semaphore_mem>>)
    %dma_start3A_26 = arith.constant 768 : i32
    %dma_start3A_27 = arith.constant 0 : i32
    %dma_start3A_28 = tpu.memref_slice %arg11[%dma_start3A_26, %dma_start3A_27] : memref<896x128xf32, #tpu.memory_space<vmem>> -> memref<128x128xf32, #tpu.memory_space<vmem>>
    %dma_start3A_29 = arith.constant 768 : i32
    %dma_start3A_30 = arith.constant 0 : i32
    %dma_start3A_31 = tpu.memref_slice %arg11[%dma_start3A_29, %dma_start3A_30] : memref<896x128xf32, #tpu.memory_space<vmem>> -> memref<128x128xf32, #tpu.memory_space<vmem>>
    tpu.enqueue_dma source(%arg6 : memref<128x128xf32, #tpu.memory_space<hbm>>) target(%dma_start3A_31 : memref<128x128xf32, #tpu.memory_space<vmem>>) target_semaphore(%arg12 : memref<!tpu.dma_semaphore, #tpu.memory_space<semaphore_mem>>)
    %dma_wait3A = arith.constant 0 : i32
    %dma_wait3A_32 = arith.constant 0 : i32
    %dma_wait3A_33 = tpu.memref_slice %arg3[%add3A, %dma_wait3A, %dma_wait3A_32] : memref<32x16x128xi32, #tpu.memory_space<hbm>> -> memref<1x16x128xi32, #tpu.memory_space<hbm>>
    %dma_wait3A_34 = tpu.memref_squeeze %dma_wait3A_33 : memref<1x16x128xi32, #tpu.memory_space<hbm>> -> memref<16x128xi32, #tpu.memory_space<hbm>>
    %dma_wait3A_35 = arith.constant 0 : i32
    %dma_wait3A_36 = arith.constant 0 : i32
    %dma_wait3A_37 = tpu.memref_slice %arg3[%add3A, %dma_wait3A_35, %dma_wait3A_36] : memref<32x16x128xi32, #tpu.memory_space<hbm>> -> memref<1x16x128xi32, #tpu.memory_space<hbm>>
    %dma_wait3A_38 = tpu.memref_squeeze %dma_wait3A_37 : memref<1x16x128xi32, #tpu.memory_space<hbm>> -> memref<16x128xi32, #tpu.memory_space<hbm>>
    tpu.wait_dma2 semaphore(%arg12 : memref<!tpu.dma_semaphore, #tpu.memory_space<semaphore_mem>>) src(%dma_wait3A_38 : memref<16x128xi32, #tpu.memory_space<hbm>>) dst(%arg8 : memref<16x128xi32, #tpu.memory_space<vmem>>)
    %dma_wait3A_39 = arith.constant 0 : i32
    %dma_wait3A_40 = arith.constant 0 : i32
    %dma_wait3A_41 = tpu.memref_slice %arg4[%add3A, %dma_wait3A_39, %dma_wait3A_40] : memref<32x16x128xi32, #tpu.memory_space<hbm>> -> memref<1x16x128xi32, #tpu.memory_space<hbm>>
    %dma_wait3A_42 = tpu.memref_squeeze %dma_wait3A_41 : memref<1x16x128xi32, #tpu.memory_space<hbm>> -> memref<16x128xi32, #tpu.memory_space<hbm>>
    %dma_wait3A_43 = arith.constant 0 : i32
    %dma_wait3A_44 = arith.constant 0 : i32
    %dma_wait3A_45 = tpu.memref_slice %arg4[%add3A, %dma_wait3A_43, %dma_wait3A_44] : memref<32x16x128xi32, #tpu.memory_space<hbm>> -> memref<1x16x128xi32, #tpu.memory_space<hbm>>
    %dma_wait3A_46 = tpu.memref_squeeze %dma_wait3A_45 : memref<1x16x128xi32, #tpu.memory_space<hbm>> -> memref<16x128xi32, #tpu.memory_space<hbm>>
    tpu.wait_dma2 semaphore(%arg12 : memref<!tpu.dma_semaphore, #tpu.memory_space<semaphore_mem>>) src(%dma_wait3A_46 : memref<16x128xi32, #tpu.memory_space<hbm>>) dst(%arg9 : memref<16x128xi32, #tpu.memory_space<vmem>>)
    %dma_wait3A_47 = arith.constant 0 : i32
    %dma_wait3A_48 = arith.constant 0 : i32
    %dma_wait3A_49 = tpu.memref_slice %arg5[%add3A, %dma_wait3A_47, %dma_wait3A_48] : memref<32x14x128xi32, #tpu.memory_space<hbm>> -> memref<1x14x128xi32, #tpu.memory_space<hbm>>
    %dma_wait3A_50 = tpu.memref_squeeze %dma_wait3A_49 : memref<1x14x128xi32, #tpu.memory_space<hbm>> -> memref<14x128xi32, #tpu.memory_space<hbm>>
    %dma_wait3A_51 = arith.constant 0 : i32
    %dma_wait3A_52 = arith.constant 0 : i32
    %dma_wait3A_53 = tpu.memref_slice %arg5[%add3A, %dma_wait3A_51, %dma_wait3A_52] : memref<32x14x128xi32, #tpu.memory_space<hbm>> -> memref<1x14x128xi32, #tpu.memory_space<hbm>>
    %dma_wait3A_54 = tpu.memref_squeeze %dma_wait3A_53 : memref<1x14x128xi32, #tpu.memory_space<hbm>> -> memref<14x128xi32, #tpu.memory_space<hbm>>
    tpu.wait_dma2 semaphore(%arg12 : memref<!tpu.dma_semaphore, #tpu.memory_space<semaphore_mem>>) src(%dma_wait3A_54 : memref<14x128xi32, #tpu.memory_space<hbm>>) dst(%arg10 : memref<14x128xi32, #tpu.memory_space<vmem>>)
    %dma_wait3A_55 = arith.constant 768 : i32
    %dma_wait3A_56 = arith.constant 0 : i32
    %dma_wait3A_57 = tpu.memref_slice %arg11[%dma_wait3A_55, %dma_wait3A_56] : memref<896x128xf32, #tpu.memory_space<vmem>> -> memref<128x128xf32, #tpu.memory_space<vmem>>
    %dma_wait3A_58 = arith.constant 768 : i32
    %dma_wait3A_59 = arith.constant 0 : i32
    %dma_wait3A_60 = tpu.memref_slice %arg11[%dma_wait3A_58, %dma_wait3A_59] : memref<896x128xf32, #tpu.memory_space<vmem>> -> memref<128x128xf32, #tpu.memory_space<vmem>>
    tpu.wait_dma2 semaphore(%arg12 : memref<!tpu.dma_semaphore, #tpu.memory_space<semaphore_mem>>) src(%arg6 : memref<128x128xf32, #tpu.memory_space<hbm>>) dst(%dma_wait3A_60 : memref<128x128xf32, #tpu.memory_space<vmem>>)
    %dma_start3A_61 = arith.constant 0 : i32
    %dma_start3A_62 = arith.constant 0 : i32
    %dma_start3A_63 = arith.constant 0 : i32
    %dma_start3A_64 = tpu.memref_slice %arg11[%dma_start3A_62, %dma_start3A_63] : memref<896x128xf32, #tpu.memory_space<vmem>> -> memref<128x128xf32, #tpu.memory_space<vmem>>
    %dma_start3A_65 = arith.constant 0 : i32
    %dma_start3A_66 = tpu.memref_slice %arg9[%dma_start3A_61, %dma_start3A_65] : memref<16x128xi32, #tpu.memory_space<vmem>> -> memref<1x128xi32, #tpu.memory_space<vmem>>
    %dma_start3A_67 = tpu.memref_squeeze %dma_start3A_66 : memref<1x128xi32, #tpu.memory_space<vmem>> -> memref<128xi32, #tpu.memory_space<vmem>>
    %dma_start3A_68 = arith.constant 0 : i32
    %dma_start3A_69 = arith.constant 0 : i32
    %dma_start3A_70 = tpu.memref_slice %arg2[%dma_start3A_68, %dma_start3A_69] : memref<65536x128xf32, #tpu.memory_space<hbm>> -> memref<65536x128xf32, #tpu.memory_space<hbm>>
    tpu.enqueue_indirect_dma source(%dma_start3A_70 : memref<65536x128xf32, #tpu.memory_space<hbm>>) target(%dma_start3A_64 : memref<128x128xf32, #tpu.memory_space<vmem>>) offsets(%dma_start3A_67 : memref<128xi32, #tpu.memory_space<vmem>>) semaphore(%arg12 : memref<!tpu.dma_semaphore, #tpu.memory_space<semaphore_mem>>)
    %dma_start3A_71 = arith.constant 1 : i32
    %dma_start3A_72 = arith.constant 128 : i32
    %dma_start3A_73 = arith.constant 0 : i32
    %dma_start3A_74 = tpu.memref_slice %arg11[%dma_start3A_72, %dma_start3A_73] : memref<896x128xf32, #tpu.memory_space<vmem>> -> memref<128x128xf32, #tpu.memory_space<vmem>>
    %dma_start3A_75 = arith.constant 0 : i32
    %dma_start3A_76 = tpu.memref_slice %arg9[%dma_start3A_71, %dma_start3A_75] : memref<16x128xi32, #tpu.memory_space<vmem>> -> memref<1x128xi32, #tpu.memory_space<vmem>>
    %dma_start3A_77 = tpu.memref_squeeze %dma_start3A_76 : memref<1x128xi32, #tpu.memory_space<vmem>> -> memref<128xi32, #tpu.memory_space<vmem>>
    %dma_start3A_78 = arith.constant 0 : i32
    %dma_start3A_79 = arith.constant 0 : i32
    %dma_start3A_80 = tpu.memref_slice %arg2[%dma_start3A_78, %dma_start3A_79] : memref<65536x128xf32, #tpu.memory_space<hbm>> -> memref<65536x128xf32, #tpu.memory_space<hbm>>
    tpu.enqueue_indirect_dma source(%dma_start3A_80 : memref<65536x128xf32, #tpu.memory_space<hbm>>) target(%dma_start3A_74 : memref<128x128xf32, #tpu.memory_space<vmem>>) offsets(%dma_start3A_77 : memref<128xi32, #tpu.memory_space<vmem>>) semaphore(%arg12 : memref<!tpu.dma_semaphore, #tpu.memory_space<semaphore_mem>>)
    %dma_start3A_81 = arith.constant 2 : i32
    %dma_start3A_82 = arith.constant 256 : i32
    %dma_start3A_83 = arith.constant 0 : i32
    %dma_start3A_84 = tpu.memref_slice %arg11[%dma_start3A_82, %dma_start3A_83] : memref<896x128xf32, #tpu.memory_space<vmem>> -> memref<128x128xf32, #tpu.memory_space<vmem>>
    %dma_start3A_85 = arith.constant 0 : i32
    %dma_start3A_86 = tpu.memref_slice %arg9[%dma_start3A_81, %dma_start3A_85] : memref<16x128xi32, #tpu.memory_space<vmem>> -> memref<1x128xi32, #tpu.memory_space<vmem>>
    %dma_start3A_87 = tpu.memref_squeeze %dma_start3A_86 : memref<1x128xi32, #tpu.memory_space<vmem>> -> memref<128xi32, #tpu.memory_space<vmem>>
    %dma_start3A_88 = arith.constant 0 : i32
    %dma_start3A_89 = arith.constant 0 : i32
    %dma_start3A_90 = tpu.memref_slice %arg2[%dma_start3A_88, %dma_start3A_89] : memref<65536x128xf32, #tpu.memory_space<hbm>> -> memref<65536x128xf32, #tpu.memory_space<hbm>>
    tpu.enqueue_indirect_dma source(%dma_start3A_90 : memref<65536x128xf32, #tpu.memory_space<hbm>>) target(%dma_start3A_84 : memref<128x128xf32, #tpu.memory_space<vmem>>) offsets(%dma_start3A_87 : memref<128xi32, #tpu.memory_space<vmem>>) semaphore(%arg12 : memref<!tpu.dma_semaphore, #tpu.memory_space<semaphore_mem>>)
    %dma_start3A_91 = arith.constant 3 : i32
    %dma_start3A_92 = arith.constant 384 : i32
    %dma_start3A_93 = arith.constant 0 : i32
    %dma_start3A_94 = tpu.memref_slice %arg11[%dma_start3A_92, %dma_start3A_93] : memref<896x128xf32, #tpu.memory_space<vmem>> -> memref<128x128xf32, #tpu.memory_space<vmem>>
    %dma_start3A_95 = arith.constant 0 : i32
    %dma_start3A_96 = tpu.memref_slice %arg9[%dma_start3A_91, %dma_start3A_95] : memref<16x128xi32, #tpu.memory_space<vmem>> -> memref<1x128xi32, #tpu.memory_space<vmem>>
    %dma_start3A_97 = tpu.memref_squeeze %dma_start3A_96 : memref<1x128xi32, #tpu.memory_space<vmem>> -> memref<128xi32, #tpu.memory_space<vmem>>
    %dma_start3A_98 = arith.constant 0 : i32
    %dma_start3A_99 = arith.constant 0 : i32
    %dma_start3A_100 = tpu.memref_slice %arg2[%dma_start3A_98, %dma_start3A_99] : memref<65536x128xf32, #tpu.memory_space<hbm>> -> memref<65536x128xf32, #tpu.memory_space<hbm>>
    tpu.enqueue_indirect_dma source(%dma_start3A_100 : memref<65536x128xf32, #tpu.memory_space<hbm>>) target(%dma_start3A_94 : memref<128x128xf32, #tpu.memory_space<vmem>>) offsets(%dma_start3A_97 : memref<128xi32, #tpu.memory_space<vmem>>) semaphore(%arg12 : memref<!tpu.dma_semaphore, #tpu.memory_space<semaphore_mem>>)
    %dma_start3A_101 = arith.constant 4 : i32
    %dma_start3A_102 = arith.constant 512 : i32
    %dma_start3A_103 = arith.constant 0 : i32
    %dma_start3A_104 = tpu.memref_slice %arg11[%dma_start3A_102, %dma_start3A_103] : memref<896x128xf32, #tpu.memory_space<vmem>> -> memref<128x128xf32, #tpu.memory_space<vmem>>
    %dma_start3A_105 = arith.constant 0 : i32
    %dma_start3A_106 = tpu.memref_slice %arg9[%dma_start3A_101, %dma_start3A_105] : memref<16x128xi32, #tpu.memory_space<vmem>> -> memref<1x128xi32, #tpu.memory_space<vmem>>
    %dma_start3A_107 = tpu.memref_squeeze %dma_start3A_106 : memref<1x128xi32, #tpu.memory_space<vmem>> -> memref<128xi32, #tpu.memory_space<vmem>>
    %dma_start3A_108 = arith.constant 0 : i32
    %dma_start3A_109 = arith.constant 0 : i32
    %dma_start3A_110 = tpu.memref_slice %arg2[%dma_start3A_108, %dma_start3A_109] : memref<65536x128xf32, #tpu.memory_space<hbm>> -> memref<65536x128xf32, #tpu.memory_space<hbm>>
    tpu.enqueue_indirect_dma source(%dma_start3A_110 : memref<65536x128xf32, #tpu.memory_space<hbm>>) target(%dma_start3A_104 : memref<128x128xf32, #tpu.memory_space<vmem>>) offsets(%dma_start3A_107 : memref<128xi32, #tpu.memory_space<vmem>>) semaphore(%arg12 : memref<!tpu.dma_semaphore, #tpu.memory_space<semaphore_mem>>)
    %dma_start3A_111 = arith.constant 5 : i32
    %dma_start3A_112 = arith.constant 640 : i32
    %dma_start3A_113 = arith.constant 0 : i32
    %dma_start3A_114 = tpu.memref_slice %arg11[%dma_start3A_112, %dma_start3A_113] : memref<896x128xf32, #tpu.memory_space<vmem>> -> memref<128x128xf32, #tpu.memory_space<vmem>>
    %dma_start3A_115 = arith.constant 0 : i32
    %dma_start3A_116 = tpu.memref_slice %arg9[%dma_start3A_111, %dma_start3A_115] : memref<16x128xi32, #tpu.memory_space<vmem>> -> memref<1x128xi32, #tpu.memory_space<vmem>>
    %dma_start3A_117 = tpu.memref_squeeze %dma_start3A_116 : memref<1x128xi32, #tpu.memory_space<vmem>> -> memref<128xi32, #tpu.memory_space<vmem>>
    %dma_start3A_118 = arith.constant 0 : i32
    %dma_start3A_119 = arith.constant 0 : i32
    %dma_start3A_120 = tpu.memref_slice %arg2[%dma_start3A_118, %dma_start3A_119] : memref<65536x128xf32, #tpu.memory_space<hbm>> -> memref<65536x128xf32, #tpu.memory_space<hbm>>
    tpu.enqueue_indirect_dma source(%dma_start3A_120 : memref<65536x128xf32, #tpu.memory_space<hbm>>) target(%dma_start3A_114 : memref<128x128xf32, #tpu.memory_space<vmem>>) offsets(%dma_start3A_117 : memref<128xi32, #tpu.memory_space<vmem>>) semaphore(%arg12 : memref<!tpu.dma_semaphore, #tpu.memory_space<semaphore_mem>>)
    %dma_wait3A_121 = arith.constant 0 : i32
    %dma_wait3A_122 = arith.constant 0 : i32
    %dma_wait3A_123 = arith.constant 0 : i32
    %dma_wait3A_124 = tpu.memref_slice %arg11[%dma_wait3A_122, %dma_wait3A_123] : memref<896x128xf32, #tpu.memory_space<vmem>> -> memref<128x128xf32, #tpu.memory_space<vmem>>
    %dma_wait3A_125 = arith.constant 0 : i32
    %dma_wait3A_126 = tpu.memref_slice %arg9[%dma_wait3A_121, %dma_wait3A_125] : memref<16x128xi32, #tpu.memory_space<vmem>> -> memref<1x128xi32, #tpu.memory_space<vmem>>
    %dma_wait3A_127 = tpu.memref_squeeze %dma_wait3A_126 : memref<1x128xi32, #tpu.memory_space<vmem>> -> memref<128xi32, #tpu.memory_space<vmem>>
    %dma_wait3A_128 = arith.constant 0 : i32
    %dma_wait3A_129 = arith.constant 0 : i32
    %dma_wait3A_130 = tpu.memref_slice %arg2[%dma_wait3A_128, %dma_wait3A_129] : memref<65536x128xf32, #tpu.memory_space<hbm>> -> memref<65536x128xf32, #tpu.memory_space<hbm>>
    tpu.wait_indirect_dma semaphore(%arg12 : memref<!tpu.dma_semaphore, #tpu.memory_space<semaphore_mem>>) src(%dma_wait3A_130 : memref<65536x128xf32, #tpu.memory_space<hbm>>) dst(%dma_wait3A_124 : memref<128x128xf32, #tpu.memory_space<vmem>>)
    %dma_wait3A_131 = arith.constant 1 : i32
    %dma_wait3A_132 = arith.constant 128 : i32
    %dma_wait3A_133 = arith.constant 0 : i32
    %dma_wait3A_134 = tpu.memref_slice %arg11[%dma_wait3A_132, %dma_wait3A_133] : memref<896x128xf32, #tpu.memory_space<vmem>> -> memref<128x128xf32, #tpu.memory_space<vmem>>
    %dma_wait3A_135 = arith.constant 0 : i32
    %dma_wait3A_136 = tpu.memref_slice %arg9[%dma_wait3A_131, %dma_wait3A_135] : memref<16x128xi32, #tpu.memory_space<vmem>> -> memref<1x128xi32, #tpu.memory_space<vmem>>
    %dma_wait3A_137 = tpu.memref_squeeze %dma_wait3A_136 : memref<1x128xi32, #tpu.memory_space<vmem>> -> memref<128xi32, #tpu.memory_space<vmem>>
    %dma_wait3A_138 = arith.constant 0 : i32
    %dma_wait3A_139 = arith.constant 0 : i32
    %dma_wait3A_140 = tpu.memref_slice %arg2[%dma_wait3A_138, %dma_wait3A_139] : memref<65536x128xf32, #tpu.memory_space<hbm>> -> memref<65536x128xf32, #tpu.memory_space<hbm>>
    tpu.wait_indirect_dma semaphore(%arg12 : memref<!tpu.dma_semaphore, #tpu.memory_space<semaphore_mem>>) src(%dma_wait3A_140 : memref<65536x128xf32, #tpu.memory_space<hbm>>) dst(%dma_wait3A_134 : memref<128x128xf32, #tpu.memory_space<vmem>>)
    %dma_wait3A_141 = arith.constant 2 : i32
    %dma_wait3A_142 = arith.constant 256 : i32
    %dma_wait3A_143 = arith.constant 0 : i32
    %dma_wait3A_144 = tpu.memref_slice %arg11[%dma_wait3A_142, %dma_wait3A_143] : memref<896x128xf32, #tpu.memory_space<vmem>> -> memref<128x128xf32, #tpu.memory_space<vmem>>
    %dma_wait3A_145 = arith.constant 0 : i32
    %dma_wait3A_146 = tpu.memref_slice %arg9[%dma_wait3A_141, %dma_wait3A_145] : memref<16x128xi32, #tpu.memory_space<vmem>> -> memref<1x128xi32, #tpu.memory_space<vmem>>
    %dma_wait3A_147 = tpu.memref_squeeze %dma_wait3A_146 : memref<1x128xi32, #tpu.memory_space<vmem>> -> memref<128xi32, #tpu.memory_space<vmem>>
    %dma_wait3A_148 = arith.constant 0 : i32
    %dma_wait3A_149 = arith.constant 0 : i32
    %dma_wait3A_150 = tpu.memref_slice %arg2[%dma_wait3A_148, %dma_wait3A_149] : memref<65536x128xf32, #tpu.memory_space<hbm>> -> memref<65536x128xf32, #tpu.memory_space<hbm>>
    tpu.wait_indirect_dma semaphore(%arg12 : memref<!tpu.dma_semaphore, #tpu.memory_space<semaphore_mem>>) src(%dma_wait3A_150 : memref<65536x128xf32, #tpu.memory_space<hbm>>) dst(%dma_wait3A_144 : memref<128x128xf32, #tpu.memory_space<vmem>>)
    %dma_wait3A_151 = arith.constant 3 : i32
    %dma_wait3A_152 = arith.constant 384 : i32
    %dma_wait3A_153 = arith.constant 0 : i32
    %dma_wait3A_154 = tpu.memref_slice %arg11[%dma_wait3A_152, %dma_wait3A_153] : memref<896x128xf32, #tpu.memory_space<vmem>> -> memref<128x128xf32, #tpu.memory_space<vmem>>
    %dma_wait3A_155 = arith.constant 0 : i32
    %dma_wait3A_156 = tpu.memref_slice %arg9[%dma_wait3A_151, %dma_wait3A_155] : memref<16x128xi32, #tpu.memory_space<vmem>> -> memref<1x128xi32, #tpu.memory_space<vmem>>
    %dma_wait3A_157 = tpu.memref_squeeze %dma_wait3A_156 : memref<1x128xi32, #tpu.memory_space<vmem>> -> memref<128xi32, #tpu.memory_space<vmem>>
    %dma_wait3A_158 = arith.constant 0 : i32
    %dma_wait3A_159 = arith.constant 0 : i32
    %dma_wait3A_160 = tpu.memref_slice %arg2[%dma_wait3A_158, %dma_wait3A_159] : memref<65536x128xf32, #tpu.memory_space<hbm>> -> memref<65536x128xf32, #tpu.memory_space<hbm>>
    tpu.wait_indirect_dma semaphore(%arg12 : memref<!tpu.dma_semaphore, #tpu.memory_space<semaphore_mem>>) src(%dma_wait3A_160 : memref<65536x128xf32, #tpu.memory_space<hbm>>) dst(%dma_wait3A_154 : memref<128x128xf32, #tpu.memory_space<vmem>>)
    %dma_wait3A_161 = arith.constant 4 : i32
    %dma_wait3A_162 = arith.constant 512 : i32
    %dma_wait3A_163 = arith.constant 0 : i32
    %dma_wait3A_164 = tpu.memref_slice %arg11[%dma_wait3A_162, %dma_wait3A_163] : memref<896x128xf32, #tpu.memory_space<vmem>> -> memref<128x128xf32, #tpu.memory_space<vmem>>
    %dma_wait3A_165 = arith.constant 0 : i32
    %dma_wait3A_166 = tpu.memref_slice %arg9[%dma_wait3A_161, %dma_wait3A_165] : memref<16x128xi32, #tpu.memory_space<vmem>> -> memref<1x128xi32, #tpu.memory_space<vmem>>
    %dma_wait3A_167 = tpu.memref_squeeze %dma_wait3A_166 : memref<1x128xi32, #tpu.memory_space<vmem>> -> memref<128xi32, #tpu.memory_space<vmem>>
    %dma_wait3A_168 = arith.constant 0 : i32
    %dma_wait3A_169 = arith.constant 0 : i32
    %dma_wait3A_170 = tpu.memref_slice %arg2[%dma_wait3A_168, %dma_wait3A_169] : memref<65536x128xf32, #tpu.memory_space<hbm>> -> memref<65536x128xf32, #tpu.memory_space<hbm>>
    tpu.wait_indirect_dma semaphore(%arg12 : memref<!tpu.dma_semaphore, #tpu.memory_space<semaphore_mem>>) src(%dma_wait3A_170 : memref<65536x128xf32, #tpu.memory_space<hbm>>) dst(%dma_wait3A_164 : memref<128x128xf32, #tpu.memory_space<vmem>>)
    %dma_wait3A_171 = arith.constant 5 : i32
    %dma_wait3A_172 = arith.constant 640 : i32
    %dma_wait3A_173 = arith.constant 0 : i32
    %dma_wait3A_174 = tpu.memref_slice %arg11[%dma_wait3A_172, %dma_wait3A_173] : memref<896x128xf32, #tpu.memory_space<vmem>> -> memref<128x128xf32, #tpu.memory_space<vmem>>
    %dma_wait3A_175 = arith.constant 0 : i32
    %dma_wait3A_176 = tpu.memref_slice %arg9[%dma_wait3A_171, %dma_wait3A_175] : memref<16x128xi32, #tpu.memory_space<vmem>> -> memref<1x128xi32, #tpu.memory_space<vmem>>
    %dma_wait3A_177 = tpu.memref_squeeze %dma_wait3A_176 : memref<1x128xi32, #tpu.memory_space<vmem>> -> memref<128xi32, #tpu.memory_space<vmem>>
    %dma_wait3A_178 = arith.constant 0 : i32
    %dma_wait3A_179 = arith.constant 0 : i32
    %dma_wait3A_180 = tpu.memref_slice %arg2[%dma_wait3A_178, %dma_wait3A_179] : memref<65536x128xf32, #tpu.memory_space<hbm>> -> memref<65536x128xf32, #tpu.memory_space<hbm>>
    tpu.wait_indirect_dma semaphore(%arg12 : memref<!tpu.dma_semaphore, #tpu.memory_space<semaphore_mem>>) src(%dma_wait3A_180 : memref<65536x128xf32, #tpu.memory_space<hbm>>) dst(%dma_wait3A_174 : memref<128x128xf32, #tpu.memory_space<vmem>>)
    %dma_start3A_181 = arith.constant 0 : i32
    %dma_start3A_182 = arith.constant 0 : i32
    %dma_start3A_183 = arith.constant 0 : i32
    %dma_start3A_184 = tpu.memref_slice %arg11[%dma_start3A_182, %dma_start3A_183] : memref<896x128xf32, #tpu.memory_space<vmem>> -> memref<128x128xf32, #tpu.memory_space<vmem>>
    %dma_start3A_185 = arith.constant 0 : i32
    %dma_start3A_186 = tpu.memref_slice %arg8[%dma_start3A_181, %dma_start3A_185] : memref<16x128xi32, #tpu.memory_space<vmem>> -> memref<1x128xi32, #tpu.memory_space<vmem>>
    %dma_start3A_187 = tpu.memref_squeeze %dma_start3A_186 : memref<1x128xi32, #tpu.memory_space<vmem>> -> memref<128xi32, #tpu.memory_space<vmem>>
    %dma_start3A_188 = arith.constant 0 : i32
    %dma_start3A_189 = arith.constant 0 : i32
    %dma_start3A_190 = tpu.memref_slice %arg7[%dma_start3A_188, %dma_start3A_189] : memref<121104x128xf32, #tpu.memory_space<hbm>> -> memref<121104x128xf32, #tpu.memory_space<hbm>>
    tpu.enqueue_indirect_dma source(%dma_start3A_184 : memref<128x128xf32, #tpu.memory_space<vmem>>) target(%dma_start3A_190 : memref<121104x128xf32, #tpu.memory_space<hbm>>) offsets(%dma_start3A_187 : memref<128xi32, #tpu.memory_space<vmem>>) semaphore(%arg13 : memref<!tpu.dma_semaphore, #tpu.memory_space<semaphore_mem>>)
    %dma_start3A_191 = arith.constant 1 : i32
    %dma_start3A_192 = arith.constant 128 : i32
    %dma_start3A_193 = arith.constant 0 : i32
    %dma_start3A_194 = tpu.memref_slice %arg11[%dma_start3A_192, %dma_start3A_193] : memref<896x128xf32, #tpu.memory_space<vmem>> -> memref<128x128xf32, #tpu.memory_space<vmem>>
    %dma_start3A_195 = arith.constant 0 : i32
    %dma_start3A_196 = tpu.memref_slice %arg8[%dma_start3A_191, %dma_start3A_195] : memref<16x128xi32, #tpu.memory_space<vmem>> -> memref<1x128xi32, #tpu.memory_space<vmem>>
    %dma_start3A_197 = tpu.memref_squeeze %dma_start3A_196 : memref<1x128xi32, #tpu.memory_space<vmem>> -> memref<128xi32, #tpu.memory_space<vmem>>
    %dma_start3A_198 = arith.constant 0 : i32
    %dma_start3A_199 = arith.constant 0 : i32
    %dma_start3A_200 = tpu.memref_slice %arg7[%dma_start3A_198, %dma_start3A_199] : memref<121104x128xf32, #tpu.memory_space<hbm>> -> memref<121104x128xf32, #tpu.memory_space<hbm>>
    tpu.enqueue_indirect_dma source(%dma_start3A_194 : memref<128x128xf32, #tpu.memory_space<vmem>>) target(%dma_start3A_200 : memref<121104x128xf32, #tpu.memory_space<hbm>>) offsets(%dma_start3A_197 : memref<128xi32, #tpu.memory_space<vmem>>) semaphore(%arg13 : memref<!tpu.dma_semaphore, #tpu.memory_space<semaphore_mem>>)
    %dma_start3A_201 = arith.constant 2 : i32
    %dma_start3A_202 = arith.constant 256 : i32
    %dma_start3A_203 = arith.constant 0 : i32
    %dma_start3A_204 = tpu.memref_slice %arg11[%dma_start3A_202, %dma_start3A_203] : memref<896x128xf32, #tpu.memory_space<vmem>> -> memref<128x128xf32, #tpu.memory_space<vmem>>
    %dma_start3A_205 = arith.constant 0 : i32
    %dma_start3A_206 = tpu.memref_slice %arg8[%dma_start3A_201, %dma_start3A_205] : memref<16x128xi32, #tpu.memory_space<vmem>> -> memref<1x128xi32, #tpu.memory_space<vmem>>
    %dma_start3A_207 = tpu.memref_squeeze %dma_start3A_206 : memref<1x128xi32, #tpu.memory_space<vmem>> -> memref<128xi32, #tpu.memory_space<vmem>>
    %dma_start3A_208 = arith.constant 0 : i32
    %dma_start3A_209 = arith.constant 0 : i32
    %dma_start3A_210 = tpu.memref_slice %arg7[%dma_start3A_208, %dma_start3A_209] : memref<121104x128xf32, #tpu.memory_space<hbm>> -> memref<121104x128xf32, #tpu.memory_space<hbm>>
    tpu.enqueue_indirect_dma source(%dma_start3A_204 : memref<128x128xf32, #tpu.memory_space<vmem>>) target(%dma_start3A_210 : memref<121104x128xf32, #tpu.memory_space<hbm>>) offsets(%dma_start3A_207 : memref<128xi32, #tpu.memory_space<vmem>>) semaphore(%arg13 : memref<!tpu.dma_semaphore, #tpu.memory_space<semaphore_mem>>)
    %dma_start3A_211 = arith.constant 3 : i32
    %dma_start3A_212 = arith.constant 384 : i32
    %dma_start3A_213 = arith.constant 0 : i32
    %dma_start3A_214 = tpu.memref_slice %arg11[%dma_start3A_212, %dma_start3A_213] : memref<896x128xf32, #tpu.memory_space<vmem>> -> memref<128x128xf32, #tpu.memory_space<vmem>>
    %dma_start3A_215 = arith.constant 0 : i32
    %dma_start3A_216 = tpu.memref_slice %arg8[%dma_start3A_211, %dma_start3A_215] : memref<16x128xi32, #tpu.memory_space<vmem>> -> memref<1x128xi32, #tpu.memory_space<vmem>>
    %dma_start3A_217 = tpu.memref_squeeze %dma_start3A_216 : memref<1x128xi32, #tpu.memory_space<vmem>> -> memref<128xi32, #tpu.memory_space<vmem>>
    %dma_start3A_218 = arith.constant 0 : i32
    %dma_start3A_219 = arith.constant 0 : i32
    %dma_start3A_220 = tpu.memref_slice %arg7[%dma_start3A_218, %dma_start3A_219] : memref<121104x128xf32, #tpu.memory_space<hbm>> -> memref<121104x128xf32, #tpu.memory_space<hbm>>
    tpu.enqueue_indirect_dma source(%dma_start3A_214 : memref<128x128xf32, #tpu.memory_space<vmem>>) target(%dma_start3A_220 : memref<121104x128xf32, #tpu.memory_space<hbm>>) offsets(%dma_start3A_217 : memref<128xi32, #tpu.memory_space<vmem>>) semaphore(%arg13 : memref<!tpu.dma_semaphore, #tpu.memory_space<semaphore_mem>>)
    %dma_start3A_221 = arith.constant 4 : i32
    %dma_start3A_222 = arith.constant 512 : i32
    %dma_start3A_223 = arith.constant 0 : i32
    %dma_start3A_224 = tpu.memref_slice %arg11[%dma_start3A_222, %dma_start3A_223] : memref<896x128xf32, #tpu.memory_space<vmem>> -> memref<128x128xf32, #tpu.memory_space<vmem>>
    %dma_start3A_225 = arith.constant 0 : i32
    %dma_start3A_226 = tpu.memref_slice %arg8[%dma_start3A_221, %dma_start3A_225] : memref<16x128xi32, #tpu.memory_space<vmem>> -> memref<1x128xi32, #tpu.memory_space<vmem>>
    %dma_start3A_227 = tpu.memref_squeeze %dma_start3A_226 : memref<1x128xi32, #tpu.memory_space<vmem>> -> memref<128xi32, #tpu.memory_space<vmem>>
    %dma_start3A_228 = arith.constant 0 : i32
    %dma_start3A_229 = arith.constant 0 : i32
    %dma_start3A_230 = tpu.memref_slice %arg7[%dma_start3A_228, %dma_start3A_229] : memref<121104x128xf32, #tpu.memory_space<hbm>> -> memref<121104x128xf32, #tpu.memory_space<hbm>>
    tpu.enqueue_indirect_dma source(%dma_start3A_224 : memref<128x128xf32, #tpu.memory_space<vmem>>) target(%dma_start3A_230 : memref<121104x128xf32, #tpu.memory_space<hbm>>) offsets(%dma_start3A_227 : memref<128xi32, #tpu.memory_space<vmem>>) semaphore(%arg13 : memref<!tpu.dma_semaphore, #tpu.memory_space<semaphore_mem>>)
    %dma_start3A_231 = arith.constant 5 : i32
    %dma_start3A_232 = arith.constant 640 : i32
    %dma_start3A_233 = arith.constant 0 : i32
    %dma_start3A_234 = tpu.memref_slice %arg11[%dma_start3A_232, %dma_start3A_233] : memref<896x128xf32, #tpu.memory_space<vmem>> -> memref<128x128xf32, #tpu.memory_space<vmem>>
    %dma_start3A_235 = arith.constant 0 : i32
    %dma_start3A_236 = tpu.memref_slice %arg8[%dma_start3A_231, %dma_start3A_235] : memref<16x128xi32, #tpu.memory_space<vmem>> -> memref<1x128xi32, #tpu.memory_space<vmem>>
    %dma_start3A_237 = tpu.memref_squeeze %dma_start3A_236 : memref<1x128xi32, #tpu.memory_space<vmem>> -> memref<128xi32, #tpu.memory_space<vmem>>
    %dma_start3A_238 = arith.constant 0 : i32
    %dma_start3A_239 = arith.constant 0 : i32
    %dma_start3A_240 = tpu.memref_slice %arg7[%dma_start3A_238, %dma_start3A_239] : memref<121104x128xf32, #tpu.memory_space<hbm>> -> memref<121104x128xf32, #tpu.memory_space<hbm>>
    tpu.enqueue_indirect_dma source(%dma_start3A_234 : memref<128x128xf32, #tpu.memory_space<vmem>>) target(%dma_start3A_240 : memref<121104x128xf32, #tpu.memory_space<hbm>>) offsets(%dma_start3A_237 : memref<128xi32, #tpu.memory_space<vmem>>) semaphore(%arg13 : memref<!tpu.dma_semaphore, #tpu.memory_space<semaphore_mem>>)
    %dma_start3A_241 = arith.constant 0 : i32
    %dma_start3A_242 = arith.constant 768 : i32
    %dma_start3A_243 = arith.constant 0 : i32
    %dma_start3A_244 = tpu.memref_slice %arg11[%dma_start3A_242, %dma_start3A_243] : memref<896x128xf32, #tpu.memory_space<vmem>> -> memref<128x128xf32, #tpu.memory_space<vmem>>
    %dma_start3A_245 = arith.constant 0 : i32
    %dma_start3A_246 = tpu.memref_slice %arg10[%dma_start3A_241, %dma_start3A_245] : memref<14x128xi32, #tpu.memory_space<vmem>> -> memref<1x128xi32, #tpu.memory_space<vmem>>
    %dma_start3A_247 = tpu.memref_squeeze %dma_start3A_246 : memref<1x128xi32, #tpu.memory_space<vmem>> -> memref<128xi32, #tpu.memory_space<vmem>>
    %dma_start3A_248 = arith.constant 0 : i32
    %dma_start3A_249 = arith.constant 0 : i32
    %dma_start3A_250 = tpu.memref_slice %arg7[%dma_start3A_248, %dma_start3A_249] : memref<121104x128xf32, #tpu.memory_space<hbm>> -> memref<121104x128xf32, #tpu.memory_space<hbm>>
    tpu.enqueue_indirect_dma source(%dma_start3A_244 : memref<128x128xf32, #tpu.memory_space<vmem>>) target(%dma_start3A_250 : memref<121104x128xf32, #tpu.memory_space<hbm>>) offsets(%dma_start3A_247 : memref<128xi32, #tpu.memory_space<vmem>>) semaphore(%arg13 : memref<!tpu.dma_semaphore, #tpu.memory_space<semaphore_mem>>)
    %dma_start3A_251 = arith.constant 1 : i32
    %dma_start3A_252 = arith.constant 768 : i32
    %dma_start3A_253 = arith.constant 0 : i32
    %dma_start3A_254 = tpu.memref_slice %arg11[%dma_start3A_252, %dma_start3A_253] : memref<896x128xf32, #tpu.memory_space<vmem>> -> memref<128x128xf32, #tpu.memory_space<vmem>>
    %dma_start3A_255 = arith.constant 0 : i32
    %dma_start3A_256 = tpu.memref_slice %arg10[%dma_start3A_251, %dma_start3A_255] : memref<14x128xi32, #tpu.memory_space<vmem>> -> memref<1x128xi32, #tpu.memory_space<vmem>>
    %dma_start3A_257 = tpu.memref_squeeze %dma_start3A_256 : memref<1x128xi32, #tpu.memory_space<vmem>> -> memref<128xi32, #tpu.memory_space<vmem>>
    %dma_start3A_258 = arith.constant 0 : i32
    %dma_start3A_259 = arith.constant 0 : i32
    %dma_start3A_260 = tpu.memref_slice %arg7[%dma_start3A_258, %dma_start3A_259] : memref<121104x128xf32, #tpu.memory_space<hbm>> -> memref<121104x128xf32, #tpu.memory_space<hbm>>
    tpu.enqueue_indirect_dma source(%dma_start3A_254 : memref<128x128xf32, #tpu.memory_space<vmem>>) target(%dma_start3A_260 : memref<121104x128xf32, #tpu.memory_space<hbm>>) offsets(%dma_start3A_257 : memref<128xi32, #tpu.memory_space<vmem>>) semaphore(%arg13 : memref<!tpu.dma_semaphore, #tpu.memory_space<semaphore_mem>>)
    %dma_start3A_261 = arith.constant 2 : i32
    %dma_start3A_262 = arith.constant 768 : i32
    %dma_start3A_263 = arith.constant 0 : i32
    %dma_start3A_264 = tpu.memref_slice %arg11[%dma_start3A_262, %dma_start3A_263] : memref<896x128xf32, #tpu.memory_space<vmem>> -> memref<128x128xf32, #tpu.memory_space<vmem>>
    %dma_start3A_265 = arith.constant 0 : i32
    %dma_start3A_266 = tpu.memref_slice %arg10[%dma_start3A_261, %dma_start3A_265] : memref<14x128xi32, #tpu.memory_space<vmem>> -> memref<1x128xi32, #tpu.memory_space<vmem>>
    %dma_start3A_267 = tpu.memref_squeeze %dma_start3A_266 : memref<1x128xi32, #tpu.memory_space<vmem>> -> memref<128xi32, #tpu.memory_space<vmem>>
    %dma_start3A_268 = arith.constant 0 : i32
    %dma_start3A_269 = arith.constant 0 : i32
    %dma_start3A_270 = tpu.memref_slice %arg7[%dma_start3A_268, %dma_start3A_269] : memref<121104x128xf32, #tpu.memory_space<hbm>> -> memref<121104x128xf32, #tpu.memory_space<hbm>>
    tpu.enqueue_indirect_dma source(%dma_start3A_264 : memref<128x128xf32, #tpu.memory_space<vmem>>) target(%dma_start3A_270 : memref<121104x128xf32, #tpu.memory_space<hbm>>) offsets(%dma_start3A_267 : memref<128xi32, #tpu.memory_space<vmem>>) semaphore(%arg13 : memref<!tpu.dma_semaphore, #tpu.memory_space<semaphore_mem>>)
    %dma_start3A_271 = arith.constant 3 : i32
    %dma_start3A_272 = arith.constant 768 : i32
    %dma_start3A_273 = arith.constant 0 : i32
    %dma_start3A_274 = tpu.memref_slice %arg11[%dma_start3A_272, %dma_start3A_273] : memref<896x128xf32, #tpu.memory_space<vmem>> -> memref<128x128xf32, #tpu.memory_space<vmem>>
    %dma_start3A_275 = arith.constant 0 : i32
    %dma_start3A_276 = tpu.memref_slice %arg10[%dma_start3A_271, %dma_start3A_275] : memref<14x128xi32, #tpu.memory_space<vmem>> -> memref<1x128xi32, #tpu.memory_space<vmem>>
    %dma_start3A_277 = tpu.memref_squeeze %dma_start3A_276 : memref<1x128xi32, #tpu.memory_space<vmem>> -> memref<128xi32, #tpu.memory_space<vmem>>
    %dma_start3A_278 = arith.constant 0 : i32
    %dma_start3A_279 = arith.constant 0 : i32
    %dma_start3A_280 = tpu.memref_slice %arg7[%dma_start3A_278, %dma_start3A_279] : memref<121104x128xf32, #tpu.memory_space<hbm>> -> memref<121104x128xf32, #tpu.memory_space<hbm>>
    tpu.enqueue_indirect_dma source(%dma_start3A_274 : memref<128x128xf32, #tpu.memory_space<vmem>>) target(%dma_start3A_280 : memref<121104x128xf32, #tpu.memory_space<hbm>>) offsets(%dma_start3A_277 : memref<128xi32, #tpu.memory_space<vmem>>) semaphore(%arg13 : memref<!tpu.dma_semaphore, #tpu.memory_space<semaphore_mem>>)
    %dma_start3A_281 = arith.constant 4 : i32
    %dma_start3A_282 = arith.constant 768 : i32
    %dma_start3A_283 = arith.constant 0 : i32
    %dma_start3A_284 = tpu.memref_slice %arg11[%dma_start3A_282, %dma_start3A_283] : memref<896x128xf32, #tpu.memory_space<vmem>> -> memref<128x128xf32, #tpu.memory_space<vmem>>
    %dma_start3A_285 = arith.constant 0 : i32
    %dma_start3A_286 = tpu.memref_slice %arg10[%dma_start3A_281, %dma_start3A_285] : memref<14x128xi32, #tpu.memory_space<vmem>> -> memref<1x128xi32, #tpu.memory_space<vmem>>
    %dma_start3A_287 = tpu.memref_squeeze %dma_start3A_286 : memref<1x128xi32, #tpu.memory_space<vmem>> -> memref<128xi32, #tpu.memory_space<vmem>>
    %dma_start3A_288 = arith.constant 0 : i32
    %dma_start3A_289 = arith.constant 0 : i32
    %dma_start3A_290 = tpu.memref_slice %arg7[%dma_start3A_288, %dma_start3A_289] : memref<121104x128xf32, #tpu.memory_space<hbm>> -> memref<121104x128xf32, #tpu.memory_space<hbm>>
    tpu.enqueue_indirect_dma source(%dma_start3A_284 : memref<128x128xf32, #tpu.memory_space<vmem>>) target(%dma_start3A_290 : memref<121104x128xf32, #tpu.memory_space<hbm>>) offsets(%dma_start3A_287 : memref<128xi32, #tpu.memory_space<vmem>>) semaphore(%arg13 : memref<!tpu.dma_semaphore, #tpu.memory_space<semaphore_mem>>)
    %dma_start3A_291 = arith.constant 5 : i32
    %dma_start3A_292 = arith.constant 768 : i32
    %dma_start3A_293 = arith.constant 0 : i32
    %dma_start3A_294 = tpu.memref_slice %arg11[%dma_start3A_292, %dma_start3A_293] : memref<896x128xf32, #tpu.memory_space<vmem>> -> memref<128x128xf32, #tpu.memory_space<vmem>>
    %dma_start3A_295 = arith.constant 0 : i32
    %dma_start3A_296 = tpu.memref_slice %arg10[%dma_start3A_291, %dma_start3A_295] : memref<14x128xi32, #tpu.memory_space<vmem>> -> memref<1x128xi32, #tpu.memory_space<vmem>>
    %dma_start3A_297 = tpu.memref_squeeze %dma_start3A_296 : memref<1x128xi32, #tpu.memory_space<vmem>> -> memref<128xi32, #tpu.memory_space<vmem>>
    %dma_start3A_298 = arith.constant 0 : i32
    %dma_start3A_299 = arith.constant 0 : i32
    %dma_start3A_300 = tpu.memref_slice %arg7[%dma_start3A_298, %dma_start3A_299] : memref<121104x128xf32, #tpu.memory_space<hbm>> -> memref<121104x128xf32, #tpu.memory_space<hbm>>
    tpu.enqueue_indirect_dma source(%dma_start3A_294 : memref<128x128xf32, #tpu.memory_space<vmem>>) target(%dma_start3A_300 : memref<121104x128xf32, #tpu.memory_space<hbm>>) offsets(%dma_start3A_297 : memref<128xi32, #tpu.memory_space<vmem>>) semaphore(%arg13 : memref<!tpu.dma_semaphore, #tpu.memory_space<semaphore_mem>>)
    %dma_start3A_301 = arith.constant 6 : i32
    %dma_start3A_302 = arith.constant 768 : i32
    %dma_start3A_303 = arith.constant 0 : i32
    %dma_start3A_304 = tpu.memref_slice %arg11[%dma_start3A_302, %dma_start3A_303] : memref<896x128xf32, #tpu.memory_space<vmem>> -> memref<128x128xf32, #tpu.memory_space<vmem>>
    %dma_start3A_305 = arith.constant 0 : i32
    %dma_start3A_306 = tpu.memref_slice %arg10[%dma_start3A_301, %dma_start3A_305] : memref<14x128xi32, #tpu.memory_space<vmem>> -> memref<1x128xi32, #tpu.memory_space<vmem>>
    %dma_start3A_307 = tpu.memref_squeeze %dma_start3A_306 : memref<1x128xi32, #tpu.memory_space<vmem>> -> memref<128xi32, #tpu.memory_space<vmem>>
    %dma_start3A_308 = arith.constant 0 : i32
    %dma_start3A_309 = arith.constant 0 : i32
    %dma_start3A_310 = tpu.memref_slice %arg7[%dma_start3A_308, %dma_start3A_309] : memref<121104x128xf32, #tpu.memory_space<hbm>> -> memref<121104x128xf32, #tpu.memory_space<hbm>>
    tpu.enqueue_indirect_dma source(%dma_start3A_304 : memref<128x128xf32, #tpu.memory_space<vmem>>) target(%dma_start3A_310 : memref<121104x128xf32, #tpu.memory_space<hbm>>) offsets(%dma_start3A_307 : memref<128xi32, #tpu.memory_space<vmem>>) semaphore(%arg13 : memref<!tpu.dma_semaphore, #tpu.memory_space<semaphore_mem>>)
    %dma_start3A_311 = arith.constant 7 : i32
    %dma_start3A_312 = arith.constant 768 : i32
    %dma_start3A_313 = arith.constant 0 : i32
    %dma_start3A_314 = tpu.memref_slice %arg11[%dma_start3A_312, %dma_start3A_313] : memref<896x128xf32, #tpu.memory_space<vmem>> -> memref<128x128xf32, #tpu.memory_space<vmem>>
    %dma_start3A_315 = arith.constant 0 : i32
    %dma_start3A_316 = tpu.memref_slice %arg10[%dma_start3A_311, %dma_start3A_315] : memref<14x128xi32, #tpu.memory_space<vmem>> -> memref<1x128xi32, #tpu.memory_space<vmem>>
    %dma_start3A_317 = tpu.memref_squeeze %dma_start3A_316 : memref<1x128xi32, #tpu.memory_space<vmem>> -> memref<128xi32, #tpu.memory_space<vmem>>
    %dma_start3A_318 = arith.constant 0 : i32
    %dma_start3A_319 = arith.constant 0 : i32
    %dma_start3A_320 = tpu.memref_slice %arg7[%dma_start3A_318, %dma_start3A_319] : memref<121104x128xf32, #tpu.memory_space<hbm>> -> memref<121104x128xf32, #tpu.memory_space<hbm>>
    tpu.enqueue_indirect_dma source(%dma_start3A_314 : memref<128x128xf32, #tpu.memory_space<vmem>>) target(%dma_start3A_320 : memref<121104x128xf32, #tpu.memory_space<hbm>>) offsets(%dma_start3A_317 : memref<128xi32, #tpu.memory_space<vmem>>) semaphore(%arg13 : memref<!tpu.dma_semaphore, #tpu.memory_space<semaphore_mem>>)
    %dma_start3A_321 = arith.constant 8 : i32
    %dma_start3A_322 = arith.constant 768 : i32
    %dma_start3A_323 = arith.constant 0 : i32
    %dma_start3A_324 = tpu.memref_slice %arg11[%dma_start3A_322, %dma_start3A_323] : memref<896x128xf32, #tpu.memory_space<vmem>> -> memref<128x128xf32, #tpu.memory_space<vmem>>
    %dma_start3A_325 = arith.constant 0 : i32
    %dma_start3A_326 = tpu.memref_slice %arg10[%dma_start3A_321, %dma_start3A_325] : memref<14x128xi32, #tpu.memory_space<vmem>> -> memref<1x128xi32, #tpu.memory_space<vmem>>
    %dma_start3A_327 = tpu.memref_squeeze %dma_start3A_326 : memref<1x128xi32, #tpu.memory_space<vmem>> -> memref<128xi32, #tpu.memory_space<vmem>>
    %dma_start3A_328 = arith.constant 0 : i32
    %dma_start3A_329 = arith.constant 0 : i32
    %dma_start3A_330 = tpu.memref_slice %arg7[%dma_start3A_328, %dma_start3A_329] : memref<121104x128xf32, #tpu.memory_space<hbm>> -> memref<121104x128xf32, #tpu.memory_space<hbm>>
    tpu.enqueue_indirect_dma source(%dma_start3A_324 : memref<128x128xf32, #tpu.memory_space<vmem>>) target(%dma_start3A_330 : memref<121104x128xf32, #tpu.memory_space<hbm>>) offsets(%dma_start3A_327 : memref<128xi32, #tpu.memory_space<vmem>>) semaphore(%arg13 : memref<!tpu.dma_semaphore, #tpu.memory_space<semaphore_mem>>)
    %dma_start3A_331 = arith.constant 9 : i32
    %dma_start3A_332 = arith.constant 768 : i32
    %dma_start3A_333 = arith.constant 0 : i32
    %dma_start3A_334 = tpu.memref_slice %arg11[%dma_start3A_332, %dma_start3A_333] : memref<896x128xf32, #tpu.memory_space<vmem>> -> memref<128x128xf32, #tpu.memory_space<vmem>>
    %dma_start3A_335 = arith.constant 0 : i32
    %dma_start3A_336 = tpu.memref_slice %arg10[%dma_start3A_331, %dma_start3A_335] : memref<14x128xi32, #tpu.memory_space<vmem>> -> memref<1x128xi32, #tpu.memory_space<vmem>>
    %dma_start3A_337 = tpu.memref_squeeze %dma_start3A_336 : memref<1x128xi32, #tpu.memory_space<vmem>> -> memref<128xi32, #tpu.memory_space<vmem>>
    %dma_start3A_338 = arith.constant 0 : i32
    %dma_start3A_339 = arith.constant 0 : i32
    %dma_start3A_340 = tpu.memref_slice %arg7[%dma_start3A_338, %dma_start3A_339] : memref<121104x128xf32, #tpu.memory_space<hbm>> -> memref<121104x128xf32, #tpu.memory_space<hbm>>
    tpu.enqueue_indirect_dma source(%dma_start3A_334 : memref<128x128xf32, #tpu.memory_space<vmem>>) target(%dma_start3A_340 : memref<121104x128xf32, #tpu.memory_space<hbm>>) offsets(%dma_start3A_337 : memref<128xi32, #tpu.memory_space<vmem>>) semaphore(%arg13 : memref<!tpu.dma_semaphore, #tpu.memory_space<semaphore_mem>>)
    %dma_start3A_341 = arith.constant 10 : i32
    %dma_start3A_342 = arith.constant 768 : i32
    %dma_start3A_343 = arith.constant 0 : i32
    %dma_start3A_344 = tpu.memref_slice %arg11[%dma_start3A_342, %dma_start3A_343] : memref<896x128xf32, #tpu.memory_space<vmem>> -> memref<128x128xf32, #tpu.memory_space<vmem>>
    %dma_start3A_345 = arith.constant 0 : i32
    %dma_start3A_346 = tpu.memref_slice %arg10[%dma_start3A_341, %dma_start3A_345] : memref<14x128xi32, #tpu.memory_space<vmem>> -> memref<1x128xi32, #tpu.memory_space<vmem>>
    %dma_start3A_347 = tpu.memref_squeeze %dma_start3A_346 : memref<1x128xi32, #tpu.memory_space<vmem>> -> memref<128xi32, #tpu.memory_space<vmem>>
    %dma_start3A_348 = arith.constant 0 : i32
    %dma_start3A_349 = arith.constant 0 : i32
    %dma_start3A_350 = tpu.memref_slice %arg7[%dma_start3A_348, %dma_start3A_349] : memref<121104x128xf32, #tpu.memory_space<hbm>> -> memref<121104x128xf32, #tpu.memory_space<hbm>>
    tpu.enqueue_indirect_dma source(%dma_start3A_344 : memref<128x128xf32, #tpu.memory_space<vmem>>) target(%dma_start3A_350 : memref<121104x128xf32, #tpu.memory_space<hbm>>) offsets(%dma_start3A_347 : memref<128xi32, #tpu.memory_space<vmem>>) semaphore(%arg13 : memref<!tpu.dma_semaphore, #tpu.memory_space<semaphore_mem>>)
    %dma_start3A_351 = arith.constant 11 : i32
    %dma_start3A_352 = arith.constant 768 : i32
    %dma_start3A_353 = arith.constant 0 : i32
    %dma_start3A_354 = tpu.memref_slice %arg11[%dma_start3A_352, %dma_start3A_353] : memref<896x128xf32, #tpu.memory_space<vmem>> -> memref<128x128xf32, #tpu.memory_space<vmem>>
    %dma_start3A_355 = arith.constant 0 : i32
    %dma_start3A_356 = tpu.memref_slice %arg10[%dma_start3A_351, %dma_start3A_355] : memref<14x128xi32, #tpu.memory_space<vmem>> -> memref<1x128xi32, #tpu.memory_space<vmem>>
    %dma_start3A_357 = tpu.memref_squeeze %dma_start3A_356 : memref<1x128xi32, #tpu.memory_space<vmem>> -> memref<128xi32, #tpu.memory_space<vmem>>
    %dma_start3A_358 = arith.constant 0 : i32
    %dma_start3A_359 = arith.constant 0 : i32
    %dma_start3A_360 = tpu.memref_slice %arg7[%dma_start3A_358, %dma_start3A_359] : memref<121104x128xf32, #tpu.memory_space<hbm>> -> memref<121104x128xf32, #tpu.memory_space<hbm>>
    tpu.enqueue_indirect_dma source(%dma_start3A_354 : memref<128x128xf32, #tpu.memory_space<vmem>>) target(%dma_start3A_360 : memref<121104x128xf32, #tpu.memory_space<hbm>>) offsets(%dma_start3A_357 : memref<128xi32, #tpu.memory_space<vmem>>) semaphore(%arg13 : memref<!tpu.dma_semaphore, #tpu.memory_space<semaphore_mem>>)
    %dma_start3A_361 = arith.constant 12 : i32
    %dma_start3A_362 = arith.constant 768 : i32
    %dma_start3A_363 = arith.constant 0 : i32
    %dma_start3A_364 = tpu.memref_slice %arg11[%dma_start3A_362, %dma_start3A_363] : memref<896x128xf32, #tpu.memory_space<vmem>> -> memref<128x128xf32, #tpu.memory_space<vmem>>
    %dma_start3A_365 = arith.constant 0 : i32
    %dma_start3A_366 = tpu.memref_slice %arg10[%dma_start3A_361, %dma_start3A_365] : memref<14x128xi32, #tpu.memory_space<vmem>> -> memref<1x128xi32, #tpu.memory_space<vmem>>
    %dma_start3A_367 = tpu.memref_squeeze %dma_start3A_366 : memref<1x128xi32, #tpu.memory_space<vmem>> -> memref<128xi32, #tpu.memory_space<vmem>>
    %dma_start3A_368 = arith.constant 0 : i32
    %dma_start3A_369 = arith.constant 0 : i32
    %dma_start3A_370 = tpu.memref_slice %arg7[%dma_start3A_368, %dma_start3A_369] : memref<121104x128xf32, #tpu.memory_space<hbm>> -> memref<121104x128xf32, #tpu.memory_space<hbm>>
    tpu.enqueue_indirect_dma source(%dma_start3A_364 : memref<128x128xf32, #tpu.memory_space<vmem>>) target(%dma_start3A_370 : memref<121104x128xf32, #tpu.memory_space<hbm>>) offsets(%dma_start3A_367 : memref<128xi32, #tpu.memory_space<vmem>>) semaphore(%arg13 : memref<!tpu.dma_semaphore, #tpu.memory_space<semaphore_mem>>)
    %dma_start3A_371 = arith.constant 13 : i32
    %dma_start3A_372 = arith.constant 768 : i32
    %dma_start3A_373 = arith.constant 0 : i32
    %dma_start3A_374 = tpu.memref_slice %arg11[%dma_start3A_372, %dma_start3A_373] : memref<896x128xf32, #tpu.memory_space<vmem>> -> memref<128x128xf32, #tpu.memory_space<vmem>>
    %dma_start3A_375 = arith.constant 0 : i32
    %dma_start3A_376 = tpu.memref_slice %arg10[%dma_start3A_371, %dma_start3A_375] : memref<14x128xi32, #tpu.memory_space<vmem>> -> memref<1x128xi32, #tpu.memory_space<vmem>>
    %dma_start3A_377 = tpu.memref_squeeze %dma_start3A_376 : memref<1x128xi32, #tpu.memory_space<vmem>> -> memref<128xi32, #tpu.memory_space<vmem>>
    %dma_start3A_378 = arith.constant 0 : i32
    %dma_start3A_379 = arith.constant 0 : i32
    %dma_start3A_380 = tpu.memref_slice %arg7[%dma_start3A_378, %dma_start3A_379] : memref<121104x128xf32, #tpu.memory_space<hbm>> -> memref<121104x128xf32, #tpu.memory_space<hbm>>
    tpu.enqueue_indirect_dma source(%dma_start3A_374 : memref<128x128xf32, #tpu.memory_space<vmem>>) target(%dma_start3A_380 : memref<121104x128xf32, #tpu.memory_space<hbm>>) offsets(%dma_start3A_377 : memref<128xi32, #tpu.memory_space<vmem>>) semaphore(%arg13 : memref<!tpu.dma_semaphore, #tpu.memory_space<semaphore_mem>>)
    %dma_wait3A_381 = arith.constant 0 : i32
    %dma_wait3A_382 = arith.constant 0 : i32
    %dma_wait3A_383 = arith.constant 0 : i32
    %dma_wait3A_384 = tpu.memref_slice %arg11[%dma_wait3A_382, %dma_wait3A_383] : memref<896x128xf32, #tpu.memory_space<vmem>> -> memref<128x128xf32, #tpu.memory_space<vmem>>
    %dma_wait3A_385 = arith.constant 0 : i32
    %dma_wait3A_386 = tpu.memref_slice %arg8[%dma_wait3A_381, %dma_wait3A_385] : memref<16x128xi32, #tpu.memory_space<vmem>> -> memref<1x128xi32, #tpu.memory_space<vmem>>
    %dma_wait3A_387 = tpu.memref_squeeze %dma_wait3A_386 : memref<1x128xi32, #tpu.memory_space<vmem>> -> memref<128xi32, #tpu.memory_space<vmem>>
    %dma_wait3A_388 = arith.constant 0 : i32
    %dma_wait3A_389 = arith.constant 0 : i32
    %dma_wait3A_390 = tpu.memref_slice %arg7[%dma_wait3A_388, %dma_wait3A_389] : memref<121104x128xf32, #tpu.memory_space<hbm>> -> memref<121104x128xf32, #tpu.memory_space<hbm>>
    tpu.wait_indirect_dma semaphore(%arg13 : memref<!tpu.dma_semaphore, #tpu.memory_space<semaphore_mem>>) src(%dma_wait3A_384 : memref<128x128xf32, #tpu.memory_space<vmem>>) dst(%dma_wait3A_390 : memref<121104x128xf32, #tpu.memory_space<hbm>>)
    %dma_wait3A_391 = arith.constant 1 : i32
    %dma_wait3A_392 = arith.constant 128 : i32
    %dma_wait3A_393 = arith.constant 0 : i32
    %dma_wait3A_394 = tpu.memref_slice %arg11[%dma_wait3A_392, %dma_wait3A_393] : memref<896x128xf32, #tpu.memory_space<vmem>> -> memref<128x128xf32, #tpu.memory_space<vmem>>
    %dma_wait3A_395 = arith.constant 0 : i32
    %dma_wait3A_396 = tpu.memref_slice %arg8[%dma_wait3A_391, %dma_wait3A_395] : memref<16x128xi32, #tpu.memory_space<vmem>> -> memref<1x128xi32, #tpu.memory_space<vmem>>
    %dma_wait3A_397 = tpu.memref_squeeze %dma_wait3A_396 : memref<1x128xi32, #tpu.memory_space<vmem>> -> memref<128xi32, #tpu.memory_space<vmem>>
    %dma_wait3A_398 = arith.constant 0 : i32
    %dma_wait3A_399 = arith.constant 0 : i32
    %dma_wait3A_400 = tpu.memref_slice %arg7[%dma_wait3A_398, %dma_wait3A_399] : memref<121104x128xf32, #tpu.memory_space<hbm>> -> memref<121104x128xf32, #tpu.memory_space<hbm>>
    tpu.wait_indirect_dma semaphore(%arg13 : memref<!tpu.dma_semaphore, #tpu.memory_space<semaphore_mem>>) src(%dma_wait3A_394 : memref<128x128xf32, #tpu.memory_space<vmem>>) dst(%dma_wait3A_400 : memref<121104x128xf32, #tpu.memory_space<hbm>>)
    %dma_wait3A_401 = arith.constant 2 : i32
    %dma_wait3A_402 = arith.constant 256 : i32
    %dma_wait3A_403 = arith.constant 0 : i32
    %dma_wait3A_404 = tpu.memref_slice %arg11[%dma_wait3A_402, %dma_wait3A_403] : memref<896x128xf32, #tpu.memory_space<vmem>> -> memref<128x128xf32, #tpu.memory_space<vmem>>
    %dma_wait3A_405 = arith.constant 0 : i32
    %dma_wait3A_406 = tpu.memref_slice %arg8[%dma_wait3A_401, %dma_wait3A_405] : memref<16x128xi32, #tpu.memory_space<vmem>> -> memref<1x128xi32, #tpu.memory_space<vmem>>
    %dma_wait3A_407 = tpu.memref_squeeze %dma_wait3A_406 : memref<1x128xi32, #tpu.memory_space<vmem>> -> memref<128xi32, #tpu.memory_space<vmem>>
    %dma_wait3A_408 = arith.constant 0 : i32
    %dma_wait3A_409 = arith.constant 0 : i32
    %dma_wait3A_410 = tpu.memref_slice %arg7[%dma_wait3A_408, %dma_wait3A_409] : memref<121104x128xf32, #tpu.memory_space<hbm>> -> memref<121104x128xf32, #tpu.memory_space<hbm>>
    tpu.wait_indirect_dma semaphore(%arg13 : memref<!tpu.dma_semaphore, #tpu.memory_space<semaphore_mem>>) src(%dma_wait3A_404 : memref<128x128xf32, #tpu.memory_space<vmem>>) dst(%dma_wait3A_410 : memref<121104x128xf32, #tpu.memory_space<hbm>>)
    %dma_wait3A_411 = arith.constant 3 : i32
    %dma_wait3A_412 = arith.constant 384 : i32
    %dma_wait3A_413 = arith.constant 0 : i32
    %dma_wait3A_414 = tpu.memref_slice %arg11[%dma_wait3A_412, %dma_wait3A_413] : memref<896x128xf32, #tpu.memory_space<vmem>> -> memref<128x128xf32, #tpu.memory_space<vmem>>
    %dma_wait3A_415 = arith.constant 0 : i32
    %dma_wait3A_416 = tpu.memref_slice %arg8[%dma_wait3A_411, %dma_wait3A_415] : memref<16x128xi32, #tpu.memory_space<vmem>> -> memref<1x128xi32, #tpu.memory_space<vmem>>
    %dma_wait3A_417 = tpu.memref_squeeze %dma_wait3A_416 : memref<1x128xi32, #tpu.memory_space<vmem>> -> memref<128xi32, #tpu.memory_space<vmem>>
    %dma_wait3A_418 = arith.constant 0 : i32
    %dma_wait3A_419 = arith.constant 0 : i32
    %dma_wait3A_420 = tpu.memref_slice %arg7[%dma_wait3A_418, %dma_wait3A_419] : memref<121104x128xf32, #tpu.memory_space<hbm>> -> memref<121104x128xf32, #tpu.memory_space<hbm>>
    tpu.wait_indirect_dma semaphore(%arg13 : memref<!tpu.dma_semaphore, #tpu.memory_space<semaphore_mem>>) src(%dma_wait3A_414 : memref<128x128xf32, #tpu.memory_space<vmem>>) dst(%dma_wait3A_420 : memref<121104x128xf32, #tpu.memory_space<hbm>>)
    %dma_wait3A_421 = arith.constant 4 : i32
    %dma_wait3A_422 = arith.constant 512 : i32
    %dma_wait3A_423 = arith.constant 0 : i32
    %dma_wait3A_424 = tpu.memref_slice %arg11[%dma_wait3A_422, %dma_wait3A_423] : memref<896x128xf32, #tpu.memory_space<vmem>> -> memref<128x128xf32, #tpu.memory_space<vmem>>
    %dma_wait3A_425 = arith.constant 0 : i32
    %dma_wait3A_426 = tpu.memref_slice %arg8[%dma_wait3A_421, %dma_wait3A_425] : memref<16x128xi32, #tpu.memory_space<vmem>> -> memref<1x128xi32, #tpu.memory_space<vmem>>
    %dma_wait3A_427 = tpu.memref_squeeze %dma_wait3A_426 : memref<1x128xi32, #tpu.memory_space<vmem>> -> memref<128xi32, #tpu.memory_space<vmem>>
    %dma_wait3A_428 = arith.constant 0 : i32
    %dma_wait3A_429 = arith.constant 0 : i32
    %dma_wait3A_430 = tpu.memref_slice %arg7[%dma_wait3A_428, %dma_wait3A_429] : memref<121104x128xf32, #tpu.memory_space<hbm>> -> memref<121104x128xf32, #tpu.memory_space<hbm>>
    tpu.wait_indirect_dma semaphore(%arg13 : memref<!tpu.dma_semaphore, #tpu.memory_space<semaphore_mem>>) src(%dma_wait3A_424 : memref<128x128xf32, #tpu.memory_space<vmem>>) dst(%dma_wait3A_430 : memref<121104x128xf32, #tpu.memory_space<hbm>>)
    %dma_wait3A_431 = arith.constant 5 : i32
    %dma_wait3A_432 = arith.constant 640 : i32
    %dma_wait3A_433 = arith.constant 0 : i32
    %dma_wait3A_434 = tpu.memref_slice %arg11[%dma_wait3A_432, %dma_wait3A_433] : memref<896x128xf32, #tpu.memory_space<vmem>> -> memref<128x128xf32, #tpu.memory_space<vmem>>
    %dma_wait3A_435 = arith.constant 0 : i32
    %dma_wait3A_436 = tpu.memref_slice %arg8[%dma_wait3A_431, %dma_wait3A_435] : memref<16x128xi32, #tpu.memory_space<vmem>> -> memref<1x128xi32, #tpu.memory_space<vmem>>
    %dma_wait3A_437 = tpu.memref_squeeze %dma_wait3A_436 : memref<1x128xi32, #tpu.memory_space<vmem>> -> memref<128xi32, #tpu.memory_space<vmem>>
    %dma_wait3A_438 = arith.constant 0 : i32
    %dma_wait3A_439 = arith.constant 0 : i32
    %dma_wait3A_440 = tpu.memref_slice %arg7[%dma_wait3A_438, %dma_wait3A_439] : memref<121104x128xf32, #tpu.memory_space<hbm>> -> memref<121104x128xf32, #tpu.memory_space<hbm>>
    tpu.wait_indirect_dma semaphore(%arg13 : memref<!tpu.dma_semaphore, #tpu.memory_space<semaphore_mem>>) src(%dma_wait3A_434 : memref<128x128xf32, #tpu.memory_space<vmem>>) dst(%dma_wait3A_440 : memref<121104x128xf32, #tpu.memory_space<hbm>>)
    %dma_wait3A_441 = arith.constant 0 : i32
    %dma_wait3A_442 = arith.constant 768 : i32
    %dma_wait3A_443 = arith.constant 0 : i32
    %dma_wait3A_444 = tpu.memref_slice %arg11[%dma_wait3A_442, %dma_wait3A_443] : memref<896x128xf32, #tpu.memory_space<vmem>> -> memref<128x128xf32, #tpu.memory_space<vmem>>
    %dma_wait3A_445 = arith.constant 0 : i32
    %dma_wait3A_446 = tpu.memref_slice %arg10[%dma_wait3A_441, %dma_wait3A_445] : memref<14x128xi32, #tpu.memory_space<vmem>> -> memref<1x128xi32, #tpu.memory_space<vmem>>
    %dma_wait3A_447 = tpu.memref_squeeze %dma_wait3A_446 : memref<1x128xi32, #tpu.memory_space<vmem>> -> memref<128xi32, #tpu.memory_space<vmem>>
    %dma_wait3A_448 = arith.constant 0 : i32
    %dma_wait3A_449 = arith.constant 0 : i32
    %dma_wait3A_450 = tpu.memref_slice %arg7[%dma_wait3A_448, %dma_wait3A_449] : memref<121104x128xf32, #tpu.memory_space<hbm>> -> memref<121104x128xf32, #tpu.memory_space<hbm>>
    tpu.wait_indirect_dma semaphore(%arg13 : memref<!tpu.dma_semaphore, #tpu.memory_space<semaphore_mem>>) src(%dma_wait3A_444 : memref<128x128xf32, #tpu.memory_space<vmem>>) dst(%dma_wait3A_450 : memref<121104x128xf32, #tpu.memory_space<hbm>>)
    %dma_wait3A_451 = arith.constant 1 : i32
    %dma_wait3A_452 = arith.constant 768 : i32
    %dma_wait3A_453 = arith.constant 0 : i32
    %dma_wait3A_454 = tpu.memref_slice %arg11[%dma_wait3A_452, %dma_wait3A_453] : memref<896x128xf32, #tpu.memory_space<vmem>> -> memref<128x128xf32, #tpu.memory_space<vmem>>
    %dma_wait3A_455 = arith.constant 0 : i32
    %dma_wait3A_456 = tpu.memref_slice %arg10[%dma_wait3A_451, %dma_wait3A_455] : memref<14x128xi32, #tpu.memory_space<vmem>> -> memref<1x128xi32, #tpu.memory_space<vmem>>
    %dma_wait3A_457 = tpu.memref_squeeze %dma_wait3A_456 : memref<1x128xi32, #tpu.memory_space<vmem>> -> memref<128xi32, #tpu.memory_space<vmem>>
    %dma_wait3A_458 = arith.constant 0 : i32
    %dma_wait3A_459 = arith.constant 0 : i32
    %dma_wait3A_460 = tpu.memref_slice %arg7[%dma_wait3A_458, %dma_wait3A_459] : memref<121104x128xf32, #tpu.memory_space<hbm>> -> memref<121104x128xf32, #tpu.memory_space<hbm>>
    tpu.wait_indirect_dma semaphore(%arg13 : memref<!tpu.dma_semaphore, #tpu.memory_space<semaphore_mem>>) src(%dma_wait3A_454 : memref<128x128xf32, #tpu.memory_space<vmem>>) dst(%dma_wait3A_460 : memref<121104x128xf32, #tpu.memory_space<hbm>>)
    %dma_wait3A_461 = arith.constant 2 : i32
    %dma_wait3A_462 = arith.constant 768 : i32
    %dma_wait3A_463 = arith.constant 0 : i32
    %dma_wait3A_464 = tpu.memref_slice %arg11[%dma_wait3A_462, %dma_wait3A_463] : memref<896x128xf32, #tpu.memory_space<vmem>> -> memref<128x128xf32, #tpu.memory_space<vmem>>
    %dma_wait3A_465 = arith.constant 0 : i32
    %dma_wait3A_466 = tpu.memref_slice %arg10[%dma_wait3A_461, %dma_wait3A_465] : memref<14x128xi32, #tpu.memory_space<vmem>> -> memref<1x128xi32, #tpu.memory_space<vmem>>
    %dma_wait3A_467 = tpu.memref_squeeze %dma_wait3A_466 : memref<1x128xi32, #tpu.memory_space<vmem>> -> memref<128xi32, #tpu.memory_space<vmem>>
    %dma_wait3A_468 = arith.constant 0 : i32
    %dma_wait3A_469 = arith.constant 0 : i32
    %dma_wait3A_470 = tpu.memref_slice %arg7[%dma_wait3A_468, %dma_wait3A_469] : memref<121104x128xf32, #tpu.memory_space<hbm>> -> memref<121104x128xf32, #tpu.memory_space<hbm>>
    tpu.wait_indirect_dma semaphore(%arg13 : memref<!tpu.dma_semaphore, #tpu.memory_space<semaphore_mem>>) src(%dma_wait3A_464 : memref<128x128xf32, #tpu.memory_space<vmem>>) dst(%dma_wait3A_470 : memref<121104x128xf32, #tpu.memory_space<hbm>>)
    %dma_wait3A_471 = arith.constant 3 : i32
    %dma_wait3A_472 = arith.constant 768 : i32
    %dma_wait3A_473 = arith.constant 0 : i32
    %dma_wait3A_474 = tpu.memref_slice %arg11[%dma_wait3A_472, %dma_wait3A_473] : memref<896x128xf32, #tpu.memory_space<vmem>> -> memref<128x128xf32, #tpu.memory_space<vmem>>
    %dma_wait3A_475 = arith.constant 0 : i32
    %dma_wait3A_476 = tpu.memref_slice %arg10[%dma_wait3A_471, %dma_wait3A_475] : memref<14x128xi32, #tpu.memory_space<vmem>> -> memref<1x128xi32, #tpu.memory_space<vmem>>
    %dma_wait3A_477 = tpu.memref_squeeze %dma_wait3A_476 : memref<1x128xi32, #tpu.memory_space<vmem>> -> memref<128xi32, #tpu.memory_space<vmem>>
    %dma_wait3A_478 = arith.constant 0 : i32
    %dma_wait3A_479 = arith.constant 0 : i32
    %dma_wait3A_480 = tpu.memref_slice %arg7[%dma_wait3A_478, %dma_wait3A_479] : memref<121104x128xf32, #tpu.memory_space<hbm>> -> memref<121104x128xf32, #tpu.memory_space<hbm>>
    tpu.wait_indirect_dma semaphore(%arg13 : memref<!tpu.dma_semaphore, #tpu.memory_space<semaphore_mem>>) src(%dma_wait3A_474 : memref<128x128xf32, #tpu.memory_space<vmem>>) dst(%dma_wait3A_480 : memref<121104x128xf32, #tpu.memory_space<hbm>>)
    %dma_wait3A_481 = arith.constant 4 : i32
    %dma_wait3A_482 = arith.constant 768 : i32
    %dma_wait3A_483 = arith.constant 0 : i32
    %dma_wait3A_484 = tpu.memref_slice %arg11[%dma_wait3A_482, %dma_wait3A_483] : memref<896x128xf32, #tpu.memory_space<vmem>> -> memref<128x128xf32, #tpu.memory_space<vmem>>
    %dma_wait3A_485 = arith.constant 0 : i32
    %dma_wait3A_486 = tpu.memref_slice %arg10[%dma_wait3A_481, %dma_wait3A_485] : memref<14x128xi32, #tpu.memory_space<vmem>> -> memref<1x128xi32, #tpu.memory_space<vmem>>
    %dma_wait3A_487 = tpu.memref_squeeze %dma_wait3A_486 : memref<1x128xi32, #tpu.memory_space<vmem>> -> memref<128xi32, #tpu.memory_space<vmem>>
    %dma_wait3A_488 = arith.constant 0 : i32
    %dma_wait3A_489 = arith.constant 0 : i32
    %dma_wait3A_490 = tpu.memref_slice %arg7[%dma_wait3A_488, %dma_wait3A_489] : memref<121104x128xf32, #tpu.memory_space<hbm>> -> memref<121104x128xf32, #tpu.memory_space<hbm>>
    tpu.wait_indirect_dma semaphore(%arg13 : memref<!tpu.dma_semaphore, #tpu.memory_space<semaphore_mem>>) src(%dma_wait3A_484 : memref<128x128xf32, #tpu.memory_space<vmem>>) dst(%dma_wait3A_490 : memref<121104x128xf32, #tpu.memory_space<hbm>>)
    %dma_wait3A_491 = arith.constant 5 : i32
    %dma_wait3A_492 = arith.constant 768 : i32
    %dma_wait3A_493 = arith.constant 0 : i32
    %dma_wait3A_494 = tpu.memref_slice %arg11[%dma_wait3A_492, %dma_wait3A_493] : memref<896x128xf32, #tpu.memory_space<vmem>> -> memref<128x128xf32, #tpu.memory_space<vmem>>
    %dma_wait3A_495 = arith.constant 0 : i32
    %dma_wait3A_496 = tpu.memref_slice %arg10[%dma_wait3A_491, %dma_wait3A_495] : memref<14x128xi32, #tpu.memory_space<vmem>> -> memref<1x128xi32, #tpu.memory_space<vmem>>
    %dma_wait3A_497 = tpu.memref_squeeze %dma_wait3A_496 : memref<1x128xi32, #tpu.memory_space<vmem>> -> memref<128xi32, #tpu.memory_space<vmem>>
    %dma_wait3A_498 = arith.constant 0 : i32
    %dma_wait3A_499 = arith.constant 0 : i32
    %dma_wait3A_500 = tpu.memref_slice %arg7[%dma_wait3A_498, %dma_wait3A_499] : memref<121104x128xf32, #tpu.memory_space<hbm>> -> memref<121104x128xf32, #tpu.memory_space<hbm>>
    tpu.wait_indirect_dma semaphore(%arg13 : memref<!tpu.dma_semaphore, #tpu.memory_space<semaphore_mem>>) src(%dma_wait3A_494 : memref<128x128xf32, #tpu.memory_space<vmem>>) dst(%dma_wait3A_500 : memref<121104x128xf32, #tpu.memory_space<hbm>>)
    %dma_wait3A_501 = arith.constant 6 : i32
    %dma_wait3A_502 = arith.constant 768 : i32
    %dma_wait3A_503 = arith.constant 0 : i32
    %dma_wait3A_504 = tpu.memref_slice %arg11[%dma_wait3A_502, %dma_wait3A_503] : memref<896x128xf32, #tpu.memory_space<vmem>> -> memref<128x128xf32, #tpu.memory_space<vmem>>
    %dma_wait3A_505 = arith.constant 0 : i32
    %dma_wait3A_506 = tpu.memref_slice %arg10[%dma_wait3A_501, %dma_wait3A_505] : memref<14x128xi32, #tpu.memory_space<vmem>> -> memref<1x128xi32, #tpu.memory_space<vmem>>
    %dma_wait3A_507 = tpu.memref_squeeze %dma_wait3A_506 : memref<1x128xi32, #tpu.memory_space<vmem>> -> memref<128xi32, #tpu.memory_space<vmem>>
    %dma_wait3A_508 = arith.constant 0 : i32
    %dma_wait3A_509 = arith.constant 0 : i32
    %dma_wait3A_510 = tpu.memref_slice %arg7[%dma_wait3A_508, %dma_wait3A_509] : memref<121104x128xf32, #tpu.memory_space<hbm>> -> memref<121104x128xf32, #tpu.memory_space<hbm>>
    tpu.wait_indirect_dma semaphore(%arg13 : memref<!tpu.dma_semaphore, #tpu.memory_space<semaphore_mem>>) src(%dma_wait3A_504 : memref<128x128xf32, #tpu.memory_space<vmem>>) dst(%dma_wait3A_510 : memref<121104x128xf32, #tpu.memory_space<hbm>>)
    %dma_wait3A_511 = arith.constant 7 : i32
    %dma_wait3A_512 = arith.constant 768 : i32
    %dma_wait3A_513 = arith.constant 0 : i32
    %dma_wait3A_514 = tpu.memref_slice %arg11[%dma_wait3A_512, %dma_wait3A_513] : memref<896x128xf32, #tpu.memory_space<vmem>> -> memref<128x128xf32, #tpu.memory_space<vmem>>
    %dma_wait3A_515 = arith.constant 0 : i32
    %dma_wait3A_516 = tpu.memref_slice %arg10[%dma_wait3A_511, %dma_wait3A_515] : memref<14x128xi32, #tpu.memory_space<vmem>> -> memref<1x128xi32, #tpu.memory_space<vmem>>
    %dma_wait3A_517 = tpu.memref_squeeze %dma_wait3A_516 : memref<1x128xi32, #tpu.memory_space<vmem>> -> memref<128xi32, #tpu.memory_space<vmem>>
    %dma_wait3A_518 = arith.constant 0 : i32
    %dma_wait3A_519 = arith.constant 0 : i32
    %dma_wait3A_520 = tpu.memref_slice %arg7[%dma_wait3A_518, %dma_wait3A_519] : memref<121104x128xf32, #tpu.memory_space<hbm>> -> memref<121104x128xf32, #tpu.memory_space<hbm>>
    tpu.wait_indirect_dma semaphore(%arg13 : memref<!tpu.dma_semaphore, #tpu.memory_space<semaphore_mem>>) src(%dma_wait3A_514 : memref<128x128xf32, #tpu.memory_space<vmem>>) dst(%dma_wait3A_520 : memref<121104x128xf32, #tpu.memory_space<hbm>>)
    %dma_wait3A_521 = arith.constant 8 : i32
    %dma_wait3A_522 = arith.constant 768 : i32
    %dma_wait3A_523 = arith.constant 0 : i32
    %dma_wait3A_524 = tpu.memref_slice %arg11[%dma_wait3A_522, %dma_wait3A_523] : memref<896x128xf32, #tpu.memory_space<vmem>> -> memref<128x128xf32, #tpu.memory_space<vmem>>
    %dma_wait3A_525 = arith.constant 0 : i32
    %dma_wait3A_526 = tpu.memref_slice %arg10[%dma_wait3A_521, %dma_wait3A_525] : memref<14x128xi32, #tpu.memory_space<vmem>> -> memref<1x128xi32, #tpu.memory_space<vmem>>
    %dma_wait3A_527 = tpu.memref_squeeze %dma_wait3A_526 : memref<1x128xi32, #tpu.memory_space<vmem>> -> memref<128xi32, #tpu.memory_space<vmem>>
    %dma_wait3A_528 = arith.constant 0 : i32
    %dma_wait3A_529 = arith.constant 0 : i32
    %dma_wait3A_530 = tpu.memref_slice %arg7[%dma_wait3A_528, %dma_wait3A_529] : memref<121104x128xf32, #tpu.memory_space<hbm>> -> memref<121104x128xf32, #tpu.memory_space<hbm>>
    tpu.wait_indirect_dma semaphore(%arg13 : memref<!tpu.dma_semaphore, #tpu.memory_space<semaphore_mem>>) src(%dma_wait3A_524 : memref<128x128xf32, #tpu.memory_space<vmem>>) dst(%dma_wait3A_530 : memref<121104x128xf32, #tpu.memory_space<hbm>>)
    %dma_wait3A_531 = arith.constant 9 : i32
    %dma_wait3A_532 = arith.constant 768 : i32
    %dma_wait3A_533 = arith.constant 0 : i32
    %dma_wait3A_534 = tpu.memref_slice %arg11[%dma_wait3A_532, %dma_wait3A_533] : memref<896x128xf32, #tpu.memory_space<vmem>> -> memref<128x128xf32, #tpu.memory_space<vmem>>
    %dma_wait3A_535 = arith.constant 0 : i32
    %dma_wait3A_536 = tpu.memref_slice %arg10[%dma_wait3A_531, %dma_wait3A_535] : memref<14x128xi32, #tpu.memory_space<vmem>> -> memref<1x128xi32, #tpu.memory_space<vmem>>
    %dma_wait3A_537 = tpu.memref_squeeze %dma_wait3A_536 : memref<1x128xi32, #tpu.memory_space<vmem>> -> memref<128xi32, #tpu.memory_space<vmem>>
    %dma_wait3A_538 = arith.constant 0 : i32
    %dma_wait3A_539 = arith.constant 0 : i32
    %dma_wait3A_540 = tpu.memref_slice %arg7[%dma_wait3A_538, %dma_wait3A_539] : memref<121104x128xf32, #tpu.memory_space<hbm>> -> memref<121104x128xf32, #tpu.memory_space<hbm>>
    tpu.wait_indirect_dma semaphore(%arg13 : memref<!tpu.dma_semaphore, #tpu.memory_space<semaphore_mem>>) src(%dma_wait3A_534 : memref<128x128xf32, #tpu.memory_space<vmem>>) dst(%dma_wait3A_540 : memref<121104x128xf32, #tpu.memory_space<hbm>>)
    %dma_wait3A_541 = arith.constant 10 : i32
    %dma_wait3A_542 = arith.constant 768 : i32
    %dma_wait3A_543 = arith.constant 0 : i32
    %dma_wait3A_544 = tpu.memref_slice %arg11[%dma_wait3A_542, %dma_wait3A_543] : memref<896x128xf32, #tpu.memory_space<vmem>> -> memref<128x128xf32, #tpu.memory_space<vmem>>
    %dma_wait3A_545 = arith.constant 0 : i32
    %dma_wait3A_546 = tpu.memref_slice %arg10[%dma_wait3A_541, %dma_wait3A_545] : memref<14x128xi32, #tpu.memory_space<vmem>> -> memref<1x128xi32, #tpu.memory_space<vmem>>
    %dma_wait3A_547 = tpu.memref_squeeze %dma_wait3A_546 : memref<1x128xi32, #tpu.memory_space<vmem>> -> memref<128xi32, #tpu.memory_space<vmem>>
    %dma_wait3A_548 = arith.constant 0 : i32
    %dma_wait3A_549 = arith.constant 0 : i32
    %dma_wait3A_550 = tpu.memref_slice %arg7[%dma_wait3A_548, %dma_wait3A_549] : memref<121104x128xf32, #tpu.memory_space<hbm>> -> memref<121104x128xf32, #tpu.memory_space<hbm>>
    tpu.wait_indirect_dma semaphore(%arg13 : memref<!tpu.dma_semaphore, #tpu.memory_space<semaphore_mem>>) src(%dma_wait3A_544 : memref<128x128xf32, #tpu.memory_space<vmem>>) dst(%dma_wait3A_550 : memref<121104x128xf32, #tpu.memory_space<hbm>>)
    %dma_wait3A_551 = arith.constant 11 : i32
    %dma_wait3A_552 = arith.constant 768 : i32
    %dma_wait3A_553 = arith.constant 0 : i32
    %dma_wait3A_554 = tpu.memref_slice %arg11[%dma_wait3A_552, %dma_wait3A_553] : memref<896x128xf32, #tpu.memory_space<vmem>> -> memref<128x128xf32, #tpu.memory_space<vmem>>
    %dma_wait3A_555 = arith.constant 0 : i32
    %dma_wait3A_556 = tpu.memref_slice %arg10[%dma_wait3A_551, %dma_wait3A_555] : memref<14x128xi32, #tpu.memory_space<vmem>> -> memref<1x128xi32, #tpu.memory_space<vmem>>
    %dma_wait3A_557 = tpu.memref_squeeze %dma_wait3A_556 : memref<1x128xi32, #tpu.memory_space<vmem>> -> memref<128xi32, #tpu.memory_space<vmem>>
    %dma_wait3A_558 = arith.constant 0 : i32
    %dma_wait3A_559 = arith.constant 0 : i32
    %dma_wait3A_560 = tpu.memref_slice %arg7[%dma_wait3A_558, %dma_wait3A_559] : memref<121104x128xf32, #tpu.memory_space<hbm>> -> memref<121104x128xf32, #tpu.memory_space<hbm>>
    tpu.wait_indirect_dma semaphore(%arg13 : memref<!tpu.dma_semaphore, #tpu.memory_space<semaphore_mem>>) src(%dma_wait3A_554 : memref<128x128xf32, #tpu.memory_space<vmem>>) dst(%dma_wait3A_560 : memref<121104x128xf32, #tpu.memory_space<hbm>>)
    %dma_wait3A_561 = arith.constant 12 : i32
    %dma_wait3A_562 = arith.constant 768 : i32
    %dma_wait3A_563 = arith.constant 0 : i32
    %dma_wait3A_564 = tpu.memref_slice %arg11[%dma_wait3A_562, %dma_wait3A_563] : memref<896x128xf32, #tpu.memory_space<vmem>> -> memref<128x128xf32, #tpu.memory_space<vmem>>
    %dma_wait3A_565 = arith.constant 0 : i32
    %dma_wait3A_566 = tpu.memref_slice %arg10[%dma_wait3A_561, %dma_wait3A_565] : memref<14x128xi32, #tpu.memory_space<vmem>> -> memref<1x128xi32, #tpu.memory_space<vmem>>
    %dma_wait3A_567 = tpu.memref_squeeze %dma_wait3A_566 : memref<1x128xi32, #tpu.memory_space<vmem>> -> memref<128xi32, #tpu.memory_space<vmem>>
    %dma_wait3A_568 = arith.constant 0 : i32
    %dma_wait3A_569 = arith.constant 0 : i32
    %dma_wait3A_570 = tpu.memref_slice %arg7[%dma_wait3A_568, %dma_wait3A_569] : memref<121104x128xf32, #tpu.memory_space<hbm>> -> memref<121104x128xf32, #tpu.memory_space<hbm>>
    tpu.wait_indirect_dma semaphore(%arg13 : memref<!tpu.dma_semaphore, #tpu.memory_space<semaphore_mem>>) src(%dma_wait3A_564 : memref<128x128xf32, #tpu.memory_space<vmem>>) dst(%dma_wait3A_570 : memref<121104x128xf32, #tpu.memory_space<hbm>>)
    %dma_wait3A_571 = arith.constant 13 : i32
    %dma_wait3A_572 = arith.constant 768 : i32
    %dma_wait3A_573 = arith.constant 0 : i32
    %dma_wait3A_574 = tpu.memref_slice %arg11[%dma_wait3A_572, %dma_wait3A_573] : memref<896x128xf32, #tpu.memory_space<vmem>> -> memref<128x128xf32, #tpu.memory_space<vmem>>
    %dma_wait3A_575 = arith.constant 0 : i32
    %dma_wait3A_576 = tpu.memref_slice %arg10[%dma_wait3A_571, %dma_wait3A_575] : memref<14x128xi32, #tpu.memory_space<vmem>> -> memref<1x128xi32, #tpu.memory_space<vmem>>
    %dma_wait3A_577 = tpu.memref_squeeze %dma_wait3A_576 : memref<1x128xi32, #tpu.memory_space<vmem>> -> memref<128xi32, #tpu.memory_space<vmem>>
    %dma_wait3A_578 = arith.constant 0 : i32
    %dma_wait3A_579 = arith.constant 0 : i32
    %dma_wait3A_580 = tpu.memref_slice %arg7[%dma_wait3A_578, %dma_wait3A_579] : memref<121104x128xf32, #tpu.memory_space<hbm>> -> memref<121104x128xf32, #tpu.memory_space<hbm>>
    tpu.wait_indirect_dma semaphore(%arg13 : memref<!tpu.dma_semaphore, #tpu.memory_space<semaphore_mem>>) src(%dma_wait3A_574 : memref<128x128xf32, #tpu.memory_space<vmem>>) dst(%dma_wait3A_580 : memref<121104x128xf32, #tpu.memory_space<hbm>>)
    %dma_start3A_581 = arith.constant 6 : i32
    %dma_start3A_582 = arith.constant 0 : i32
    %dma_start3A_583 = arith.constant 0 : i32
    %dma_start3A_584 = tpu.memref_slice %arg11[%dma_start3A_582, %dma_start3A_583] : memref<896x128xf32, #tpu.memory_space<vmem>> -> memref<128x128xf32, #tpu.memory_space<vmem>>
    %dma_start3A_585 = arith.constant 0 : i32
    %dma_start3A_586 = tpu.memref_slice %arg9[%dma_start3A_581, %dma_start3A_585] : memref<16x128xi32, #tpu.memory_space<vmem>> -> memref<1x128xi32, #tpu.memory_space<vmem>>
    %dma_start3A_587 = tpu.memref_squeeze %dma_start3A_586 : memref<1x128xi32, #tpu.memory_space<vmem>> -> memref<128xi32, #tpu.memory_space<vmem>>
    %dma_start3A_588 = arith.constant 0 : i32
    %dma_start3A_589 = arith.constant 0 : i32
    %dma_start3A_590 = tpu.memref_slice %arg2[%dma_start3A_588, %dma_start3A_589] : memref<65536x128xf32, #tpu.memory_space<hbm>> -> memref<65536x128xf32, #tpu.memory_space<hbm>>
    tpu.enqueue_indirect_dma source(%dma_start3A_590 : memref<65536x128xf32, #tpu.memory_space<hbm>>) target(%dma_start3A_584 : memref<128x128xf32, #tpu.memory_space<vmem>>) offsets(%dma_start3A_587 : memref<128xi32, #tpu.memory_space<vmem>>) semaphore(%arg12 : memref<!tpu.dma_semaphore, #tpu.memory_space<semaphore_mem>>)
    %dma_start3A_591 = arith.constant 7 : i32
    %dma_start3A_592 = arith.constant 128 : i32
    %dma_start3A_593 = arith.constant 0 : i32
    %dma_start3A_594 = tpu.memref_slice %arg11[%dma_start3A_592, %dma_start3A_593] : memref<896x128xf32, #tpu.memory_space<vmem>> -> memref<128x128xf32, #tpu.memory_space<vmem>>
    %dma_start3A_595 = arith.constant 0 : i32
    %dma_start3A_596 = tpu.memref_slice %arg9[%dma_start3A_591, %dma_start3A_595] : memref<16x128xi32, #tpu.memory_space<vmem>> -> memref<1x128xi32, #tpu.memory_space<vmem>>
    %dma_start3A_597 = tpu.memref_squeeze %dma_start3A_596 : memref<1x128xi32, #tpu.memory_space<vmem>> -> memref<128xi32, #tpu.memory_space<vmem>>
    %dma_start3A_598 = arith.constant 0 : i32
    %dma_start3A_599 = arith.constant 0 : i32
    %dma_start3A_600 = tpu.memref_slice %arg2[%dma_start3A_598, %dma_start3A_599] : memref<65536x128xf32, #tpu.memory_space<hbm>> -> memref<65536x128xf32, #tpu.memory_space<hbm>>
    tpu.enqueue_indirect_dma source(%dma_start3A_600 : memref<65536x128xf32, #tpu.memory_space<hbm>>) target(%dma_start3A_594 : memref<128x128xf32, #tpu.memory_space<vmem>>) offsets(%dma_start3A_597 : memref<128xi32, #tpu.memory_space<vmem>>) semaphore(%arg12 : memref<!tpu.dma_semaphore, #tpu.memory_space<semaphore_mem>>)
    %dma_start3A_601 = arith.constant 8 : i32
    %dma_start3A_602 = arith.constant 256 : i32
    %dma_start3A_603 = arith.constant 0 : i32
    %dma_start3A_604 = tpu.memref_slice %arg11[%dma_start3A_602, %dma_start3A_603] : memref<896x128xf32, #tpu.memory_space<vmem>> -> memref<128x128xf32, #tpu.memory_space<vmem>>
    %dma_start3A_605 = arith.constant 0 : i32
    %dma_start3A_606 = tpu.memref_slice %arg9[%dma_start3A_601, %dma_start3A_605] : memref<16x128xi32, #tpu.memory_space<vmem>> -> memref<1x128xi32, #tpu.memory_space<vmem>>
    %dma_start3A_607 = tpu.memref_squeeze %dma_start3A_606 : memref<1x128xi32, #tpu.memory_space<vmem>> -> memref<128xi32, #tpu.memory_space<vmem>>
    %dma_start3A_608 = arith.constant 0 : i32
    %dma_start3A_609 = arith.constant 0 : i32
    %dma_start3A_610 = tpu.memref_slice %arg2[%dma_start3A_608, %dma_start3A_609] : memref<65536x128xf32, #tpu.memory_space<hbm>> -> memref<65536x128xf32, #tpu.memory_space<hbm>>
    tpu.enqueue_indirect_dma source(%dma_start3A_610 : memref<65536x128xf32, #tpu.memory_space<hbm>>) target(%dma_start3A_604 : memref<128x128xf32, #tpu.memory_space<vmem>>) offsets(%dma_start3A_607 : memref<128xi32, #tpu.memory_space<vmem>>) semaphore(%arg12 : memref<!tpu.dma_semaphore, #tpu.memory_space<semaphore_mem>>)
    %dma_start3A_611 = arith.constant 9 : i32
    %dma_start3A_612 = arith.constant 384 : i32
    %dma_start3A_613 = arith.constant 0 : i32
    %dma_start3A_614 = tpu.memref_slice %arg11[%dma_start3A_612, %dma_start3A_613] : memref<896x128xf32, #tpu.memory_space<vmem>> -> memref<128x128xf32, #tpu.memory_space<vmem>>
    %dma_start3A_615 = arith.constant 0 : i32
    %dma_start3A_616 = tpu.memref_slice %arg9[%dma_start3A_611, %dma_start3A_615] : memref<16x128xi32, #tpu.memory_space<vmem>> -> memref<1x128xi32, #tpu.memory_space<vmem>>
    %dma_start3A_617 = tpu.memref_squeeze %dma_start3A_616 : memref<1x128xi32, #tpu.memory_space<vmem>> -> memref<128xi32, #tpu.memory_space<vmem>>
    %dma_start3A_618 = arith.constant 0 : i32
    %dma_start3A_619 = arith.constant 0 : i32
    %dma_start3A_620 = tpu.memref_slice %arg2[%dma_start3A_618, %dma_start3A_619] : memref<65536x128xf32, #tpu.memory_space<hbm>> -> memref<65536x128xf32, #tpu.memory_space<hbm>>
    tpu.enqueue_indirect_dma source(%dma_start3A_620 : memref<65536x128xf32, #tpu.memory_space<hbm>>) target(%dma_start3A_614 : memref<128x128xf32, #tpu.memory_space<vmem>>) offsets(%dma_start3A_617 : memref<128xi32, #tpu.memory_space<vmem>>) semaphore(%arg12 : memref<!tpu.dma_semaphore, #tpu.memory_space<semaphore_mem>>)
    %dma_start3A_621 = arith.constant 10 : i32
    %dma_start3A_622 = arith.constant 512 : i32
    %dma_start3A_623 = arith.constant 0 : i32
    %dma_start3A_624 = tpu.memref_slice %arg11[%dma_start3A_622, %dma_start3A_623] : memref<896x128xf32, #tpu.memory_space<vmem>> -> memref<128x128xf32, #tpu.memory_space<vmem>>
    %dma_start3A_625 = arith.constant 0 : i32
    %dma_start3A_626 = tpu.memref_slice %arg9[%dma_start3A_621, %dma_start3A_625] : memref<16x128xi32, #tpu.memory_space<vmem>> -> memref<1x128xi32, #tpu.memory_space<vmem>>
    %dma_start3A_627 = tpu.memref_squeeze %dma_start3A_626 : memref<1x128xi32, #tpu.memory_space<vmem>> -> memref<128xi32, #tpu.memory_space<vmem>>
    %dma_start3A_628 = arith.constant 0 : i32
    %dma_start3A_629 = arith.constant 0 : i32
    %dma_start3A_630 = tpu.memref_slice %arg2[%dma_start3A_628, %dma_start3A_629] : memref<65536x128xf32, #tpu.memory_space<hbm>> -> memref<65536x128xf32, #tpu.memory_space<hbm>>
    tpu.enqueue_indirect_dma source(%dma_start3A_630 : memref<65536x128xf32, #tpu.memory_space<hbm>>) target(%dma_start3A_624 : memref<128x128xf32, #tpu.memory_space<vmem>>) offsets(%dma_start3A_627 : memref<128xi32, #tpu.memory_space<vmem>>) semaphore(%arg12 : memref<!tpu.dma_semaphore, #tpu.memory_space<semaphore_mem>>)
    %dma_start3A_631 = arith.constant 11 : i32
    %dma_start3A_632 = arith.constant 640 : i32
    %dma_start3A_633 = arith.constant 0 : i32
    %dma_start3A_634 = tpu.memref_slice %arg11[%dma_start3A_632, %dma_start3A_633] : memref<896x128xf32, #tpu.memory_space<vmem>> -> memref<128x128xf32, #tpu.memory_space<vmem>>
    %dma_start3A_635 = arith.constant 0 : i32
    %dma_start3A_636 = tpu.memref_slice %arg9[%dma_start3A_631, %dma_start3A_635] : memref<16x128xi32, #tpu.memory_space<vmem>> -> memref<1x128xi32, #tpu.memory_space<vmem>>
    %dma_start3A_637 = tpu.memref_squeeze %dma_start3A_636 : memref<1x128xi32, #tpu.memory_space<vmem>> -> memref<128xi32, #tpu.memory_space<vmem>>
    %dma_start3A_638 = arith.constant 0 : i32
    %dma_start3A_639 = arith.constant 0 : i32
    %dma_start3A_640 = tpu.memref_slice %arg2[%dma_start3A_638, %dma_start3A_639] : memref<65536x128xf32, #tpu.memory_space<hbm>> -> memref<65536x128xf32, #tpu.memory_space<hbm>>
    tpu.enqueue_indirect_dma source(%dma_start3A_640 : memref<65536x128xf32, #tpu.memory_space<hbm>>) target(%dma_start3A_634 : memref<128x128xf32, #tpu.memory_space<vmem>>) offsets(%dma_start3A_637 : memref<128xi32, #tpu.memory_space<vmem>>) semaphore(%arg12 : memref<!tpu.dma_semaphore, #tpu.memory_space<semaphore_mem>>)
    %dma_wait3A_641 = arith.constant 6 : i32
    %dma_wait3A_642 = arith.constant 0 : i32
    %dma_wait3A_643 = arith.constant 0 : i32
    %dma_wait3A_644 = tpu.memref_slice %arg11[%dma_wait3A_642, %dma_wait3A_643] : memref<896x128xf32, #tpu.memory_space<vmem>> -> memref<128x128xf32, #tpu.memory_space<vmem>>
    %dma_wait3A_645 = arith.constant 0 : i32
    %dma_wait3A_646 = tpu.memref_slice %arg9[%dma_wait3A_641, %dma_wait3A_645] : memref<16x128xi32, #tpu.memory_space<vmem>> -> memref<1x128xi32, #tpu.memory_space<vmem>>
    %dma_wait3A_647 = tpu.memref_squeeze %dma_wait3A_646 : memref<1x128xi32, #tpu.memory_space<vmem>> -> memref<128xi32, #tpu.memory_space<vmem>>
    %dma_wait3A_648 = arith.constant 0 : i32
    %dma_wait3A_649 = arith.constant 0 : i32
    %dma_wait3A_650 = tpu.memref_slice %arg2[%dma_wait3A_648, %dma_wait3A_649] : memref<65536x128xf32, #tpu.memory_space<hbm>> -> memref<65536x128xf32, #tpu.memory_space<hbm>>
    tpu.wait_indirect_dma semaphore(%arg12 : memref<!tpu.dma_semaphore, #tpu.memory_space<semaphore_mem>>) src(%dma_wait3A_650 : memref<65536x128xf32, #tpu.memory_space<hbm>>) dst(%dma_wait3A_644 : memref<128x128xf32, #tpu.memory_space<vmem>>)
    %dma_wait3A_651 = arith.constant 7 : i32
    %dma_wait3A_652 = arith.constant 128 : i32
    %dma_wait3A_653 = arith.constant 0 : i32
    %dma_wait3A_654 = tpu.memref_slice %arg11[%dma_wait3A_652, %dma_wait3A_653] : memref<896x128xf32, #tpu.memory_space<vmem>> -> memref<128x128xf32, #tpu.memory_space<vmem>>
    %dma_wait3A_655 = arith.constant 0 : i32
    %dma_wait3A_656 = tpu.memref_slice %arg9[%dma_wait3A_651, %dma_wait3A_655] : memref<16x128xi32, #tpu.memory_space<vmem>> -> memref<1x128xi32, #tpu.memory_space<vmem>>
    %dma_wait3A_657 = tpu.memref_squeeze %dma_wait3A_656 : memref<1x128xi32, #tpu.memory_space<vmem>> -> memref<128xi32, #tpu.memory_space<vmem>>
    %dma_wait3A_658 = arith.constant 0 : i32
    %dma_wait3A_659 = arith.constant 0 : i32
    %dma_wait3A_660 = tpu.memref_slice %arg2[%dma_wait3A_658, %dma_wait3A_659] : memref<65536x128xf32, #tpu.memory_space<hbm>> -> memref<65536x128xf32, #tpu.memory_space<hbm>>
    tpu.wait_indirect_dma semaphore(%arg12 : memref<!tpu.dma_semaphore, #tpu.memory_space<semaphore_mem>>) src(%dma_wait3A_660 : memref<65536x128xf32, #tpu.memory_space<hbm>>) dst(%dma_wait3A_654 : memref<128x128xf32, #tpu.memory_space<vmem>>)
    %dma_wait3A_661 = arith.constant 8 : i32
    %dma_wait3A_662 = arith.constant 256 : i32
    %dma_wait3A_663 = arith.constant 0 : i32
    %dma_wait3A_664 = tpu.memref_slice %arg11[%dma_wait3A_662, %dma_wait3A_663] : memref<896x128xf32, #tpu.memory_space<vmem>> -> memref<128x128xf32, #tpu.memory_space<vmem>>
    %dma_wait3A_665 = arith.constant 0 : i32
    %dma_wait3A_666 = tpu.memref_slice %arg9[%dma_wait3A_661, %dma_wait3A_665] : memref<16x128xi32, #tpu.memory_space<vmem>> -> memref<1x128xi32, #tpu.memory_space<vmem>>
    %dma_wait3A_667 = tpu.memref_squeeze %dma_wait3A_666 : memref<1x128xi32, #tpu.memory_space<vmem>> -> memref<128xi32, #tpu.memory_space<vmem>>
    %dma_wait3A_668 = arith.constant 0 : i32
    %dma_wait3A_669 = arith.constant 0 : i32
    %dma_wait3A_670 = tpu.memref_slice %arg2[%dma_wait3A_668, %dma_wait3A_669] : memref<65536x128xf32, #tpu.memory_space<hbm>> -> memref<65536x128xf32, #tpu.memory_space<hbm>>
    tpu.wait_indirect_dma semaphore(%arg12 : memref<!tpu.dma_semaphore, #tpu.memory_space<semaphore_mem>>) src(%dma_wait3A_670 : memref<65536x128xf32, #tpu.memory_space<hbm>>) dst(%dma_wait3A_664 : memref<128x128xf32, #tpu.memory_space<vmem>>)
    %dma_wait3A_671 = arith.constant 9 : i32
    %dma_wait3A_672 = arith.constant 384 : i32
    %dma_wait3A_673 = arith.constant 0 : i32
    %dma_wait3A_674 = tpu.memref_slice %arg11[%dma_wait3A_672, %dma_wait3A_673] : memref<896x128xf32, #tpu.memory_space<vmem>> -> memref<128x128xf32, #tpu.memory_space<vmem>>
    %dma_wait3A_675 = arith.constant 0 : i32
    %dma_wait3A_676 = tpu.memref_slice %arg9[%dma_wait3A_671, %dma_wait3A_675] : memref<16x128xi32, #tpu.memory_space<vmem>> -> memref<1x128xi32, #tpu.memory_space<vmem>>
    %dma_wait3A_677 = tpu.memref_squeeze %dma_wait3A_676 : memref<1x128xi32, #tpu.memory_space<vmem>> -> memref<128xi32, #tpu.memory_space<vmem>>
    %dma_wait3A_678 = arith.constant 0 : i32
    %dma_wait3A_679 = arith.constant 0 : i32
    %dma_wait3A_680 = tpu.memref_slice %arg2[%dma_wait3A_678, %dma_wait3A_679] : memref<65536x128xf32, #tpu.memory_space<hbm>> -> memref<65536x128xf32, #tpu.memory_space<hbm>>
    tpu.wait_indirect_dma semaphore(%arg12 : memref<!tpu.dma_semaphore, #tpu.memory_space<semaphore_mem>>) src(%dma_wait3A_680 : memref<65536x128xf32, #tpu.memory_space<hbm>>) dst(%dma_wait3A_674 : memref<128x128xf32, #tpu.memory_space<vmem>>)
    %dma_wait3A_681 = arith.constant 10 : i32
    %dma_wait3A_682 = arith.constant 512 : i32
    %dma_wait3A_683 = arith.constant 0 : i32
    %dma_wait3A_684 = tpu.memref_slice %arg11[%dma_wait3A_682, %dma_wait3A_683] : memref<896x128xf32, #tpu.memory_space<vmem>> -> memref<128x128xf32, #tpu.memory_space<vmem>>
    %dma_wait3A_685 = arith.constant 0 : i32
    %dma_wait3A_686 = tpu.memref_slice %arg9[%dma_wait3A_681, %dma_wait3A_685] : memref<16x128xi32, #tpu.memory_space<vmem>> -> memref<1x128xi32, #tpu.memory_space<vmem>>
    %dma_wait3A_687 = tpu.memref_squeeze %dma_wait3A_686 : memref<1x128xi32, #tpu.memory_space<vmem>> -> memref<128xi32, #tpu.memory_space<vmem>>
    %dma_wait3A_688 = arith.constant 0 : i32
    %dma_wait3A_689 = arith.constant 0 : i32
    %dma_wait3A_690 = tpu.memref_slice %arg2[%dma_wait3A_688, %dma_wait3A_689] : memref<65536x128xf32, #tpu.memory_space<hbm>> -> memref<65536x128xf32, #tpu.memory_space<hbm>>
    tpu.wait_indirect_dma semaphore(%arg12 : memref<!tpu.dma_semaphore, #tpu.memory_space<semaphore_mem>>) src(%dma_wait3A_690 : memref<65536x128xf32, #tpu.memory_space<hbm>>) dst(%dma_wait3A_684 : memref<128x128xf32, #tpu.memory_space<vmem>>)
    %dma_wait3A_691 = arith.constant 11 : i32
    %dma_wait3A_692 = arith.constant 640 : i32
    %dma_wait3A_693 = arith.constant 0 : i32
    %dma_wait3A_694 = tpu.memref_slice %arg11[%dma_wait3A_692, %dma_wait3A_693] : memref<896x128xf32, #tpu.memory_space<vmem>> -> memref<128x128xf32, #tpu.memory_space<vmem>>
    %dma_wait3A_695 = arith.constant 0 : i32
    %dma_wait3A_696 = tpu.memref_slice %arg9[%dma_wait3A_691, %dma_wait3A_695] : memref<16x128xi32, #tpu.memory_space<vmem>> -> memref<1x128xi32, #tpu.memory_space<vmem>>
    %dma_wait3A_697 = tpu.memref_squeeze %dma_wait3A_696 : memref<1x128xi32, #tpu.memory_space<vmem>> -> memref<128xi32, #tpu.memory_space<vmem>>
    %dma_wait3A_698 = arith.constant 0 : i32
    %dma_wait3A_699 = arith.constant 0 : i32
    %dma_wait3A_700 = tpu.memref_slice %arg2[%dma_wait3A_698, %dma_wait3A_699] : memref<65536x128xf32, #tpu.memory_space<hbm>> -> memref<65536x128xf32, #tpu.memory_space<hbm>>
    tpu.wait_indirect_dma semaphore(%arg12 : memref<!tpu.dma_semaphore, #tpu.memory_space<semaphore_mem>>) src(%dma_wait3A_700 : memref<65536x128xf32, #tpu.memory_space<hbm>>) dst(%dma_wait3A_694 : memref<128x128xf32, #tpu.memory_space<vmem>>)
    %dma_start3A_701 = arith.constant 6 : i32
    %dma_start3A_702 = arith.constant 0 : i32
    %dma_start3A_703 = arith.constant 0 : i32
    %dma_start3A_704 = tpu.memref_slice %arg11[%dma_start3A_702, %dma_start3A_703] : memref<896x128xf32, #tpu.memory_space<vmem>> -> memref<128x128xf32, #tpu.memory_space<vmem>>
    %dma_start3A_705 = arith.constant 0 : i32
    %dma_start3A_706 = tpu.memref_slice %arg8[%dma_start3A_701, %dma_start3A_705] : memref<16x128xi32, #tpu.memory_space<vmem>> -> memref<1x128xi32, #tpu.memory_space<vmem>>
    %dma_start3A_707 = tpu.memref_squeeze %dma_start3A_706 : memref<1x128xi32, #tpu.memory_space<vmem>> -> memref<128xi32, #tpu.memory_space<vmem>>
    %dma_start3A_708 = arith.constant 0 : i32
    %dma_start3A_709 = arith.constant 0 : i32
    %dma_start3A_710 = tpu.memref_slice %arg7[%dma_start3A_708, %dma_start3A_709] : memref<121104x128xf32, #tpu.memory_space<hbm>> -> memref<121104x128xf32, #tpu.memory_space<hbm>>
    tpu.enqueue_indirect_dma source(%dma_start3A_704 : memref<128x128xf32, #tpu.memory_space<vmem>>) target(%dma_start3A_710 : memref<121104x128xf32, #tpu.memory_space<hbm>>) offsets(%dma_start3A_707 : memref<128xi32, #tpu.memory_space<vmem>>) semaphore(%arg13 : memref<!tpu.dma_semaphore, #tpu.memory_space<semaphore_mem>>)
    %dma_start3A_711 = arith.constant 7 : i32
    %dma_start3A_712 = arith.constant 128 : i32
    %dma_start3A_713 = arith.constant 0 : i32
    %dma_start3A_714 = tpu.memref_slice %arg11[%dma_start3A_712, %dma_start3A_713] : memref<896x128xf32, #tpu.memory_space<vmem>> -> memref<128x128xf32, #tpu.memory_space<vmem>>
    %dma_start3A_715 = arith.constant 0 : i32
    %dma_start3A_716 = tpu.memref_slice %arg8[%dma_start3A_711, %dma_start3A_715] : memref<16x128xi32, #tpu.memory_space<vmem>> -> memref<1x128xi32, #tpu.memory_space<vmem>>
    %dma_start3A_717 = tpu.memref_squeeze %dma_start3A_716 : memref<1x128xi32, #tpu.memory_space<vmem>> -> memref<128xi32, #tpu.memory_space<vmem>>
    %dma_start3A_718 = arith.constant 0 : i32
    %dma_start3A_719 = arith.constant 0 : i32
    %dma_start3A_720 = tpu.memref_slice %arg7[%dma_start3A_718, %dma_start3A_719] : memref<121104x128xf32, #tpu.memory_space<hbm>> -> memref<121104x128xf32, #tpu.memory_space<hbm>>
    tpu.enqueue_indirect_dma source(%dma_start3A_714 : memref<128x128xf32, #tpu.memory_space<vmem>>) target(%dma_start3A_720 : memref<121104x128xf32, #tpu.memory_space<hbm>>) offsets(%dma_start3A_717 : memref<128xi32, #tpu.memory_space<vmem>>) semaphore(%arg13 : memref<!tpu.dma_semaphore, #tpu.memory_space<semaphore_mem>>)
    %dma_start3A_721 = arith.constant 8 : i32
    %dma_start3A_722 = arith.constant 256 : i32
    %dma_start3A_723 = arith.constant 0 : i32
    %dma_start3A_724 = tpu.memref_slice %arg11[%dma_start3A_722, %dma_start3A_723] : memref<896x128xf32, #tpu.memory_space<vmem>> -> memref<128x128xf32, #tpu.memory_space<vmem>>
    %dma_start3A_725 = arith.constant 0 : i32
    %dma_start3A_726 = tpu.memref_slice %arg8[%dma_start3A_721, %dma_start3A_725] : memref<16x128xi32, #tpu.memory_space<vmem>> -> memref<1x128xi32, #tpu.memory_space<vmem>>
    %dma_start3A_727 = tpu.memref_squeeze %dma_start3A_726 : memref<1x128xi32, #tpu.memory_space<vmem>> -> memref<128xi32, #tpu.memory_space<vmem>>
    %dma_start3A_728 = arith.constant 0 : i32
    %dma_start3A_729 = arith.constant 0 : i32
    %dma_start3A_730 = tpu.memref_slice %arg7[%dma_start3A_728, %dma_start3A_729] : memref<121104x128xf32, #tpu.memory_space<hbm>> -> memref<121104x128xf32, #tpu.memory_space<hbm>>
    tpu.enqueue_indirect_dma source(%dma_start3A_724 : memref<128x128xf32, #tpu.memory_space<vmem>>) target(%dma_start3A_730 : memref<121104x128xf32, #tpu.memory_space<hbm>>) offsets(%dma_start3A_727 : memref<128xi32, #tpu.memory_space<vmem>>) semaphore(%arg13 : memref<!tpu.dma_semaphore, #tpu.memory_space<semaphore_mem>>)
    %dma_start3A_731 = arith.constant 9 : i32
    %dma_start3A_732 = arith.constant 384 : i32
    %dma_start3A_733 = arith.constant 0 : i32
    %dma_start3A_734 = tpu.memref_slice %arg11[%dma_start3A_732, %dma_start3A_733] : memref<896x128xf32, #tpu.memory_space<vmem>> -> memref<128x128xf32, #tpu.memory_space<vmem>>
    %dma_start3A_735 = arith.constant 0 : i32
    %dma_start3A_736 = tpu.memref_slice %arg8[%dma_start3A_731, %dma_start3A_735] : memref<16x128xi32, #tpu.memory_space<vmem>> -> memref<1x128xi32, #tpu.memory_space<vmem>>
    %dma_start3A_737 = tpu.memref_squeeze %dma_start3A_736 : memref<1x128xi32, #tpu.memory_space<vmem>> -> memref<128xi32, #tpu.memory_space<vmem>>
    %dma_start3A_738 = arith.constant 0 : i32
    %dma_start3A_739 = arith.constant 0 : i32
    %dma_start3A_740 = tpu.memref_slice %arg7[%dma_start3A_738, %dma_start3A_739] : memref<121104x128xf32, #tpu.memory_space<hbm>> -> memref<121104x128xf32, #tpu.memory_space<hbm>>
    tpu.enqueue_indirect_dma source(%dma_start3A_734 : memref<128x128xf32, #tpu.memory_space<vmem>>) target(%dma_start3A_740 : memref<121104x128xf32, #tpu.memory_space<hbm>>) offsets(%dma_start3A_737 : memref<128xi32, #tpu.memory_space<vmem>>) semaphore(%arg13 : memref<!tpu.dma_semaphore, #tpu.memory_space<semaphore_mem>>)
    %dma_start3A_741 = arith.constant 10 : i32
    %dma_start3A_742 = arith.constant 512 : i32
    %dma_start3A_743 = arith.constant 0 : i32
    %dma_start3A_744 = tpu.memref_slice %arg11[%dma_start3A_742, %dma_start3A_743] : memref<896x128xf32, #tpu.memory_space<vmem>> -> memref<128x128xf32, #tpu.memory_space<vmem>>
    %dma_start3A_745 = arith.constant 0 : i32
    %dma_start3A_746 = tpu.memref_slice %arg8[%dma_start3A_741, %dma_start3A_745] : memref<16x128xi32, #tpu.memory_space<vmem>> -> memref<1x128xi32, #tpu.memory_space<vmem>>
    %dma_start3A_747 = tpu.memref_squeeze %dma_start3A_746 : memref<1x128xi32, #tpu.memory_space<vmem>> -> memref<128xi32, #tpu.memory_space<vmem>>
    %dma_start3A_748 = arith.constant 0 : i32
    %dma_start3A_749 = arith.constant 0 : i32
    %dma_start3A_750 = tpu.memref_slice %arg7[%dma_start3A_748, %dma_start3A_749] : memref<121104x128xf32, #tpu.memory_space<hbm>> -> memref<121104x128xf32, #tpu.memory_space<hbm>>
    tpu.enqueue_indirect_dma source(%dma_start3A_744 : memref<128x128xf32, #tpu.memory_space<vmem>>) target(%dma_start3A_750 : memref<121104x128xf32, #tpu.memory_space<hbm>>) offsets(%dma_start3A_747 : memref<128xi32, #tpu.memory_space<vmem>>) semaphore(%arg13 : memref<!tpu.dma_semaphore, #tpu.memory_space<semaphore_mem>>)
    %dma_start3A_751 = arith.constant 11 : i32
    %dma_start3A_752 = arith.constant 640 : i32
    %dma_start3A_753 = arith.constant 0 : i32
    %dma_start3A_754 = tpu.memref_slice %arg11[%dma_start3A_752, %dma_start3A_753] : memref<896x128xf32, #tpu.memory_space<vmem>> -> memref<128x128xf32, #tpu.memory_space<vmem>>
    %dma_start3A_755 = arith.constant 0 : i32
    %dma_start3A_756 = tpu.memref_slice %arg8[%dma_start3A_751, %dma_start3A_755] : memref<16x128xi32, #tpu.memory_space<vmem>> -> memref<1x128xi32, #tpu.memory_space<vmem>>
    %dma_start3A_757 = tpu.memref_squeeze %dma_start3A_756 : memref<1x128xi32, #tpu.memory_space<vmem>> -> memref<128xi32, #tpu.memory_space<vmem>>
    %dma_start3A_758 = arith.constant 0 : i32
    %dma_start3A_759 = arith.constant 0 : i32
    %dma_start3A_760 = tpu.memref_slice %arg7[%dma_start3A_758, %dma_start3A_759] : memref<121104x128xf32, #tpu.memory_space<hbm>> -> memref<121104x128xf32, #tpu.memory_space<hbm>>
    tpu.enqueue_indirect_dma source(%dma_start3A_754 : memref<128x128xf32, #tpu.memory_space<vmem>>) target(%dma_start3A_760 : memref<121104x128xf32, #tpu.memory_space<hbm>>) offsets(%dma_start3A_757 : memref<128xi32, #tpu.memory_space<vmem>>) semaphore(%arg13 : memref<!tpu.dma_semaphore, #tpu.memory_space<semaphore_mem>>)
    %dma_wait3A_761 = arith.constant 6 : i32
    %dma_wait3A_762 = arith.constant 0 : i32
    %dma_wait3A_763 = arith.constant 0 : i32
    %dma_wait3A_764 = tpu.memref_slice %arg11[%dma_wait3A_762, %dma_wait3A_763] : memref<896x128xf32, #tpu.memory_space<vmem>> -> memref<128x128xf32, #tpu.memory_space<vmem>>
    %dma_wait3A_765 = arith.constant 0 : i32
    %dma_wait3A_766 = tpu.memref_slice %arg8[%dma_wait3A_761, %dma_wait3A_765] : memref<16x128xi32, #tpu.memory_space<vmem>> -> memref<1x128xi32, #tpu.memory_space<vmem>>
    %dma_wait3A_767 = tpu.memref_squeeze %dma_wait3A_766 : memref<1x128xi32, #tpu.memory_space<vmem>> -> memref<128xi32, #tpu.memory_space<vmem>>
    %dma_wait3A_768 = arith.constant 0 : i32
    %dma_wait3A_769 = arith.constant 0 : i32
    %dma_wait3A_770 = tpu.memref_slice %arg7[%dma_wait3A_768, %dma_wait3A_769] : memref<121104x128xf32, #tpu.memory_space<hbm>> -> memref<121104x128xf32, #tpu.memory_space<hbm>>
    tpu.wait_indirect_dma semaphore(%arg13 : memref<!tpu.dma_semaphore, #tpu.memory_space<semaphore_mem>>) src(%dma_wait3A_764 : memref<128x128xf32, #tpu.memory_space<vmem>>) dst(%dma_wait3A_770 : memref<121104x128xf32, #tpu.memory_space<hbm>>)
    %dma_wait3A_771 = arith.constant 7 : i32
    %dma_wait3A_772 = arith.constant 128 : i32
    %dma_wait3A_773 = arith.constant 0 : i32
    %dma_wait3A_774 = tpu.memref_slice %arg11[%dma_wait3A_772, %dma_wait3A_773] : memref<896x128xf32, #tpu.memory_space<vmem>> -> memref<128x128xf32, #tpu.memory_space<vmem>>
    %dma_wait3A_775 = arith.constant 0 : i32
    %dma_wait3A_776 = tpu.memref_slice %arg8[%dma_wait3A_771, %dma_wait3A_775] : memref<16x128xi32, #tpu.memory_space<vmem>> -> memref<1x128xi32, #tpu.memory_space<vmem>>
    %dma_wait3A_777 = tpu.memref_squeeze %dma_wait3A_776 : memref<1x128xi32, #tpu.memory_space<vmem>> -> memref<128xi32, #tpu.memory_space<vmem>>
    %dma_wait3A_778 = arith.constant 0 : i32
    %dma_wait3A_779 = arith.constant 0 : i32
    %dma_wait3A_780 = tpu.memref_slice %arg7[%dma_wait3A_778, %dma_wait3A_779] : memref<121104x128xf32, #tpu.memory_space<hbm>> -> memref<121104x128xf32, #tpu.memory_space<hbm>>
    tpu.wait_indirect_dma semaphore(%arg13 : memref<!tpu.dma_semaphore, #tpu.memory_space<semaphore_mem>>) src(%dma_wait3A_774 : memref<128x128xf32, #tpu.memory_space<vmem>>) dst(%dma_wait3A_780 : memref<121104x128xf32, #tpu.memory_space<hbm>>)
    %dma_wait3A_781 = arith.constant 8 : i32
    %dma_wait3A_782 = arith.constant 256 : i32
    %dma_wait3A_783 = arith.constant 0 : i32
    %dma_wait3A_784 = tpu.memref_slice %arg11[%dma_wait3A_782, %dma_wait3A_783] : memref<896x128xf32, #tpu.memory_space<vmem>> -> memref<128x128xf32, #tpu.memory_space<vmem>>
    %dma_wait3A_785 = arith.constant 0 : i32
    %dma_wait3A_786 = tpu.memref_slice %arg8[%dma_wait3A_781, %dma_wait3A_785] : memref<16x128xi32, #tpu.memory_space<vmem>> -> memref<1x128xi32, #tpu.memory_space<vmem>>
    %dma_wait3A_787 = tpu.memref_squeeze %dma_wait3A_786 : memref<1x128xi32, #tpu.memory_space<vmem>> -> memref<128xi32, #tpu.memory_space<vmem>>
    %dma_wait3A_788 = arith.constant 0 : i32
    %dma_wait3A_789 = arith.constant 0 : i32
    %dma_wait3A_790 = tpu.memref_slice %arg7[%dma_wait3A_788, %dma_wait3A_789] : memref<121104x128xf32, #tpu.memory_space<hbm>> -> memref<121104x128xf32, #tpu.memory_space<hbm>>
    tpu.wait_indirect_dma semaphore(%arg13 : memref<!tpu.dma_semaphore, #tpu.memory_space<semaphore_mem>>) src(%dma_wait3A_784 : memref<128x128xf32, #tpu.memory_space<vmem>>) dst(%dma_wait3A_790 : memref<121104x128xf32, #tpu.memory_space<hbm>>)
    %dma_wait3A_791 = arith.constant 9 : i32
    %dma_wait3A_792 = arith.constant 384 : i32
    %dma_wait3A_793 = arith.constant 0 : i32
    %dma_wait3A_794 = tpu.memref_slice %arg11[%dma_wait3A_792, %dma_wait3A_793] : memref<896x128xf32, #tpu.memory_space<vmem>> -> memref<128x128xf32, #tpu.memory_space<vmem>>
    %dma_wait3A_795 = arith.constant 0 : i32
    %dma_wait3A_796 = tpu.memref_slice %arg8[%dma_wait3A_791, %dma_wait3A_795] : memref<16x128xi32, #tpu.memory_space<vmem>> -> memref<1x128xi32, #tpu.memory_space<vmem>>
    %dma_wait3A_797 = tpu.memref_squeeze %dma_wait3A_796 : memref<1x128xi32, #tpu.memory_space<vmem>> -> memref<128xi32, #tpu.memory_space<vmem>>
    %dma_wait3A_798 = arith.constant 0 : i32
    %dma_wait3A_799 = arith.constant 0 : i32
    %dma_wait3A_800 = tpu.memref_slice %arg7[%dma_wait3A_798, %dma_wait3A_799] : memref<121104x128xf32, #tpu.memory_space<hbm>> -> memref<121104x128xf32, #tpu.memory_space<hbm>>
    tpu.wait_indirect_dma semaphore(%arg13 : memref<!tpu.dma_semaphore, #tpu.memory_space<semaphore_mem>>) src(%dma_wait3A_794 : memref<128x128xf32, #tpu.memory_space<vmem>>) dst(%dma_wait3A_800 : memref<121104x128xf32, #tpu.memory_space<hbm>>)
    %dma_wait3A_801 = arith.constant 10 : i32
    %dma_wait3A_802 = arith.constant 512 : i32
    %dma_wait3A_803 = arith.constant 0 : i32
    %dma_wait3A_804 = tpu.memref_slice %arg11[%dma_wait3A_802, %dma_wait3A_803] : memref<896x128xf32, #tpu.memory_space<vmem>> -> memref<128x128xf32, #tpu.memory_space<vmem>>
    %dma_wait3A_805 = arith.constant 0 : i32
    %dma_wait3A_806 = tpu.memref_slice %arg8[%dma_wait3A_801, %dma_wait3A_805] : memref<16x128xi32, #tpu.memory_space<vmem>> -> memref<1x128xi32, #tpu.memory_space<vmem>>
    %dma_wait3A_807 = tpu.memref_squeeze %dma_wait3A_806 : memref<1x128xi32, #tpu.memory_space<vmem>> -> memref<128xi32, #tpu.memory_space<vmem>>
    %dma_wait3A_808 = arith.constant 0 : i32
    %dma_wait3A_809 = arith.constant 0 : i32
    %dma_wait3A_810 = tpu.memref_slice %arg7[%dma_wait3A_808, %dma_wait3A_809] : memref<121104x128xf32, #tpu.memory_space<hbm>> -> memref<121104x128xf32, #tpu.memory_space<hbm>>
    tpu.wait_indirect_dma semaphore(%arg13 : memref<!tpu.dma_semaphore, #tpu.memory_space<semaphore_mem>>) src(%dma_wait3A_804 : memref<128x128xf32, #tpu.memory_space<vmem>>) dst(%dma_wait3A_810 : memref<121104x128xf32, #tpu.memory_space<hbm>>)
    %dma_wait3A_811 = arith.constant 11 : i32
    %dma_wait3A_812 = arith.constant 640 : i32
    %dma_wait3A_813 = arith.constant 0 : i32
    %dma_wait3A_814 = tpu.memref_slice %arg11[%dma_wait3A_812, %dma_wait3A_813] : memref<896x128xf32, #tpu.memory_space<vmem>> -> memref<128x128xf32, #tpu.memory_space<vmem>>
    %dma_wait3A_815 = arith.constant 0 : i32
    %dma_wait3A_816 = tpu.memref_slice %arg8[%dma_wait3A_811, %dma_wait3A_815] : memref<16x128xi32, #tpu.memory_space<vmem>> -> memref<1x128xi32, #tpu.memory_space<vmem>>
    %dma_wait3A_817 = tpu.memref_squeeze %dma_wait3A_816 : memref<1x128xi32, #tpu.memory_space<vmem>> -> memref<128xi32, #tpu.memory_space<vmem>>
    %dma_wait3A_818 = arith.constant 0 : i32
    %dma_wait3A_819 = arith.constant 0 : i32
    %dma_wait3A_820 = tpu.memref_slice %arg7[%dma_wait3A_818, %dma_wait3A_819] : memref<121104x128xf32, #tpu.memory_space<hbm>> -> memref<121104x128xf32, #tpu.memory_space<hbm>>
    tpu.wait_indirect_dma semaphore(%arg13 : memref<!tpu.dma_semaphore, #tpu.memory_space<semaphore_mem>>) src(%dma_wait3A_814 : memref<128x128xf32, #tpu.memory_space<vmem>>) dst(%dma_wait3A_820 : memref<121104x128xf32, #tpu.memory_space<hbm>>)
    %dma_start3A_821 = arith.constant 12 : i32
    %dma_start3A_822 = arith.constant 0 : i32
    %dma_start3A_823 = arith.constant 0 : i32
    %dma_start3A_824 = tpu.memref_slice %arg11[%dma_start3A_822, %dma_start3A_823] : memref<896x128xf32, #tpu.memory_space<vmem>> -> memref<128x128xf32, #tpu.memory_space<vmem>>
    %dma_start3A_825 = arith.constant 0 : i32
    %dma_start3A_826 = tpu.memref_slice %arg9[%dma_start3A_821, %dma_start3A_825] : memref<16x128xi32, #tpu.memory_space<vmem>> -> memref<1x128xi32, #tpu.memory_space<vmem>>
    %dma_start3A_827 = tpu.memref_squeeze %dma_start3A_826 : memref<1x128xi32, #tpu.memory_space<vmem>> -> memref<128xi32, #tpu.memory_space<vmem>>
    %dma_start3A_828 = arith.constant 0 : i32
    %dma_start3A_829 = arith.constant 0 : i32
    %dma_start3A_830 = tpu.memref_slice %arg2[%dma_start3A_828, %dma_start3A_829] : memref<65536x128xf32, #tpu.memory_space<hbm>> -> memref<65536x128xf32, #tpu.memory_space<hbm>>
    tpu.enqueue_indirect_dma source(%dma_start3A_830 : memref<65536x128xf32, #tpu.memory_space<hbm>>) target(%dma_start3A_824 : memref<128x128xf32, #tpu.memory_space<vmem>>) offsets(%dma_start3A_827 : memref<128xi32, #tpu.memory_space<vmem>>) semaphore(%arg12 : memref<!tpu.dma_semaphore, #tpu.memory_space<semaphore_mem>>)
    %dma_start3A_831 = arith.constant 13 : i32
    %dma_start3A_832 = arith.constant 128 : i32
    %dma_start3A_833 = arith.constant 0 : i32
    %dma_start3A_834 = tpu.memref_slice %arg11[%dma_start3A_832, %dma_start3A_833] : memref<896x128xf32, #tpu.memory_space<vmem>> -> memref<128x128xf32, #tpu.memory_space<vmem>>
    %dma_start3A_835 = arith.constant 0 : i32
    %dma_start3A_836 = tpu.memref_slice %arg9[%dma_start3A_831, %dma_start3A_835] : memref<16x128xi32, #tpu.memory_space<vmem>> -> memref<1x128xi32, #tpu.memory_space<vmem>>
    %dma_start3A_837 = tpu.memref_squeeze %dma_start3A_836 : memref<1x128xi32, #tpu.memory_space<vmem>> -> memref<128xi32, #tpu.memory_space<vmem>>
    %dma_start3A_838 = arith.constant 0 : i32
    %dma_start3A_839 = arith.constant 0 : i32
    %dma_start3A_840 = tpu.memref_slice %arg2[%dma_start3A_838, %dma_start3A_839] : memref<65536x128xf32, #tpu.memory_space<hbm>> -> memref<65536x128xf32, #tpu.memory_space<hbm>>
    tpu.enqueue_indirect_dma source(%dma_start3A_840 : memref<65536x128xf32, #tpu.memory_space<hbm>>) target(%dma_start3A_834 : memref<128x128xf32, #tpu.memory_space<vmem>>) offsets(%dma_start3A_837 : memref<128xi32, #tpu.memory_space<vmem>>) semaphore(%arg12 : memref<!tpu.dma_semaphore, #tpu.memory_space<semaphore_mem>>)
    %dma_start3A_841 = arith.constant 14 : i32
    %dma_start3A_842 = arith.constant 256 : i32
    %dma_start3A_843 = arith.constant 0 : i32
    %dma_start3A_844 = tpu.memref_slice %arg11[%dma_start3A_842, %dma_start3A_843] : memref<896x128xf32, #tpu.memory_space<vmem>> -> memref<128x128xf32, #tpu.memory_space<vmem>>
    %dma_start3A_845 = arith.constant 0 : i32
    %dma_start3A_846 = tpu.memref_slice %arg9[%dma_start3A_841, %dma_start3A_845] : memref<16x128xi32, #tpu.memory_space<vmem>> -> memref<1x128xi32, #tpu.memory_space<vmem>>
    %dma_start3A_847 = tpu.memref_squeeze %dma_start3A_846 : memref<1x128xi32, #tpu.memory_space<vmem>> -> memref<128xi32, #tpu.memory_space<vmem>>
    %dma_start3A_848 = arith.constant 0 : i32
    %dma_start3A_849 = arith.constant 0 : i32
    %dma_start3A_850 = tpu.memref_slice %arg2[%dma_start3A_848, %dma_start3A_849] : memref<65536x128xf32, #tpu.memory_space<hbm>> -> memref<65536x128xf32, #tpu.memory_space<hbm>>
    tpu.enqueue_indirect_dma source(%dma_start3A_850 : memref<65536x128xf32, #tpu.memory_space<hbm>>) target(%dma_start3A_844 : memref<128x128xf32, #tpu.memory_space<vmem>>) offsets(%dma_start3A_847 : memref<128xi32, #tpu.memory_space<vmem>>) semaphore(%arg12 : memref<!tpu.dma_semaphore, #tpu.memory_space<semaphore_mem>>)
    %dma_start3A_851 = arith.constant 15 : i32
    %dma_start3A_852 = arith.constant 384 : i32
    %dma_start3A_853 = arith.constant 0 : i32
    %dma_start3A_854 = tpu.memref_slice %arg11[%dma_start3A_852, %dma_start3A_853] : memref<896x128xf32, #tpu.memory_space<vmem>> -> memref<128x128xf32, #tpu.memory_space<vmem>>
    %dma_start3A_855 = arith.constant 0 : i32
    %dma_start3A_856 = tpu.memref_slice %arg9[%dma_start3A_851, %dma_start3A_855] : memref<16x128xi32, #tpu.memory_space<vmem>> -> memref<1x128xi32, #tpu.memory_space<vmem>>
    %dma_start3A_857 = tpu.memref_squeeze %dma_start3A_856 : memref<1x128xi32, #tpu.memory_space<vmem>> -> memref<128xi32, #tpu.memory_space<vmem>>
    %dma_start3A_858 = arith.constant 0 : i32
    %dma_start3A_859 = arith.constant 0 : i32
    %dma_start3A_860 = tpu.memref_slice %arg2[%dma_start3A_858, %dma_start3A_859] : memref<65536x128xf32, #tpu.memory_space<hbm>> -> memref<65536x128xf32, #tpu.memory_space<hbm>>
    tpu.enqueue_indirect_dma source(%dma_start3A_860 : memref<65536x128xf32, #tpu.memory_space<hbm>>) target(%dma_start3A_854 : memref<128x128xf32, #tpu.memory_space<vmem>>) offsets(%dma_start3A_857 : memref<128xi32, #tpu.memory_space<vmem>>) semaphore(%arg12 : memref<!tpu.dma_semaphore, #tpu.memory_space<semaphore_mem>>)
    %dma_wait3A_861 = arith.constant 12 : i32
    %dma_wait3A_862 = arith.constant 0 : i32
    %dma_wait3A_863 = arith.constant 0 : i32
    %dma_wait3A_864 = tpu.memref_slice %arg11[%dma_wait3A_862, %dma_wait3A_863] : memref<896x128xf32, #tpu.memory_space<vmem>> -> memref<128x128xf32, #tpu.memory_space<vmem>>
    %dma_wait3A_865 = arith.constant 0 : i32
    %dma_wait3A_866 = tpu.memref_slice %arg9[%dma_wait3A_861, %dma_wait3A_865] : memref<16x128xi32, #tpu.memory_space<vmem>> -> memref<1x128xi32, #tpu.memory_space<vmem>>
    %dma_wait3A_867 = tpu.memref_squeeze %dma_wait3A_866 : memref<1x128xi32, #tpu.memory_space<vmem>> -> memref<128xi32, #tpu.memory_space<vmem>>
    %dma_wait3A_868 = arith.constant 0 : i32
    %dma_wait3A_869 = arith.constant 0 : i32
    %dma_wait3A_870 = tpu.memref_slice %arg2[%dma_wait3A_868, %dma_wait3A_869] : memref<65536x128xf32, #tpu.memory_space<hbm>> -> memref<65536x128xf32, #tpu.memory_space<hbm>>
    tpu.wait_indirect_dma semaphore(%arg12 : memref<!tpu.dma_semaphore, #tpu.memory_space<semaphore_mem>>) src(%dma_wait3A_870 : memref<65536x128xf32, #tpu.memory_space<hbm>>) dst(%dma_wait3A_864 : memref<128x128xf32, #tpu.memory_space<vmem>>)
    %dma_wait3A_871 = arith.constant 13 : i32
    %dma_wait3A_872 = arith.constant 128 : i32
    %dma_wait3A_873 = arith.constant 0 : i32
    %dma_wait3A_874 = tpu.memref_slice %arg11[%dma_wait3A_872, %dma_wait3A_873] : memref<896x128xf32, #tpu.memory_space<vmem>> -> memref<128x128xf32, #tpu.memory_space<vmem>>
    %dma_wait3A_875 = arith.constant 0 : i32
    %dma_wait3A_876 = tpu.memref_slice %arg9[%dma_wait3A_871, %dma_wait3A_875] : memref<16x128xi32, #tpu.memory_space<vmem>> -> memref<1x128xi32, #tpu.memory_space<vmem>>
    %dma_wait3A_877 = tpu.memref_squeeze %dma_wait3A_876 : memref<1x128xi32, #tpu.memory_space<vmem>> -> memref<128xi32, #tpu.memory_space<vmem>>
    %dma_wait3A_878 = arith.constant 0 : i32
    %dma_wait3A_879 = arith.constant 0 : i32
    %dma_wait3A_880 = tpu.memref_slice %arg2[%dma_wait3A_878, %dma_wait3A_879] : memref<65536x128xf32, #tpu.memory_space<hbm>> -> memref<65536x128xf32, #tpu.memory_space<hbm>>
    tpu.wait_indirect_dma semaphore(%arg12 : memref<!tpu.dma_semaphore, #tpu.memory_space<semaphore_mem>>) src(%dma_wait3A_880 : memref<65536x128xf32, #tpu.memory_space<hbm>>) dst(%dma_wait3A_874 : memref<128x128xf32, #tpu.memory_space<vmem>>)
    %dma_wait3A_881 = arith.constant 14 : i32
    %dma_wait3A_882 = arith.constant 256 : i32
    %dma_wait3A_883 = arith.constant 0 : i32
    %dma_wait3A_884 = tpu.memref_slice %arg11[%dma_wait3A_882, %dma_wait3A_883] : memref<896x128xf32, #tpu.memory_space<vmem>> -> memref<128x128xf32, #tpu.memory_space<vmem>>
    %dma_wait3A_885 = arith.constant 0 : i32
    %dma_wait3A_886 = tpu.memref_slice %arg9[%dma_wait3A_881, %dma_wait3A_885] : memref<16x128xi32, #tpu.memory_space<vmem>> -> memref<1x128xi32, #tpu.memory_space<vmem>>
    %dma_wait3A_887 = tpu.memref_squeeze %dma_wait3A_886 : memref<1x128xi32, #tpu.memory_space<vmem>> -> memref<128xi32, #tpu.memory_space<vmem>>
    %dma_wait3A_888 = arith.constant 0 : i32
    %dma_wait3A_889 = arith.constant 0 : i32
    %dma_wait3A_890 = tpu.memref_slice %arg2[%dma_wait3A_888, %dma_wait3A_889] : memref<65536x128xf32, #tpu.memory_space<hbm>> -> memref<65536x128xf32, #tpu.memory_space<hbm>>
    tpu.wait_indirect_dma semaphore(%arg12 : memref<!tpu.dma_semaphore, #tpu.memory_space<semaphore_mem>>) src(%dma_wait3A_890 : memref<65536x128xf32, #tpu.memory_space<hbm>>) dst(%dma_wait3A_884 : memref<128x128xf32, #tpu.memory_space<vmem>>)
    %dma_wait3A_891 = arith.constant 15 : i32
    %dma_wait3A_892 = arith.constant 384 : i32
    %dma_wait3A_893 = arith.constant 0 : i32
    %dma_wait3A_894 = tpu.memref_slice %arg11[%dma_wait3A_892, %dma_wait3A_893] : memref<896x128xf32, #tpu.memory_space<vmem>> -> memref<128x128xf32, #tpu.memory_space<vmem>>
    %dma_wait3A_895 = arith.constant 0 : i32
    %dma_wait3A_896 = tpu.memref_slice %arg9[%dma_wait3A_891, %dma_wait3A_895] : memref<16x128xi32, #tpu.memory_space<vmem>> -> memref<1x128xi32, #tpu.memory_space<vmem>>
    %dma_wait3A_897 = tpu.memref_squeeze %dma_wait3A_896 : memref<1x128xi32, #tpu.memory_space<vmem>> -> memref<128xi32, #tpu.memory_space<vmem>>
    %dma_wait3A_898 = arith.constant 0 : i32
    %dma_wait3A_899 = arith.constant 0 : i32
    %dma_wait3A_900 = tpu.memref_slice %arg2[%dma_wait3A_898, %dma_wait3A_899] : memref<65536x128xf32, #tpu.memory_space<hbm>> -> memref<65536x128xf32, #tpu.memory_space<hbm>>
    tpu.wait_indirect_dma semaphore(%arg12 : memref<!tpu.dma_semaphore, #tpu.memory_space<semaphore_mem>>) src(%dma_wait3A_900 : memref<65536x128xf32, #tpu.memory_space<hbm>>) dst(%dma_wait3A_894 : memref<128x128xf32, #tpu.memory_space<vmem>>)
    %dma_start3A_901 = arith.constant 12 : i32
    %dma_start3A_902 = arith.constant 0 : i32
    %dma_start3A_903 = arith.constant 0 : i32
    %dma_start3A_904 = tpu.memref_slice %arg11[%dma_start3A_902, %dma_start3A_903] : memref<896x128xf32, #tpu.memory_space<vmem>> -> memref<128x128xf32, #tpu.memory_space<vmem>>
    %dma_start3A_905 = arith.constant 0 : i32
    %dma_start3A_906 = tpu.memref_slice %arg8[%dma_start3A_901, %dma_start3A_905] : memref<16x128xi32, #tpu.memory_space<vmem>> -> memref<1x128xi32, #tpu.memory_space<vmem>>
    %dma_start3A_907 = tpu.memref_squeeze %dma_start3A_906 : memref<1x128xi32, #tpu.memory_space<vmem>> -> memref<128xi32, #tpu.memory_space<vmem>>
    %dma_start3A_908 = arith.constant 0 : i32
    %dma_start3A_909 = arith.constant 0 : i32
    %dma_start3A_910 = tpu.memref_slice %arg7[%dma_start3A_908, %dma_start3A_909] : memref<121104x128xf32, #tpu.memory_space<hbm>> -> memref<121104x128xf32, #tpu.memory_space<hbm>>
    tpu.enqueue_indirect_dma source(%dma_start3A_904 : memref<128x128xf32, #tpu.memory_space<vmem>>) target(%dma_start3A_910 : memref<121104x128xf32, #tpu.memory_space<hbm>>) offsets(%dma_start3A_907 : memref<128xi32, #tpu.memory_space<vmem>>) semaphore(%arg13 : memref<!tpu.dma_semaphore, #tpu.memory_space<semaphore_mem>>)
    %dma_start3A_911 = arith.constant 13 : i32
    %dma_start3A_912 = arith.constant 128 : i32
    %dma_start3A_913 = arith.constant 0 : i32
    %dma_start3A_914 = tpu.memref_slice %arg11[%dma_start3A_912, %dma_start3A_913] : memref<896x128xf32, #tpu.memory_space<vmem>> -> memref<128x128xf32, #tpu.memory_space<vmem>>
    %dma_start3A_915 = arith.constant 0 : i32
    %dma_start3A_916 = tpu.memref_slice %arg8[%dma_start3A_911, %dma_start3A_915] : memref<16x128xi32, #tpu.memory_space<vmem>> -> memref<1x128xi32, #tpu.memory_space<vmem>>
    %dma_start3A_917 = tpu.memref_squeeze %dma_start3A_916 : memref<1x128xi32, #tpu.memory_space<vmem>> -> memref<128xi32, #tpu.memory_space<vmem>>
    %dma_start3A_918 = arith.constant 0 : i32
    %dma_start3A_919 = arith.constant 0 : i32
    %dma_start3A_920 = tpu.memref_slice %arg7[%dma_start3A_918, %dma_start3A_919] : memref<121104x128xf32, #tpu.memory_space<hbm>> -> memref<121104x128xf32, #tpu.memory_space<hbm>>
    tpu.enqueue_indirect_dma source(%dma_start3A_914 : memref<128x128xf32, #tpu.memory_space<vmem>>) target(%dma_start3A_920 : memref<121104x128xf32, #tpu.memory_space<hbm>>) offsets(%dma_start3A_917 : memref<128xi32, #tpu.memory_space<vmem>>) semaphore(%arg13 : memref<!tpu.dma_semaphore, #tpu.memory_space<semaphore_mem>>)
    %dma_start3A_921 = arith.constant 14 : i32
    %dma_start3A_922 = arith.constant 256 : i32
    %dma_start3A_923 = arith.constant 0 : i32
    %dma_start3A_924 = tpu.memref_slice %arg11[%dma_start3A_922, %dma_start3A_923] : memref<896x128xf32, #tpu.memory_space<vmem>> -> memref<128x128xf32, #tpu.memory_space<vmem>>
    %dma_start3A_925 = arith.constant 0 : i32
    %dma_start3A_926 = tpu.memref_slice %arg8[%dma_start3A_921, %dma_start3A_925] : memref<16x128xi32, #tpu.memory_space<vmem>> -> memref<1x128xi32, #tpu.memory_space<vmem>>
    %dma_start3A_927 = tpu.memref_squeeze %dma_start3A_926 : memref<1x128xi32, #tpu.memory_space<vmem>> -> memref<128xi32, #tpu.memory_space<vmem>>
    %dma_start3A_928 = arith.constant 0 : i32
    %dma_start3A_929 = arith.constant 0 : i32
    %dma_start3A_930 = tpu.memref_slice %arg7[%dma_start3A_928, %dma_start3A_929] : memref<121104x128xf32, #tpu.memory_space<hbm>> -> memref<121104x128xf32, #tpu.memory_space<hbm>>
    tpu.enqueue_indirect_dma source(%dma_start3A_924 : memref<128x128xf32, #tpu.memory_space<vmem>>) target(%dma_start3A_930 : memref<121104x128xf32, #tpu.memory_space<hbm>>) offsets(%dma_start3A_927 : memref<128xi32, #tpu.memory_space<vmem>>) semaphore(%arg13 : memref<!tpu.dma_semaphore, #tpu.memory_space<semaphore_mem>>)
    %dma_start3A_931 = arith.constant 15 : i32
    %dma_start3A_932 = arith.constant 384 : i32
    %dma_start3A_933 = arith.constant 0 : i32
    %dma_start3A_934 = tpu.memref_slice %arg11[%dma_start3A_932, %dma_start3A_933] : memref<896x128xf32, #tpu.memory_space<vmem>> -> memref<128x128xf32, #tpu.memory_space<vmem>>
    %dma_start3A_935 = arith.constant 0 : i32
    %dma_start3A_936 = tpu.memref_slice %arg8[%dma_start3A_931, %dma_start3A_935] : memref<16x128xi32, #tpu.memory_space<vmem>> -> memref<1x128xi32, #tpu.memory_space<vmem>>
    %dma_start3A_937 = tpu.memref_squeeze %dma_start3A_936 : memref<1x128xi32, #tpu.memory_space<vmem>> -> memref<128xi32, #tpu.memory_space<vmem>>
    %dma_start3A_938 = arith.constant 0 : i32
    %dma_start3A_939 = arith.constant 0 : i32
    %dma_start3A_940 = tpu.memref_slice %arg7[%dma_start3A_938, %dma_start3A_939] : memref<121104x128xf32, #tpu.memory_space<hbm>> -> memref<121104x128xf32, #tpu.memory_space<hbm>>
    tpu.enqueue_indirect_dma source(%dma_start3A_934 : memref<128x128xf32, #tpu.memory_space<vmem>>) target(%dma_start3A_940 : memref<121104x128xf32, #tpu.memory_space<hbm>>) offsets(%dma_start3A_937 : memref<128xi32, #tpu.memory_space<vmem>>) semaphore(%arg13 : memref<!tpu.dma_semaphore, #tpu.memory_space<semaphore_mem>>)
    %dma_wait3A_941 = arith.constant 12 : i32
    %dma_wait3A_942 = arith.constant 0 : i32
    %dma_wait3A_943 = arith.constant 0 : i32
    %dma_wait3A_944 = tpu.memref_slice %arg11[%dma_wait3A_942, %dma_wait3A_943] : memref<896x128xf32, #tpu.memory_space<vmem>> -> memref<128x128xf32, #tpu.memory_space<vmem>>
    %dma_wait3A_945 = arith.constant 0 : i32
    %dma_wait3A_946 = tpu.memref_slice %arg8[%dma_wait3A_941, %dma_wait3A_945] : memref<16x128xi32, #tpu.memory_space<vmem>> -> memref<1x128xi32, #tpu.memory_space<vmem>>
    %dma_wait3A_947 = tpu.memref_squeeze %dma_wait3A_946 : memref<1x128xi32, #tpu.memory_space<vmem>> -> memref<128xi32, #tpu.memory_space<vmem>>
    %dma_wait3A_948 = arith.constant 0 : i32
    %dma_wait3A_949 = arith.constant 0 : i32
    %dma_wait3A_950 = tpu.memref_slice %arg7[%dma_wait3A_948, %dma_wait3A_949] : memref<121104x128xf32, #tpu.memory_space<hbm>> -> memref<121104x128xf32, #tpu.memory_space<hbm>>
    tpu.wait_indirect_dma semaphore(%arg13 : memref<!tpu.dma_semaphore, #tpu.memory_space<semaphore_mem>>) src(%dma_wait3A_944 : memref<128x128xf32, #tpu.memory_space<vmem>>) dst(%dma_wait3A_950 : memref<121104x128xf32, #tpu.memory_space<hbm>>)
    %dma_wait3A_951 = arith.constant 13 : i32
    %dma_wait3A_952 = arith.constant 128 : i32
    %dma_wait3A_953 = arith.constant 0 : i32
    %dma_wait3A_954 = tpu.memref_slice %arg11[%dma_wait3A_952, %dma_wait3A_953] : memref<896x128xf32, #tpu.memory_space<vmem>> -> memref<128x128xf32, #tpu.memory_space<vmem>>
    %dma_wait3A_955 = arith.constant 0 : i32
    %dma_wait3A_956 = tpu.memref_slice %arg8[%dma_wait3A_951, %dma_wait3A_955] : memref<16x128xi32, #tpu.memory_space<vmem>> -> memref<1x128xi32, #tpu.memory_space<vmem>>
    %dma_wait3A_957 = tpu.memref_squeeze %dma_wait3A_956 : memref<1x128xi32, #tpu.memory_space<vmem>> -> memref<128xi32, #tpu.memory_space<vmem>>
    %dma_wait3A_958 = arith.constant 0 : i32
    %dma_wait3A_959 = arith.constant 0 : i32
    %dma_wait3A_960 = tpu.memref_slice %arg7[%dma_wait3A_958, %dma_wait3A_959] : memref<121104x128xf32, #tpu.memory_space<hbm>> -> memref<121104x128xf32, #tpu.memory_space<hbm>>
    tpu.wait_indirect_dma semaphore(%arg13 : memref<!tpu.dma_semaphore, #tpu.memory_space<semaphore_mem>>) src(%dma_wait3A_954 : memref<128x128xf32, #tpu.memory_space<vmem>>) dst(%dma_wait3A_960 : memref<121104x128xf32, #tpu.memory_space<hbm>>)
    %dma_wait3A_961 = arith.constant 14 : i32
    %dma_wait3A_962 = arith.constant 256 : i32
    %dma_wait3A_963 = arith.constant 0 : i32
    %dma_wait3A_964 = tpu.memref_slice %arg11[%dma_wait3A_962, %dma_wait3A_963] : memref<896x128xf32, #tpu.memory_space<vmem>> -> memref<128x128xf32, #tpu.memory_space<vmem>>
    %dma_wait3A_965 = arith.constant 0 : i32
    %dma_wait3A_966 = tpu.memref_slice %arg8[%dma_wait3A_961, %dma_wait3A_965] : memref<16x128xi32, #tpu.memory_space<vmem>> -> memref<1x128xi32, #tpu.memory_space<vmem>>
    %dma_wait3A_967 = tpu.memref_squeeze %dma_wait3A_966 : memref<1x128xi32, #tpu.memory_space<vmem>> -> memref<128xi32, #tpu.memory_space<vmem>>
    %dma_wait3A_968 = arith.constant 0 : i32
    %dma_wait3A_969 = arith.constant 0 : i32
    %dma_wait3A_970 = tpu.memref_slice %arg7[%dma_wait3A_968, %dma_wait3A_969] : memref<121104x128xf32, #tpu.memory_space<hbm>> -> memref<121104x128xf32, #tpu.memory_space<hbm>>
    tpu.wait_indirect_dma semaphore(%arg13 : memref<!tpu.dma_semaphore, #tpu.memory_space<semaphore_mem>>) src(%dma_wait3A_964 : memref<128x128xf32, #tpu.memory_space<vmem>>) dst(%dma_wait3A_970 : memref<121104x128xf32, #tpu.memory_space<hbm>>)
    %dma_wait3A_971 = arith.constant 15 : i32
    %dma_wait3A_972 = arith.constant 384 : i32
    %dma_wait3A_973 = arith.constant 0 : i32
    %dma_wait3A_974 = tpu.memref_slice %arg11[%dma_wait3A_972, %dma_wait3A_973] : memref<896x128xf32, #tpu.memory_space<vmem>> -> memref<128x128xf32, #tpu.memory_space<vmem>>
    %dma_wait3A_975 = arith.constant 0 : i32
    %dma_wait3A_976 = tpu.memref_slice %arg8[%dma_wait3A_971, %dma_wait3A_975] : memref<16x128xi32, #tpu.memory_space<vmem>> -> memref<1x128xi32, #tpu.memory_space<vmem>>
    %dma_wait3A_977 = tpu.memref_squeeze %dma_wait3A_976 : memref<1x128xi32, #tpu.memory_space<vmem>> -> memref<128xi32, #tpu.memory_space<vmem>>
    %dma_wait3A_978 = arith.constant 0 : i32
    %dma_wait3A_979 = arith.constant 0 : i32
    %dma_wait3A_980 = tpu.memref_slice %arg7[%dma_wait3A_978, %dma_wait3A_979] : memref<121104x128xf32, #tpu.memory_space<hbm>> -> memref<121104x128xf32, #tpu.memory_space<hbm>>
    tpu.wait_indirect_dma semaphore(%arg13 : memref<!tpu.dma_semaphore, #tpu.memory_space<semaphore_mem>>) src(%dma_wait3A_974 : memref<128x128xf32, #tpu.memory_space<vmem>>) dst(%dma_wait3A_980 : memref<121104x128xf32, #tpu.memory_space<hbm>>)
    return
  }
}

</mosaic_0001>

<sc_bundles>
// kernel: kernel.3.cloned.1.call-start
scs
__scs_entry_jumppad:
0x0: {  	(pc) =	sbr.rel $0x88, $3  }
0x1: {  	(tag) =	ssettag $0x0;
	lr =	simm.s32 $0x1  }
0x2: {  	[smem:$0x3FA0] =	sst lr;
	_ =	strace $0xD0000000  }
0x3: {  	_ = 	snop  }
0x4: {  	_ = 	snop  }
0x5: {  	_ = 	snop  }
0x6: {  	_ = 	snop  }
0x7: {  	_ = 	snop  }
__scs_overlays_trampoline_lowered:
0x8: {  	[smem:$0x3FAF] =	sst s0  }
0x9: {  	[smem:$0x3FB0] =	sst s1  }
0xa: {  	[smem:$0x3FB1] =	sst s2  }
0xb: {  	[smem:$0x3FB2] =	sst s3  }
0xc: {  	[smem:$0x3FB3] =	sst s4  }
0xd: {  	[smem:$0x3FB4] =	sst s5  }
0xe: {  	[smem:$0x3FB5] =	sst s6  }
0xf: {  	[smem:$0x3FB6] =	sst s7  }
0x10: {  	[smem:$0x3FB7] =	sst s8  }
0x11: {  	[smem:$0x3FB8] =	sst s9;
	s0 =	simm.s32 @!p0 $0x0  }
0x12: {  	s1 =	sld [smem:$0x3F9E];
	s0 =	simm.s32 @p0 $0x1  }
0x13: {  	[smem:$0x3FB9] =	sst s0;
	s0 =	simm.s32 @!p1 $0x0  }
0x14: {  	s2 =	sld [smem:$0x3F9D];
	s0 =	simm.s32 @p1 $0x1  }
0x15: {  	[smem:$0x3FBA] =	sst s0;
	s0 =	simm.s32 @!p2 $0x0  }
0x16: {  	s3 =	sld [smem:$0x3FDB];
	s0 =	simm.s32 @p2 $0x1  }
0x17: {  	s4 =	simm.s32 $0x1BF5;
	[smem:$0x3FBC] =	sst s0  }
0x18: {  	s0 =	sld [smem:$0x3F9F];
	_ =	swait.ge [sflag:s4], $0x0  }
0x19: {  	s7 =	sld [smem:$0x3FA0]  }
0x1a: {  	s8 =	sadd.s32 $0xFFFFE003, lr  }
0x1b: {  	s9 =	sadd.s32 $0xFFFFFEF7, lr;
	s5 =	simm.s32 $0xFFFFFFFF;
	p2 =	slt.u32 s8, $0xFFFFF086  }
0x1c: {  	p1 =	slt.u32 s9, $0xF7A;
	s5 =	simm.s32 @!p2 $0x0  }
0x1d: {  	s5 =	simm.s32 @p1 $0x1;
	p0 =	seq.s32 s7, s2  }
0x1e: {  	s7 =	smul.u32 @!p0 $0xF7A, s2;
	p2 =	seq.s32 @!p0 s5, $0x0  }
0x1f: {  	s9 =	smul.u32 $0xF7A, s1;
	s8 =	simm.s32 @!p0 $0x1BF5;
	p2 =	por !p2, p0  }
0x20: {  	[sflag:s8] =	ssyncset.s32 @!p0 $0xFFFFF086;
	s6 =	sadd.s32 @!p0 s3, s7;
	s7 =	simm.s32 @!p0 $0x108  }
0x21: {  	s3 =	sadd.s32 s3, s9;
	s6 =	sadd.s32 @!p0 $0x88, s6;
	s7 =	simm.s32 @p2 $0x1082  }
0x22: {  	[simem:s7], [sflag:s8] =	dma.local @!p0 [hbm:s6], $0xF7A  }
0x23: {  	s9 =	sor.u32 $0xD0000000, s2;
	s6 =	simm.s32 $0x108;
	_ =	swait.ge @!p0 [sflag:s8], $0x0  }
0x24: {  	s3 =	sadd.s32 $0x88, s3;
	s6 =	simm.s32 @!p1 $0x1082;
	[sflag:s4] =	ssyncset.s32 $0xFFFFF086  }
0x25: {  	[simem:s6], [sflag:s4] =	dma.local [hbm:s3], $0xF7A  }
0x26: {  	[smem:$0x3FA0] =	sst s1;
	(tag) =	ssettag s2;
	_ =	strace s9  }
0x27: {  	s1 =	sld [smem:$0x3FB0]  }
0x28: {  	s2 =	sld [smem:$0x3FB1]  }
0x29: {  	s4 =	sld [smem:$0x3FB3]  }
0x2a: {  	p0 =	seq.s32 s5, $0x0;
	s5 =	sld [smem:$0x3FB4]  }
0x2b: {  	s6 =	sld [smem:$0x3FB5]  }
0x2c: {  	s7 =	sld [smem:$0x3FB6]  }
0x2d: {  	s3 =	simm.s32 $0x108;
	s8 =	sld [smem:$0x3FB7]  }
0x2e: {  	s3 =	simm.s32 @!p0 $0x1082;
	s9 =	sld [smem:$0x3FB8]  }
0x2f: {  	lr =	sadd.s32 s0, s3;
	s0 =	sld [smem:$0x3FAF]  }
0x30: {  	s3 =	sld [smem:$0x3FB2]  }
0x31: {  	[smem:$0x3FBB] =	sst s10  }
0x32: {  	s10 =	sld [smem:$0x3FB9];
	_ =	sdelay $0x3  }
0x33: {  	p0 =	seq.s32 s10, $0x1;
	s10 =	sld [smem:$0x3FBB];
	_ =	sdelay $0x3  }
0x34: {  	[smem:$0x3FBB] =	sst s10  }
0x35: {  	s10 =	sld [smem:$0x3FBA];
	_ =	sdelay $0x3  }
0x36: {  	p1 =	seq.s32 s10, $0x1;
	s10 =	sld [smem:$0x3FBB];
	_ =	sdelay $0x3  }
0x37: {  	[smem:$0x3FBB] =	sst s10  }
0x38: {  	s10 =	sld [smem:$0x3FBC]  }
0x39: {  	_ = 	snop;
	(pc) =	sbr.ind lr, $3  }
0x3a: {  	_ = 	snop  }
0x3b: {  	_ = 	snop  }
0x3c: {  	p2 =	seq.s32 s10, $0x1;
	s10 =	sld [smem:$0x3FBB]  }
0x3d: {  	_ =	shalt  }
0x3e: {  	_ =	shalt  }
0x3f: {  	_ =	shalt  }
0x40: {  	_ =	shalt  }
0x41: {  	_ =	shalt  }
0x42: {  	_ =	shalt  }
0x43: {  	_ =	shalt  }
0x44: {  	_ =	shalt  }
0x45: {  	_ =	shalt  }
0x46: {  	_ =	shalt  }
0x47: {  	_ =	shalt  }
0x48: {  	_ =	shalt  }
0x49: {  	_ =	shalt  }
0x4a: {  	_ =	shalt  }
0x4b: {  	_ =	shalt  }
0x4c: {  	_ =	shalt  }
0x4d: {  	_ =	shalt  }
0x4e: {  	_ =	shalt  }
0x4f: {  	_ =	shalt  }
0x50: {  	_ =	shalt  }
0x51: {  	_ =	shalt  }
0x52: {  	_ =	shalt  }
0x53: {  	_ =	shalt  }
0x54: {  	_ =	shalt  }
0x55: {  	_ =	shalt  }
0x56: {  	_ =	shalt  }
0x57: {  	_ =	shalt  }
0x58: {  	_ =	shalt  }
0x59: {  	_ =	shalt  }
0x5a: {  	_ =	shalt  }
0x5b: {  	_ =	shalt  }
0x5c: {  	_ =	shalt  }
0x5d: {  	_ =	shalt  }
0x5e: {  	_ =	shalt  }
0x5f: {  	_ =	shalt  }
0x60: {  	_ =	shalt  }
0x61: {  	_ =	shalt  }
0x62: {  	_ =	shalt  }
0x63: {  	_ =	shalt  }
0x64: {  	_ =	shalt  }
0x65: {  	_ =	shalt  }
0x66: {  	_ =	shalt  }
0x67: {  	_ =	shalt  }
0x68: {  	_ =	shalt  }
0x69: {  	_ =	shalt  }
0x6a: {  	_ =	shalt  }
0x6b: {  	_ =	shalt  }
0x6c: {  	_ =	shalt  }
0x6d: {  	_ =	shalt  }
0x6e: {  	_ =	shalt  }
0x6f: {  	_ =	shalt  }
0x70: {  	_ =	shalt  }
0x71: {  	_ =	shalt  }
0x72: {  	_ =	shalt  }
0x73: {  	_ =	shalt  }
0x74: {  	_ =	shalt  }
0x75: {  	_ =	shalt  }
0x76: {  	_ =	shalt  }
0x77: {  	_ =	shalt  }
0x78: {  	_ =	shalt  }
0x79: {  	_ =	shalt  }
0x7a: {  	_ =	shalt  }
0x7b: {  	_ =	shalt  }
0x7c: {  	_ =	shalt  }
0x7d: {  	_ =	shalt  }
0x7e: {  	_ =	shalt  }
0x7f: {  	_ =	shalt  }
0x80: {  	_ =	shalt  }
0x81: {  	_ =	shalt  }
0x82: {  	_ =	shalt  }
0x83: {  	_ =	shalt  }
0x84: {  	_ =	shalt  }
0x85: {  	_ =	shalt  }
0x86: {  	_ =	shalt  }
0x87: {  	_ =	shalt  }
.Lfunc_end0:
.L_simem_size_0:
called_computation.1_lowered:
.L_overlay_start_0:
0x88: {  	s2 =	sld [smem:$0x3FD9]  }
0x89: {  	s3 =	sld [smem:$0x3FFE];
	_ =	sdelay $0x1  }
0x8a: {  	s1 =	srdreg.scid  }
0x8b: {  	s0 =	sand.u32 $0x1, s1  }
0x8c: {  	s17 =	sshll.u32 s0, $0xA;
	s2 =	sadd.s32 s3, s2  }
0x8d: {  	s2 =	sadd.s32 s2, s17  }
0x8e: {  	[smem:$0x3FC7] =	sst s2  }
0x8f: {  	_ = 	snop  }
0x90: {  	s2 =	sld [smem:$0x3FC9]  }
0x91: {  	s18 =	sld [smem:$0x3FD0];
	(tm) =	ssettm $0x1  }
0x92: {  	s4 =	sld [smem:$0x3FFB];
	_ =	sdelay $0x3  }
0x93: {  	_ =	strace s4  }
0x94: {  	s4 =	sld [smem:$0x3FFC];
	_ =	sdelay $0x3  }
0x95: {  	_ =	strace s4  }
0x96: {  	s4 =	sld [smem:$0x3FFD];
	_ =	sdelay $0x3  }
0x97: {  	_ =	strace s4  }
0x98: {  	_ =	strace $0x8FFFFFFF  }
0x99: {  	s19 =	sld [smem:$0x3FDB];
	_ =	sdelay $0x1  }
0x9a: {  	s5 =	simm.s32 $_scs_section_size  }
0x9b: {  	s6 =	simm.s32 $_size__tile_overlayer_lowered;
	s7 =	simm.s32 $_tile_overlayer_lowered  }
0x9c: {  	s22 =	simm.s32 $0x1BFF;
	s21 =	sshll.u32 s7, $0x1;
	s4 =	sadd.s32 s5, s19  }
0x9d: {  	s8 =	simm.s32 $0x0;
	s20 =	sshll.u32 s6, $0x1;
	s6 =	sadd.s32 s21, s4  }
0x9e: {  	[timem:s8], [sflag:s22] =	dma.local [hbm:s6], s20  }
0x9f: {  	_ =	swait.ge [sflag:s22], s20  }
0xa0: {  	s5 =	ssub.s32 $0x0, s20;
	[sflag:s22] =	ssyncset.done $0x0  }
0xa1: {  	[sflag:s22] =	ssyncadd.s32 s5;
	_ =	sdelay $0x1  }
0xa2: {  	s23 =	simm.s32 $0x1B8B  }
0xa3: {  	_ =	swait.ge [sflag:s23], $0x1  }
0xa4: {  	[sflag:s23] =	ssyncset.done $0x0  }
0xa5: {  	s25 =	simm.s32 $0x1B8E;
	s24 =	sld [smem:$0x3FFE];
	[sflag:s23] =	ssyncadd.s32 $0xFFFFFFFF  }
0xa6: {  	s26 =	simm.s32 $execute0_lowered;
	[smem:$0x3FD2] =	sst s25  }
0xa7: {  	s6 =	sshll.u32 s26, $0x1;
	_ =	strace $0x80000046;
	[dreg:$0x1] =	wrdreg $0xFFFFFFFF  }
0xa8: {  	s28 =	simm.s32 $_size_execute0_lowered;
	s4 =	sadd.s32 s4, s6;
	[dreg:$0x0] =	wrdreg $0x0  }
0xa9: {  	s6 =	sshll.u32 s28, $0x1;
	[dreg:$0x2] =	wrdreg s4  }
0xaa: {  	[dreg:$0x3] =	wrdreg s6  }
0xab: {  	[dreg:$0x4] =	wrdreg $0xC0  }
0xac: {  	_ =	task [dreg:s8], $0x5FFFF  }
0xad: {  	[dreg:$0x1] =	wrdreg $0xFFFFFFFF  }
0xae: {  	[dreg:$0x0] =	wrdreg $0x60  }
0xaf: {  	[dreg:$0x2] =	wrdreg s2  }
0xb0: {  	[dreg:$0x3] =	wrdreg s24  }
0xb1: {  	[dreg:$0x4] =	wrdreg s18  }
0xb2: {  	[dreg:$0x5] =	wrdreg $0x9  }
0xb3: {  	_ =	task.clear_ibuf [dreg:s8], $0x6FFFF;
	_ =	strace $0x90000046  }
0xb4: {  	s29 =	simm.s32 $0x9;
	_ =	strace $0x80000048  }
0xb5: {  	_ =	swait.ge [sflag:s29], $0x1  }
0xb6: {  	[sflag:s29] =	ssyncadd.s32 $0xFFFFFFFF  }
0xb7: {  	_ =	strace $0x90000048  }
0xb8: {  	_ =	sfence  }
0xb9: {  	s30 =	sld [smem:$0x0];
	_ =	sdelay $0x2  }
0xba: {  	s31 =	sshll.u32 s1, $0xD;
	s1 =	sshrl.u32 s1, $0x2  }
0xbb: {  	s3 =	sand.u32 $0x4000, s31;
	s1 =	sadd.s32 s1, s30  }
0xbc: {  	s0 =	sor.u32 s3, s0;
	s1 =	sshll.u32 s1, $0x11  }
0xbd: {  	s0 =	sor.u32 s1, s0  }
0xbe: {  	s0 =	sadd.s32 $0x8F2B, s0  }
0xbf: {  	[sflag:s0] =	ssyncadd.remote.s32 $0x1  }
0xc0: {  	_ =	sfence.sel $0xFFFF  }
0xc1: {  	[dreg:$0x0] =	wrdreg $0xFFFFFFFF;
	(pc) =	sbr.abs _section_cstart, $3  }
0xc2: {  	[dreg:$0x1] =	wrdreg $0xFFFFFFFF  }
0xc3: {  	_ =	task.clear_ibuf [dreg:s8], $0x2FFFF;
	_ =	strace $0x9FFFFFFF  }
0xc4: {  	(tm) =	ssettm $0x7FFFFFFF  }
0xc5: {  	_ =	shalt  }
tec
execute0_lowered:
.L_overlay_start_1:
0x0: {  	(tag) =	ssettag $0x1  }
0x1: {  	s3 =	rddreg [dreg:$0x0]  }
0x2: {  	s0 =	rddreg [dreg:$0x1]  }
0x3: {  	s2 =	rddreg [dreg:$0x2]  }
0x4: {  	s11 =	rddreg [dreg:$0x3];
	s28 =	simm.s32 $0x0  }
0x5: {  	s20 =	simm.s32 $0x880;
	[smem:$0x7FF] =	sst s28  }
0x6: {  	s21 =	simm.s32 $0x900;
	_ =	strace $0x80000047;
	[dreg:$0x8] =	wrdreg s20  }
0x7: {  	s22 =	simm.s32 $0x980;
	[dreg:$0x9] =	wrdreg s21  }
0x8: {  	s23 =	simm.s32 $0xA00;
	[dreg:$0xa] =	wrdreg s22  }
0x9: {  	s24 =	simm.s32 $0xA80;
	[dreg:$0xb] =	wrdreg s23  }
0xa: {  	s25 =	simm.s32 $0x100;
	[dreg:$0xc] =	wrdreg s24  }
0xb: {  	s26 =	simm.s32 $0x180;
	[dreg:$0xd] =	wrdreg s25  }
0xc: {  	s6 =	simm.s32 $0x1080;
	[dreg:$0xe] =	wrdreg s26  }
0xd: {  	s1 =	srdreg.scid;
	s7 =	simm.s32 $0x1100;
	[dreg:$0x11] =	wrdreg s6  }
0xe: {  	s4 =	stileid.u32;
	s8 =	simm.s32 $0x1180;
	[dreg:$0x12] =	wrdreg s7  }
0xf: {  	s9 =	simm.s32 $0x1200;
	s10 =	simm.s32 $0x1280;
	[dreg:$0x13] =	wrdreg s8  }
0x10: {  	s12 =	simm.s32 $0x1300;
	s14 =	simm.s32 $0x1380;
	[dreg:$0x14] =	wrdreg s9  }
0x11: {  	s15 =	simm.s32 $0x1400;
	s16 =	simm.s32 $0x1480;
	[dreg:$0x15] =	wrdreg s10  }
0x12: {  	s31 =	simm.s32 $0x800;
	s30 =	simm.s32 $0x1000;
	[dreg:$0x16] =	wrdreg s12  }
0x13: {  	s29 =	simm.s32 $0x19800;
	p0 =	por $0x0, $0x0;
	[dreg:$0x17] =	wrdreg s14  }
0x14: {  	s1 =	sand.u32 $0x1, s1;
	s4 =	sshll.u32 s4, $0x9;
	[dreg:$0x18] =	wrdreg s15  }
0x15: {  	s5 =	sshll.u32 s1, $0x8;
	s1 =	ssub.s32 $0x2, s1;
	[dreg:$0x19] =	wrdreg s16  }
0x16: {  	s20 =	simm.s32 $0x1680;
	s21 =	simm.s32 $0xB00;
	s6 =	simm.s32 $0x1800  }
0x17: {  	s22 =	simm.s32 $0xB80;
	s8 =	simm.s32 $0x5800;
	s23 =	simm.s32 $0xC00  }
0x18: {  	s9 =	simm.s32 $0x9800;
	s24 =	simm.s32 $0xC80;
	[dreg:$0x1d] =	wrdreg s20  }
0x19: {  	s10 =	simm.s32 $0xD800;
	s25 =	simm.s32 $0xD00;
	[dreg:$0x1e] =	wrdreg s21  }
0x1a: {  	s26 =	simm.s32 $0xD80;
	s7 =	simm.s32 $0x2;
	[dreg:$0x1f] =	wrdreg s22  }
0x1b: {  	s16 =	simm.s32 $0xE00;
	s12 =	simm.s32 $0x600;
	[smem:$0x7FA] =	sst s23  }
0x1c: {  	s14 =	simm.s32 $0x700;
	s15 =	simm.s32 $0x780;
	[smem:$0x7FB] =	sst s24  }
0x1d: {  	s4 =	sor.u32 s5, s4;
	s5 =	simm.s32 $0x280;
	[smem:$0x7FC] =	sst s25  }
0x1e: {  	s13 =	sshrl.u32 s1, $0x1;
	s20 =	simm.s32 $0x15800;
	[smem:$0x7FD] =	sst s26  }
0x1f: {  	s23 =	simm.s32 $0x380;
	s24 =	simm.s32 $0x400;
	s25 =	simm.s32 $0x480  }
0x20: {  	s26 =	simm.s32 $0x500;
	s22 =	simm.s32 $0x580;
	s21 =	simm.s32 $0xF80  }
0x21: {  	s4 =	sadd.s32 s4, s0;
	s0 =	sadd.s32 $0x6800, s0;
	[dreg:$0x10] =	wrdreg s5  }
0x22: {  	s1 =	ssub.s32 s1, s13;
	[dreg:$0x4] =	wrdreg s0;
	s17 =	sadd.s32 $0x4800, s4  }
0x23: {  	s5 =	simm.s32 $0x1;
	s18 =	sadd.s32 $0x2800, s4;
	[dreg:$0x5] =	wrdreg s17  }
0x24: {  	s19 =	sadd.s32 $0x800, s4;
	s1 =	smax.u32 s1, $0x1;
	[dreg:$0x6] =	wrdreg s18  }
0x25: {  	s4 =	simm.s32 $0x200;
	[dreg:$0x7] =	wrdreg s19;
	p1 =	sne.s32 s1, $0x1  }
.Ltmp0:
0x26: {  	[dreg:$0xf] =	wrdreg s4;
	s17 =	simm.s32 $0x1500;
	(pc) =	sbr.rel @!p1 .LBB2_1-.Ltmp0, $4  }
0x27: {  	s13 =	simm.s32 $0x680;
	s18 =	simm.s32 $0x1580;
	[dreg:$0x1a] =	wrdreg s17  }
0x28: {  	s19 =	simm.s32 $0x1600;
	s4 =	simm.s32 $0x80;
	[dreg:$0x1b] =	wrdreg s18  }
0x29: {  	s0 =	sadd.s32 $0xFFFFFFFF, s1;
	[dreg:$0x1c] =	wrdreg s19;
	s19 =	simm.s32 $0x11800  }
0x2a: {  	s17 =	simm.s32 $0xE80;
	s18 =	simm.s32 $0xF00;
	s1 =	rddreg [dreg:$0x5]  }
0x2b: {  	[tilespmem:s28], [sflag:$0x1] =	stream.linear.gather [hbm4b:s1+s28], $0x800, $0x38;
	[tilespmem:$0x1D800] =	vst v63  }
0x2c: {  	s11 =	smov.u32 s0;
	s0 =	rddreg [dreg:$0x6]  }
0x2d: {  	[tilespmem:s31], [sflag:$0x1] =	stream.linear.gather [hbm4b:s0+s28], $0x800, $0x38;
	[tilespmem:$0x1D800] =	vst v63  }
0x2e: {  	s1 =	rddreg [dreg:$0x7]  }
0x2f: {  	[tilespmem:s30], [sflag:$0x1] =	stream.linear.gather [hbm4b:s1+s28], $0x700, $0x38;
	[tilespmem:$0x1D800] =	vst v63  }
0x30: {  	s0 =	rddreg [dreg:$0x4]  }
0x31: {  	[tilespmem:s29], [sflag:$0x1] =	stream.linear.gather [hbm4b:s0+s28], $0x4000, $0x38;
	[tilespmem:$0x1D800] =	vst v63  }
0x32: {  	_ =	swait.ge [sflag:s5], $0x800  }
0x33: {  	[sflag:s5] =	ssyncset.done $0x0  }
0x34: {  	[sflag:s5] =	ssyncadd.s32 $0xFFFFF800  }
0x35: {  	_ =	swait.ge [sflag:s5], $0x800  }
0x36: {  	[sflag:s5] =	ssyncset.done $0x0  }
0x37: {  	[sflag:s5] =	ssyncadd.s32 $0xFFFFF800  }
0x38: {  	_ =	swait.ge [sflag:s5], $0x700  }
0x39: {  	[sflag:s5] =	ssyncset.done $0x0  }
0x3a: {  	[sflag:s5] =	ssyncadd.s32 $0xFFFFF900  }
0x3b: {  	_ =	swait.ge [sflag:s5], $0x4000  }
0x3c: {  	[sflag:s5] =	ssyncset.done $0x0  }
0x3d: {  	[sflag:s5] =	ssyncadd.s32 $0xFFFFC000  }
0x3e: {  	[tilespmem:s6], [sflag:$0x1] =	stream.indirect.gather [hbm4b:s3+s4], $0x80, s31, s4, $0xb8;
	[tilespmem:$0x1D800] =	vst v63  }
0x3f: {  	s0 =	rddreg [dreg:$0x8]  }
0x40: {  	[tilespmem:s8], [sflag:$0x1] =	stream.indirect.gather [hbm4b:s3+s4], $0x80, s0, s4, $0xb8;
	[tilespmem:$0x1D800] =	vst v63  }
0x41: {  	s1 =	rddreg [dreg:$0x9]  }
0x42: {  	[tilespmem:s9], [sflag:$0x1] =	stream.indirect.gather [hbm4b:s3+s4], $0x80, s1, s4, $0xb8;
	[tilespmem:$0x1D800] =	vst v63  }
0x43: {  	s0 =	rddreg [dreg:$0xa]  }
0x44: {  	[tilespmem:s10], [sflag:$0x1] =	stream.indirect.gather [hbm4b:s3+s4], $0x80, s0, s4, $0xb8;
	[tilespmem:$0x1D800] =	vst v63  }
0x45: {  	s1 =	rddreg [dreg:$0xb]  }
0x46: {  	[tilespmem:s19], [sflag:$0x1] =	stream.indirect.gather [hbm4b:s3+s4], $0x80, s1, s4, $0xb8;
	[tilespmem:$0x1D800] =	vst v63  }
0x47: {  	s0 =	rddreg [dreg:$0xc]  }
0x48: {  	[tilespmem:s20], [sflag:$0x1] =	stream.indirect.gather [hbm4b:s3+s4], $0x80, s0, s4, $0xb8;
	[tilespmem:$0x1D800] =	vst v63  }
0x49: {  	_ =	swait.ge [sflag:s5], $0x4000  }
0x4a: {  	[sflag:s5] =	ssyncset.done $0x0  }
0x4b: {  	[sflag:s5] =	ssyncadd.s32 $0xFFFFC000  }
0x4c: {  	_ =	swait.ge [sflag:s5], $0x4000  }
0x4d: {  	[sflag:s5] =	ssyncset.done $0x0  }
0x4e: {  	[sflag:s5] =	ssyncadd.s32 $0xFFFFC000  }
0x4f: {  	_ =	swait.ge [sflag:s5], $0x4000  }
0x50: {  	[sflag:s5] =	ssyncset.done $0x0  }
0x51: {  	[sflag:s5] =	ssyncadd.s32 $0xFFFFC000  }
0x52: {  	_ =	swait.ge [sflag:s5], $0x4000  }
0x53: {  	[sflag:s5] =	ssyncset.done $0x0  }
0x54: {  	[sflag:s5] =	ssyncadd.s32 $0xFFFFC000  }
0x55: {  	_ =	swait.ge [sflag:s5], $0x4000  }
0x56: {  	[sflag:s5] =	ssyncset.done $0x0  }
0x57: {  	[sflag:s5] =	ssyncadd.s32 $0xFFFFC000  }
0x58: {  	_ =	swait.ge [sflag:s5], $0x4000  }
0x59: {  	[sflag:s5] =	ssyncset.done $0x0  }
0x5a: {  	[sflag:s5] =	ssyncadd.s32 $0xFFFFC000  }
0x5b: {  	[hbm4b:s2+s4] =	stream.indirect.scatter [tilespmem:s6], [sflag:$0x2], $0x80, s28, s4, $0xb8;
	[tilespmem:$0x1D800] =	vst v63  }
0x5c: {  	_ = 	snop  }
0x5d: {  	[hbm4b:s2+s4] =	stream.indirect.scatter [tilespmem:s8], [sflag:$0x2], $0x80, s4, s4, $0xb8;
	[tilespmem:$0x1D800] =	vst v63  }
0x5e: {  	s0 =	rddreg [dreg:$0xd]  }
0x5f: {  	[hbm4b:s2+s4] =	stream.indirect.scatter [tilespmem:s9], [sflag:$0x2], $0x80, s0, s4, $0xb8;
	[tilespmem:$0x1D800] =	vst v63  }
0x60: {  	s1 =	rddreg [dreg:$0xe]  }
0x61: {  	[hbm4b:s2+s4] =	stream.indirect.scatter [tilespmem:s10], [sflag:$0x2], $0x80, s1, s4, $0xb8;
	[tilespmem:$0x1D800] =	vst v63  }
0x62: {  	s0 =	rddreg [dreg:$0xf]  }
0x63: {  	[hbm4b:s2+s4] =	stream.indirect.scatter [tilespmem:s19], [sflag:$0x2], $0x80, s0, s4, $0xb8;
	[tilespmem:$0x1D800] =	vst v63  }
0x64: {  	s1 =	rddreg [dreg:$0x10]  }
0x65: {  	[hbm4b:s2+s4] =	stream.indirect.scatter [tilespmem:s20], [sflag:$0x2], $0x80, s1, s4, $0xb8;
	[tilespmem:$0x1D800] =	vst v63  }
0x66: {  	_ = 	snop  }
0x67: {  	[hbm4b:s2+s4] =	stream.indirect.scatter [tilespmem:s29], [sflag:$0x2], $0x80, s30, s4, $0xb8;
	[tilespmem:$0x1D800] =	vst v63  }
0x68: {  	s0 =	rddreg [dreg:$0x11]  }
0x69: {  	[hbm4b:s2+s4] =	stream.indirect.scatter [tilespmem:s29], [sflag:$0x2], $0x80, s0, s4, $0xb8;
	[tilespmem:$0x1D800] =	vst v63  }
0x6a: {  	s1 =	rddreg [dreg:$0x12]  }
0x6b: {  	[hbm4b:s2+s4] =	stream.indirect.scatter [tilespmem:s29], [sflag:$0x2], $0x80, s1, s4, $0xb8;
	[tilespmem:$0x1D800] =	vst v63  }
0x6c: {  	s0 =	rddreg [dreg:$0x13]  }
0x6d: {  	[hbm4b:s2+s4] =	stream.indirect.scatter [tilespmem:s29], [sflag:$0x2], $0x80, s0, s4, $0xb8;
	[tilespmem:$0x1D800] =	vst v63  }
0x6e: {  	s1 =	rddreg [dreg:$0x14]  }
0x6f: {  	[hbm4b:s2+s4] =	stream.indirect.scatter [tilespmem:s29], [sflag:$0x2], $0x80, s1, s4, $0xb8;
	[tilespmem:$0x1D800] =	vst v63  }
0x70: {  	s0 =	rddreg [dreg:$0x15]  }
0x71: {  	[hbm4b:s2+s4] =	stream.indirect.scatter [tilespmem:s29], [sflag:$0x2], $0x80, s0, s4, $0xb8;
	[tilespmem:$0x1D800] =	vst v63  }
0x72: {  	s1 =	rddreg [dreg:$0x16]  }
0x73: {  	[hbm4b:s2+s4] =	stream.indirect.scatter [tilespmem:s29], [sflag:$0x2], $0x80, s1, s4, $0xb8;
	[tilespmem:$0x1D800] =	vst v63  }
0x74: {  	s0 =	rddreg [dreg:$0x17]  }
0x75: {  	[hbm4b:s2+s4] =	stream.indirect.scatter [tilespmem:s29], [sflag:$0x2], $0x80, s0, s4, $0xb8;
	[tilespmem:$0x1D800] =	vst v63  }
0x76: {  	s1 =	rddreg [dreg:$0x18]  }
0x77: {  	[hbm4b:s2+s4] =	stream.indirect.scatter [tilespmem:s29], [sflag:$0x2], $0x80, s1, s4, $0xb8;
	[tilespmem:$0x1D800] =	vst v63  }
0x78: {  	s0 =	rddreg [dreg:$0x19]  }
0x79: {  	[hbm4b:s2+s4] =	stream.indirect.scatter [tilespmem:s29], [sflag:$0x2], $0x80, s0, s4, $0xb8;
	[tilespmem:$0x1D800] =	vst v63  }
0x7a: {  	s1 =	rddreg [dreg:$0x1a]  }
0x7b: {  	[hbm4b:s2+s4] =	stream.indirect.scatter [tilespmem:s29], [sflag:$0x2], $0x80, s1, s4, $0xb8;
	[tilespmem:$0x1D800] =	vst v63  }
0x7c: {  	s0 =	rddreg [dreg:$0x1b]  }
0x7d: {  	[hbm4b:s2+s4] =	stream.indirect.scatter [tilespmem:s29], [sflag:$0x2], $0x80, s0, s4, $0xb8;
	[tilespmem:$0x1D800] =	vst v63  }
0x7e: {  	s1 =	rddreg [dreg:$0x1c]  }
0x7f: {  	[hbm4b:s2+s4] =	stream.indirect.scatter [tilespmem:s29], [sflag:$0x2], $0x80, s1, s4, $0xb8;
	[tilespmem:$0x1D800] =	vst v63  }
0x80: {  	s0 =	rddreg [dreg:$0x1d]  }
0x81: {  	[hbm4b:s2+s4] =	stream.indirect.scatter [tilespmem:s29], [sflag:$0x2], $0x80, s0, s4, $0xb8;
	[tilespmem:$0x1D800] =	vst v63  }
0x82: {  	_ =	swait.ge [sflag:s7], $0x4000  }
0x83: {  	[sflag:s7] =	ssyncset.done $0x0  }
0x84: {  	[sflag:s7] =	ssyncadd.s32 $0xFFFFC000  }
0x85: {  	_ =	swait.ge [sflag:s7], $0x4000  }
0x86: {  	[sflag:s7] =	ssyncset.done $0x0  }
0x87: {  	[sflag:s7] =	ssyncadd.s32 $0xFFFFC000  }
0x88: {  	_ =	swait.ge [sflag:s7], $0x4000  }
0x89: {  	[sflag:s7] =	ssyncset.done $0x0  }
0x8a: {  	[sflag:s7] =	ssyncadd.s32 $0xFFFFC000  }
0x8b: {  	_ =	swait.ge [sflag:s7], $0x4000  }
0x8c: {  	[sflag:s7] =	ssyncset.done $0x0  }
0x8d: {  	[sflag:s7] =	ssyncadd.s32 $0xFFFFC000  }
0x8e: {  	_ =	swait.ge [sflag:s7], $0x4000  }
0x8f: {  	[sflag:s7] =	ssyncset.done $0x0  }
0x90: {  	[sflag:s7] =	ssyncadd.s32 $0xFFFFC000  }
0x91: {  	_ =	swait.ge [sflag:s7], $0x4000  }
0x92: {  	[sflag:s7] =	ssyncset.done $0x0  }
0x93: {  	[sflag:s7] =	ssyncadd.s32 $0xFFFFC000  }
0x94: {  	_ =	swait.ge [sflag:s7], $0x4000  }
0x95: {  	[sflag:s7] =	ssyncset.done $0x0  }
0x96: {  	[sflag:s7] =	ssyncadd.s32 $0xFFFFC000  }
0x97: {  	_ =	swait.ge [sflag:s7], $0x4000  }
0x98: {  	[sflag:s7] =	ssyncset.done $0x0  }
0x99: {  	[sflag:s7] =	ssyncadd.s32 $0xFFFFC000  }
0x9a: {  	_ =	swait.ge [sflag:s7], $0x4000  }
0x9b: {  	[sflag:s7] =	ssyncset.done $0x0  }
0x9c: {  	[sflag:s7] =	ssyncadd.s32 $0xFFFFC000  }
0x9d: {  	_ =	swait.ge [sflag:s7], $0x4000  }
0x9e: {  	[sflag:s7] =	ssyncset.done $0x0  }
0x9f: {  	[sflag:s7] =	ssyncadd.s32 $0xFFFFC000  }
0xa0: {  	_ =	swait.ge [sflag:s7], $0x4000  }
0xa1: {  	[sflag:s7] =	ssyncset.done $0x0  }
0xa2: {  	[sflag:s7] =	ssyncadd.s32 $0xFFFFC000  }
0xa3: {  	_ =	swait.ge [sflag:s7], $0x4000  }
0xa4: {  	[sflag:s7] =	ssyncset.done $0x0  }
0xa5: {  	[sflag:s7] =	ssyncadd.s32 $0xFFFFC000  }
0xa6: {  	_ =	swait.ge [sflag:s7], $0x4000  }
0xa7: {  	[sflag:s7] =	ssyncset.done $0x0  }
0xa8: {  	[sflag:s7] =	ssyncadd.s32 $0xFFFFC000  }
0xa9: {  	_ =	swait.ge [sflag:s7], $0x4000  }
0xaa: {  	[sflag:s7] =	ssyncset.done $0x0  }
0xab: {  	[sflag:s7] =	ssyncadd.s32 $0xFFFFC000  }
0xac: {  	_ =	swait.ge [sflag:s7], $0x4000  }
0xad: {  	[sflag:s7] =	ssyncset.done $0x0  }
0xae: {  	[sflag:s7] =	ssyncadd.s32 $0xFFFFC000  }
0xaf: {  	_ =	swait.ge [sflag:s7], $0x4000  }
0xb0: {  	[sflag:s7] =	ssyncset.done $0x0  }
0xb1: {  	[sflag:s7] =	ssyncadd.s32 $0xFFFFC000  }
0xb2: {  	_ =	swait.ge [sflag:s7], $0x4000  }
0xb3: {  	[sflag:s7] =	ssyncset.done $0x0  }
0xb4: {  	[sflag:s7] =	ssyncadd.s32 $0xFFFFC000  }
0xb5: {  	_ =	swait.ge [sflag:s7], $0x4000  }
0xb6: {  	[sflag:s7] =	ssyncset.done $0x0  }
0xb7: {  	[sflag:s7] =	ssyncadd.s32 $0xFFFFC000  }
0xb8: {  	_ =	swait.ge [sflag:s7], $0x4000  }
0xb9: {  	[sflag:s7] =	ssyncset.done $0x0  }
0xba: {  	[sflag:s7] =	ssyncadd.s32 $0xFFFFC000  }
0xbb: {  	_ =	swait.ge [sflag:s7], $0x4000  }
0xbc: {  	s0 =	rddreg [dreg:$0x1e];
	[sflag:s7] =	ssyncset.done $0x0  }
0xbd: {  	s1 =	rddreg [dreg:$0x1f];
	[sflag:s7] =	ssyncadd.s32 $0xFFFFC000  }
0xbe: {  	[tilespmem:s6], [sflag:$0x1] =	stream.indirect.gather [hbm4b:s3+s4], $0x80, s0, s4, $0xb8;
	[tilespmem:$0x1D800] =	vst v63  }
0xbf: {  	s0 =	sld [smem:$0x7FA]  }
0xc0: {  	[tilespmem:s8], [sflag:$0x1] =	stream.indirect.gather [hbm4b:s3+s4], $0x80, s1, s4, $0xb8;
	[tilespmem:$0x1D800] =	vst v63  }
0xc1: {  	s1 =	sld [smem:$0x7FB]  }
0xc2: {  	[tilespmem:s9], [sflag:$0x1] =	stream.indirect.gather [hbm4b:s3+s4], $0x80, s0, s4, $0xb8;
	[tilespmem:$0x1D800] =	vst v63  }
0xc3: {  	s0 =	sld [smem:$0x7FC]  }
0xc4: {  	[tilespmem:s10], [sflag:$0x1] =	stream.indirect.gather [hbm4b:s3+s4], $0x80, s1, s4, $0xb8;
	[tilespmem:$0x1D800] =	vst v63  }
0xc5: {  	s1 =	sld [smem:$0x7FD]  }
0xc6: {  	[tilespmem:s19], [sflag:$0x1] =	stream.indirect.gather [hbm4b:s3+s4], $0x80, s0, s4, $0xb8;
	[tilespmem:$0x1D800] =	vst v63  }
0xc7: {  	_ = 	snop  }
0xc8: {  	[tilespmem:s20], [sflag:$0x1] =	stream.indirect.gather [hbm4b:s3+s4], $0x80, s1, s4, $0xb8;
	[tilespmem:$0x1D800] =	vst v63  }
0xc9: {  	_ =	swait.ge [sflag:s5], $0x4000  }
0xca: {  	[sflag:s5] =	ssyncset.done $0x0  }
0xcb: {  	[sflag:s5] =	ssyncadd.s32 $0xFFFFC000  }
0xcc: {  	_ =	swait.ge [sflag:s5], $0x4000  }
0xcd: {  	[sflag:s5] =	ssyncset.done $0x0  }
0xce: {  	[sflag:s5] =	ssyncadd.s32 $0xFFFFC000  }
0xcf: {  	_ =	swait.ge [sflag:s5], $0x4000  }
0xd0: {  	[sflag:s5] =	ssyncset.done $0x0  }
0xd1: {  	[sflag:s5] =	ssyncadd.s32 $0xFFFFC000  }
0xd2: {  	_ =	swait.ge [sflag:s5], $0x4000  }
0xd3: {  	[sflag:s5] =	ssyncset.done $0x0  }
0xd4: {  	[sflag:s5] =	ssyncadd.s32 $0xFFFFC000  }
0xd5: {  	_ =	swait.ge [sflag:s5], $0x4000  }
0xd6: {  	[sflag:s5] =	ssyncset.done $0x0  }
0xd7: {  	[sflag:s5] =	ssyncadd.s32 $0xFFFFC000  }
0xd8: {  	_ =	swait.ge [sflag:s5], $0x4000  }
0xd9: {  	[sflag:s5] =	ssyncset.done $0x0  }
0xda: {  	s1 =	simm.s32 $0x300;
	[sflag:s5] =	ssyncadd.s32 $0xFFFFC000  }
0xdb: {  	[hbm4b:s2+s4] =	stream.indirect.scatter [tilespmem:s6], [sflag:$0x2], $0x80, s1, s4, $0xb8;
	[tilespmem:$0x1D800] =	vst v63  }
0xdc: {  	_ = 	snop  }
0xdd: {  	[hbm4b:s2+s4] =	stream.indirect.scatter [tilespmem:s8], [sflag:$0x2], $0x80, s23, s4, $0xb8;
	[tilespmem:$0x1D800] =	vst v63  }
0xde: {  	_ = 	snop  }
0xdf: {  	[hbm4b:s2+s4] =	stream.indirect.scatter [tilespmem:s9], [sflag:$0x2], $0x80, s24, s4, $0xb8;
	[tilespmem:$0x1D800] =	vst v63  }
0xe0: {  	_ = 	snop  }
0xe1: {  	[hbm4b:s2+s4] =	stream.indirect.scatter [tilespmem:s10], [sflag:$0x2], $0x80, s25, s4, $0xb8;
	[tilespmem:$0x1D800] =	vst v63  }
0xe2: {  	_ = 	snop  }
0xe3: {  	[hbm4b:s2+s4] =	stream.indirect.scatter [tilespmem:s19], [sflag:$0x2], $0x80, s26, s4, $0xb8;
	[tilespmem:$0x1D800] =	vst v63  }
0xe4: {  	_ = 	snop  }
0xe5: {  	[hbm4b:s2+s4] =	stream.indirect.scatter [tilespmem:s20], [sflag:$0x2], $0x80, s22, s4, $0xb8;
	[tilespmem:$0x1D800] =	vst v63  }
0xe6: {  	_ =	swait.ge [sflag:s7], $0x4000  }
0xe7: {  	[sflag:s7] =	ssyncset.done $0x0  }
0xe8: {  	[sflag:s7] =	ssyncadd.s32 $0xFFFFC000  }
0xe9: {  	_ =	swait.ge [sflag:s7], $0x4000  }
0xea: {  	[sflag:s7] =	ssyncset.done $0x0  }
0xeb: {  	[sflag:s7] =	ssyncadd.s32 $0xFFFFC000  }
0xec: {  	_ =	swait.ge [sflag:s7], $0x4000  }
0xed: {  	[sflag:s7] =	ssyncset.done $0x0  }
0xee: {  	[sflag:s7] =	ssyncadd.s32 $0xFFFFC000  }
0xef: {  	_ =	swait.ge [sflag:s7], $0x4000  }
0xf0: {  	[sflag:s7] =	ssyncset.done $0x0  }
0xf1: {  	[sflag:s7] =	ssyncadd.s32 $0xFFFFC000  }
0xf2: {  	_ =	swait.ge [sflag:s7], $0x4000  }
0xf3: {  	[sflag:s7] =	ssyncset.done $0x0  }
0xf4: {  	[sflag:s7] =	ssyncadd.s32 $0xFFFFC000  }
0xf5: {  	_ =	swait.ge [sflag:s7], $0x4000  }
0xf6: {  	[sflag:s7] =	ssyncset.done $0x0  }
0xf7: {  	[sflag:s7] =	ssyncadd.s32 $0xFFFFC000  }
0xf8: {  	[tilespmem:s6], [sflag:$0x1] =	stream.indirect.gather [hbm4b:s3+s4], $0x80, s16, s4, $0xb8;
	[tilespmem:$0x1D800] =	vst v63  }
0xf9: {  	_ = 	snop  }
0xfa: {  	[tilespmem:s8], [sflag:$0x1] =	stream.indirect.gather [hbm4b:s3+s4], $0x80, s17, s4, $0xb8;
	[tilespmem:$0x1D800] =	vst v63  }
0xfb: {  	_ = 	snop  }
0xfc: {  	[tilespmem:s9], [sflag:$0x1] =	stream.indirect.gather [hbm4b:s3+s4], $0x80, s18, s4, $0xb8;
	[tilespmem:$0x1D800] =	vst v63  }
0xfd: {  	_ = 	snop  }
0xfe: {  	[tilespmem:s10], [sflag:$0x1] =	stream.indirect.gather [hbm4b:s3+s4], $0x80, s21, s4, $0xb8;
	[tilespmem:$0x1D800] =	vst v63  }
0xff: {  	_ =	swait.ge [sflag:s5], $0x4000  }
0x100: {  	[sflag:s5] =	ssyncset.done $0x0  }
0x101: {  	[sflag:s5] =	ssyncadd.s32 $0xFFFFC000  }
0x102: {  	_ =	swait.ge [sflag:s5], $0x4000  }
0x103: {  	[sflag:s5] =	ssyncset.done $0x0  }
0x104: {  	[sflag:s5] =	ssyncadd.s32 $0xFFFFC000  }
0x105: {  	_ =	swait.ge [sflag:s5], $0x4000  }
0x106: {  	[sflag:s5] =	ssyncset.done $0x0  }
0x107: {  	[sflag:s5] =	ssyncadd.s32 $0xFFFFC000  }
0x108: {  	_ =	swait.ge [sflag:s5], $0x4000  }
0x109: {  	[sflag:s5] =	ssyncset.done $0x0  }
0x10a: {  	[sflag:s5] =	ssyncadd.s32 $0xFFFFC000  }
0x10b: {  	[hbm4b:s2+s4] =	stream.indirect.scatter [tilespmem:s6], [sflag:$0x2], $0x80, s12, s4, $0xb8;
	[tilespmem:$0x1D800] =	vst v63  }
0x10c: {  	_ = 	snop  }
0x10d: {  	[hbm4b:s2+s4] =	stream.indirect.scatter [tilespmem:s8], [sflag:$0x2], $0x80, s13, s4, $0xb8;
	[tilespmem:$0x1D800] =	vst v63  }
0x10e: {  	_ = 	snop  }
0x10f: {  	[hbm4b:s2+s4] =	stream.indirect.scatter [tilespmem:s9], [sflag:$0x2], $0x80, s14, s4, $0xb8;
	[tilespmem:$0x1D800] =	vst v63  }
0x110: {  	_ = 	snop  }
0x111: {  	[hbm4b:s2+s4] =	stream.indirect.scatter [tilespmem:s10], [sflag:$0x2], $0x80, s15, s4, $0xb8;
	[tilespmem:$0x1D800] =	vst v63  }
0x112: {  	_ =	swait.ge [sflag:s7], $0x4000  }
0x113: {  	[sflag:s7] =	ssyncset.done $0x0  }
0x114: {  	[sflag:s7] =	ssyncadd.s32 $0xFFFFC000  }
0x115: {  	_ =	swait.ge [sflag:s7], $0x4000  }
0x116: {  	[sflag:s7] =	ssyncset.done $0x0  }
0x117: {  	p1 =	sne.s32 s11, $0x1;
	[sflag:s7] =	ssyncadd.s32 $0xFFFFC000  }
.Ltmp1:
0x118: {  	_ =	swait.ge [sflag:s7], $0x4000;
	(pc) =	sbr.rel @!p1 .LBB2_3-.Ltmp1, $4  }
0x119: {  	[sflag:s7] =	ssyncset.done $0x0  }
0x11a: {  	[sflag:s7] =	ssyncadd.s32 $0xFFFFC000  }
0x11b: {  	p0 =	por $0x1, $0x1;
	_ =	swait.ge [sflag:s7], $0x4000  }
0x11c: {  	s0 =	sadd.s32 $0xFFFFFFFF, s11;
	s1 =	rddreg [dreg:$0x5];
	[sflag:s7] =	ssyncset.done $0x0  }
.LBB2_4:
0x11d: {  	[sflag:s7] =	ssyncadd.s32 $0xFFFFC000  }
0x11e: {  	[tilespmem:s28], [sflag:$0x1] =	stream.linear.gather [hbm4b:s1+s28], $0x800, $0x38;
	[tilespmem:$0x1D800] =	vst v63  }
0x11f: {  	s11 =	rddreg [dreg:$0x6]  }
0x120: {  	[tilespmem:s31], [sflag:$0x1] =	stream.linear.gather [hbm4b:s11+s28], $0x800, $0x38;
	[tilespmem:$0x1D800] =	vst v63  }
0x121: {  	s1 =	rddreg [dreg:$0x7]  }
0x122: {  	[tilespmem:s30], [sflag:$0x1] =	stream.linear.gather [hbm4b:s1+s28], $0x700, $0x38;
	[tilespmem:$0x1D800] =	vst v63  }
0x123: {  	s11 =	rddreg [dreg:$0x4]  }
0x124: {  	[tilespmem:s29], [sflag:$0x1] =	stream.linear.gather [hbm4b:s11+s28], $0x4000, $0x38;
	[tilespmem:$0x1D800] =	vst v63  }
0x125: {  	_ =	swait.ge [sflag:s5], $0x800  }
0x126: {  	[sflag:s5] =	ssyncset.done $0x0  }
0x127: {  	[sflag:s5] =	ssyncadd.s32 $0xFFFFF800  }
0x128: {  	_ =	swait.ge [sflag:s5], $0x800  }
0x129: {  	[sflag:s5] =	ssyncset.done $0x0  }
0x12a: {  	[sflag:s5] =	ssyncadd.s32 $0xFFFFF800  }
0x12b: {  	_ =	swait.ge [sflag:s5], $0x700  }
0x12c: {  	[sflag:s5] =	ssyncset.done $0x0  }
0x12d: {  	[sflag:s5] =	ssyncadd.s32 $0xFFFFF900  }
0x12e: {  	_ =	swait.ge [sflag:s5], $0x4000  }
0x12f: {  	[sflag:s5] =	ssyncset.done $0x0  }
0x130: {  	[sflag:s5] =	ssyncadd.s32 $0xFFFFC000  }
0x131: {  	[tilespmem:s6], [sflag:$0x1] =	stream.indirect.gather [hbm4b:s3+s4], $0x80, s31, s4, $0xb8;
	[tilespmem:$0x1D800] =	vst v63  }
0x132: {  	s1 =	rddreg [dreg:$0x8]  }
0x133: {  	[tilespmem:s8], [sflag:$0x1] =	stream.indirect.gather [hbm4b:s3+s4], $0x80, s1, s4, $0xb8;
	[tilespmem:$0x1D800] =	vst v63  }
0x134: {  	s11 =	rddreg [dreg:$0x9]  }
0x135: {  	[tilespmem:s9], [sflag:$0x1] =	stream.indirect.gather [hbm4b:s3+s4], $0x80, s11, s4, $0xb8;
	[tilespmem:$0x1D800] =	vst v63  }
0x136: {  	s1 =	rddreg [dreg:$0xa]  }
0x137: {  	[tilespmem:s10], [sflag:$0x1] =	stream.indirect.gather [hbm4b:s3+s4], $0x80, s1, s4, $0xb8;
	[tilespmem:$0x1D800] =	vst v63  }
0x138: {  	s11 =	rddreg [dreg:$0xb]  }
0x139: {  	[tilespmem:s19], [sflag:$0x1] =	stream.indirect.gather [hbm4b:s3+s4], $0x80, s11, s4, $0xb8;
	[tilespmem:$0x1D800] =	vst v63  }
0x13a: {  	s1 =	rddreg [dreg:$0xc]  }
0x13b: {  	[tilespmem:s20], [sflag:$0x1] =	stream.indirect.gather [hbm4b:s3+s4], $0x80, s1, s4, $0xb8;
	[tilespmem:$0x1D800] =	vst v63  }
0x13c: {  	_ =	swait.ge [sflag:s5], $0x4000  }
0x13d: {  	[sflag:s5] =	ssyncset.done $0x0  }
0x13e: {  	[sflag:s5] =	ssyncadd.s32 $0xFFFFC000  }
0x13f: {  	_ =	swait.ge [sflag:s5], $0x4000  }
0x140: {  	[sflag:s5] =	ssyncset.done $0x0  }
0x141: {  	[sflag:s5] =	ssyncadd.s32 $0xFFFFC000  }
0x142: {  	_ =	swait.ge [sflag:s5], $0x4000  }
0x143: {  	[sflag:s5] =	ssyncset.done $0x0  }
0x144: {  	[sflag:s5] =	ssyncadd.s32 $0xFFFFC000  }
0x145: {  	_ =	swait.ge [sflag:s5], $0x4000  }
0x146: {  	[sflag:s5] =	ssyncset.done $0x0  }
0x147: {  	[sflag:s5] =	ssyncadd.s32 $0xFFFFC000  }
0x148: {  	_ =	swait.ge [sflag:s5], $0x4000  }
0x149: {  	[sflag:s5] =	ssyncset.done $0x0  }
0x14a: {  	[sflag:s5] =	ssyncadd.s32 $0xFFFFC000  }
0x14b: {  	_ =	swait.ge [sflag:s5], $0x4000  }
0x14c: {  	[sflag:s5] =	ssyncset.done $0x0  }
0x14d: {  	[sflag:s5] =	ssyncadd.s32 $0xFFFFC000  }
0x14e: {  	[hbm4b:s2+s4] =	stream.indirect.scatter [tilespmem:s6], [sflag:$0x2], $0x80, s28, s4, $0xb8;
	[tilespmem:$0x1D800] =	vst v63  }
0x14f: {  	_ = 	snop  }
0x150: {  	[hbm4b:s2+s4] =	stream.indirect.scatter [tilespmem:s8], [sflag:$0x2], $0x80, s4, s4, $0xb8;
	[tilespmem:$0x1D800] =	vst v63  }
0x151: {  	s1 =	rddreg [dreg:$0xd]  }
0x152: {  	[hbm4b:s2+s4] =	stream.indirect.scatter [tilespmem:s9], [sflag:$0x2], $0x80, s1, s4, $0xb8;
	[tilespmem:$0x1D800] =	vst v63  }
0x153: {  	s11 =	rddreg [dreg:$0xe]  }
0x154: {  	[hbm4b:s2+s4] =	stream.indirect.scatter [tilespmem:s10], [sflag:$0x2], $0x80, s11, s4, $0xb8;
	[tilespmem:$0x1D800] =	vst v63  }
0x155: {  	s1 =	rddreg [dreg:$0xf]  }
0x156: {  	[hbm4b:s2+s4] =	stream.indirect.scatter [tilespmem:s19], [sflag:$0x2], $0x80, s1, s4, $0xb8;
	[tilespmem:$0x1D800] =	vst v63  }
0x157: {  	s11 =	rddreg [dreg:$0x10]  }
0x158: {  	[hbm4b:s2+s4] =	stream.indirect.scatter [tilespmem:s20], [sflag:$0x2], $0x80, s11, s4, $0xb8;
	[tilespmem:$0x1D800] =	vst v63  }
0x159: {  	_ = 	snop  }
0x15a: {  	[hbm4b:s2+s4] =	stream.indirect.scatter [tilespmem:s29], [sflag:$0x2], $0x80, s30, s4, $0xb8;
	[tilespmem:$0x1D800] =	vst v63  }
0x15b: {  	s1 =	rddreg [dreg:$0x11]  }
0x15c: {  	[hbm4b:s2+s4] =	stream.indirect.scatter [tilespmem:s29], [sflag:$0x2], $0x80, s1, s4, $0xb8;
	[tilespmem:$0x1D800] =	vst v63  }
0x15d: {  	s11 =	rddreg [dreg:$0x12]  }
0x15e: {  	[hbm4b:s2+s4] =	stream.indirect.scatter [tilespmem:s29], [sflag:$0x2], $0x80, s11, s4, $0xb8;
	[tilespmem:$0x1D800] =	vst v63  }
0x15f: {  	s1 =	rddreg [dreg:$0x13]  }
0x160: {  	[hbm4b:s2+s4] =	stream.indirect.scatter [tilespmem:s29], [sflag:$0x2], $0x80, s1, s4, $0xb8;
	[tilespmem:$0x1D800] =	vst v63  }
0x161: {  	s11 =	rddreg [dreg:$0x14]  }
0x162: {  	[hbm4b:s2+s4] =	stream.indirect.scatter [tilespmem:s29], [sflag:$0x2], $0x80, s11, s4, $0xb8;
	[tilespmem:$0x1D800] =	vst v63  }
0x163: {  	s1 =	rddreg [dreg:$0x15]  }
0x164: {  	[hbm4b:s2+s4] =	stream.indirect.scatter [tilespmem:s29], [sflag:$0x2], $0x80, s1, s4, $0xb8;
	[tilespmem:$0x1D800] =	vst v63  }
0x165: {  	s11 =	rddreg [dreg:$0x16]  }
0x166: {  	[hbm4b:s2+s4] =	stream.indirect.scatter [tilespmem:s29], [sflag:$0x2], $0x80, s11, s4, $0xb8;
	[tilespmem:$0x1D800] =	vst v63  }
0x167: {  	s1 =	rddreg [dreg:$0x17]  }
0x168: {  	[hbm4b:s2+s4] =	stream.indirect.scatter [tilespmem:s29], [sflag:$0x2], $0x80, s1, s4, $0xb8;
	[tilespmem:$0x1D800] =	vst v63  }
0x169: {  	s11 =	rddreg [dreg:$0x18]  }
0x16a: {  	[hbm4b:s2+s4] =	stream.indirect.scatter [tilespmem:s29], [sflag:$0x2], $0x80, s11, s4, $0xb8;
	[tilespmem:$0x1D800] =	vst v63  }
0x16b: {  	s1 =	rddreg [dreg:$0x19]  }
0x16c: {  	[hbm4b:s2+s4] =	stream.indirect.scatter [tilespmem:s29], [sflag:$0x2], $0x80, s1, s4, $0xb8;
	[tilespmem:$0x1D800] =	vst v63  }
0x16d: {  	s11 =	rddreg [dreg:$0x1a]  }
0x16e: {  	[hbm4b:s2+s4] =	stream.indirect.scatter [tilespmem:s29], [sflag:$0x2], $0x80, s11, s4, $0xb8;
	[tilespmem:$0x1D800] =	vst v63  }
0x16f: {  	s1 =	rddreg [dreg:$0x1b]  }
0x170: {  	[hbm4b:s2+s4] =	stream.indirect.scatter [tilespmem:s29], [sflag:$0x2], $0x80, s1, s4, $0xb8;
	[tilespmem:$0x1D800] =	vst v63  }
0x171: {  	s11 =	rddreg [dreg:$0x1c]  }
0x172: {  	[hbm4b:s2+s4] =	stream.indirect.scatter [tilespmem:s29], [sflag:$0x2], $0x80, s11, s4, $0xb8;
	[tilespmem:$0x1D800] =	vst v63  }
0x173: {  	s1 =	rddreg [dreg:$0x1d]  }
0x174: {  	[hbm4b:s2+s4] =	stream.indirect.scatter [tilespmem:s29], [sflag:$0x2], $0x80, s1, s4, $0xb8;
	[tilespmem:$0x1D800] =	vst v63  }
0x175: {  	_ =	swait.ge [sflag:s7], $0x4000  }
0x176: {  	[sflag:s7] =	ssyncset.done $0x0  }
0x177: {  	[sflag:s7] =	ssyncadd.s32 $0xFFFFC000  }
0x178: {  	_ =	swait.ge [sflag:s7], $0x4000  }
0x179: {  	[sflag:s7] =	ssyncset.done $0x0  }
0x17a: {  	[sflag:s7] =	ssyncadd.s32 $0xFFFFC000  }
0x17b: {  	_ =	swait.ge [sflag:s7], $0x4000  }
0x17c: {  	[sflag:s7] =	ssyncset.done $0x0  }
0x17d: {  	[sflag:s7] =	ssyncadd.s32 $0xFFFFC000  }
0x17e: {  	_ =	swait.ge [sflag:s7], $0x4000  }
0x17f: {  	[sflag:s7] =	ssyncset.done $0x0  }
0x180: {  	[sflag:s7] =	ssyncadd.s32 $0xFFFFC000  }
0x181: {  	_ =	swait.ge [sflag:s7], $0x4000  }
0x182: {  	[sflag:s7] =	ssyncset.done $0x0  }
0x183: {  	[sflag:s7] =	ssyncadd.s32 $0xFFFFC000  }
0x184: {  	_ =	swait.ge [sflag:s7], $0x4000  }
0x185: {  	[sflag:s7] =	ssyncset.done $0x0  }
0x186: {  	[sflag:s7] =	ssyncadd.s32 $0xFFFFC000  }
0x187: {  	_ =	swait.ge [sflag:s7], $0x4000  }
0x188: {  	[sflag:s7] =	ssyncset.done $0x0  }
0x189: {  	[sflag:s7] =	ssyncadd.s32 $0xFFFFC000  }
0x18a: {  	_ =	swait.ge [sflag:s7], $0x4000  }
0x18b: {  	[sflag:s7] =	ssyncset.done $0x0  }
0x18c: {  	[sflag:s7] =	ssyncadd.s32 $0xFFFFC000  }
0x18d: {  	_ =	swait.ge [sflag:s7], $0x4000  }
0x18e: {  	[sflag:s7] =	ssyncset.done $0x0  }
0x18f: {  	[sflag:s7] =	ssyncadd.s32 $0xFFFFC000  }
0x190: {  	_ =	swait.ge [sflag:s7], $0x4000  }
0x191: {  	[sflag:s7] =	ssyncset.done $0x0  }
0x192: {  	[sflag:s7] =	ssyncadd.s32 $0xFFFFC000  }
0x193: {  	_ =	swait.ge [sflag:s7], $0x4000  }
0x194: {  	[sflag:s7] =	ssyncset.done $0x0  }
0x195: {  	[sflag:s7] =	ssyncadd.s32 $0xFFFFC000  }
0x196: {  	_ =	swait.ge [sflag:s7], $0x4000  }
0x197: {  	[sflag:s7] =	ssyncset.done $0x0  }
0x198: {  	[sflag:s7] =	ssyncadd.s32 $0xFFFFC000  }
0x199: {  	_ =	swait.ge [sflag:s7], $0x4000  }
0x19a: {  	[sflag:s7] =	ssyncset.done $0x0  }
0x19b: {  	[sflag:s7] =	ssyncadd.s32 $0xFFFFC000  }
0x19c: {  	_ =	swait.ge [sflag:s7], $0x4000  }
0x19d: {  	[sflag:s7] =	ssyncset.done $0x0  }
0x19e: {  	[sflag:s7] =	ssyncadd.s32 $0xFFFFC000  }
0x19f: {  	_ =	swait.ge [sflag:s7], $0x4000  }
0x1a0: {  	[sflag:s7] =	ssyncset.done $0x0  }
0x1a1: {  	[sflag:s7] =	ssyncadd.s32 $0xFFFFC000  }
0x1a2: {  	_ =	swait.ge [sflag:s7], $0x4000  }
0x1a3: {  	[sflag:s7] =	ssyncset.done $0x0  }
0x1a4: {  	[sflag:s7] =	ssyncadd.s32 $0xFFFFC000  }
0x1a5: {  	_ =	swait.ge [sflag:s7], $0x4000  }
0x1a6: {  	[sflag:s7] =	ssyncset.done $0x0  }
0x1a7: {  	[sflag:s7] =	ssyncadd.s32 $0xFFFFC000  }
0x1a8: {  	_ =	swait.ge [sflag:s7], $0x4000  }
0x1a9: {  	[sflag:s7] =	ssyncset.done $0x0  }
0x1aa: {  	[sflag:s7] =	ssyncadd.s32 $0xFFFFC000  }
0x1ab: {  	_ =	swait.ge [sflag:s7], $0x4000  }
0x1ac: {  	[sflag:s7] =	ssyncset.done $0x0  }
0x1ad: {  	[sflag:s7] =	ssyncadd.s32 $0xFFFFC000  }
0x1ae: {  	_ =	swait.ge [sflag:s7], $0x4000  }
0x1af: {  	s1 =	rddreg [dreg:$0x1e];
	[sflag:s7] =	ssyncset.done $0x0  }
0x1b0: {  	s11 =	rddreg [dreg:$0x1f];
	[sflag:s7] =	ssyncadd.s32 $0xFFFFC000  }
0x1b1: {  	[tilespmem:s6], [sflag:$0x1] =	stream.indirect.gather [hbm4b:s3+s4], $0x80, s1, s4, $0xb8;
	[tilespmem:$0x1D800] =	vst v63  }
0x1b2: {  	s1 =	sld [smem:$0x7FA]  }
0x1b3: {  	[tilespmem:s8], [sflag:$0x1] =	stream.indirect.gather [hbm4b:s3+s4], $0x80, s11, s4, $0xb8;
	[tilespmem:$0x1D800] =	vst v63  }
0x1b4: {  	s11 =	sld [smem:$0x7FB]  }
0x1b5: {  	[tilespmem:s9], [sflag:$0x1] =	stream.indirect.gather [hbm4b:s3+s4], $0x80, s1, s4, $0xb8;
	[tilespmem:$0x1D800] =	vst v63  }
0x1b6: {  	s1 =	sld [smem:$0x7FC]  }
0x1b7: {  	[tilespmem:s10], [sflag:$0x1] =	stream.indirect.gather [hbm4b:s3+s4], $0x80, s11, s4, $0xb8;
	[tilespmem:$0x1D800] =	vst v63  }
0x1b8: {  	s11 =	sld [smem:$0x7FD]  }
0x1b9: {  	[tilespmem:s19], [sflag:$0x1] =	stream.indirect.gather [hbm4b:s3+s4], $0x80, s1, s4, $0xb8;
	[tilespmem:$0x1D800] =	vst v63  }
0x1ba: {  	_ = 	snop  }
0x1bb: {  	[tilespmem:s20], [sflag:$0x1] =	stream.indirect.gather [hbm4b:s3+s4], $0x80, s11, s4, $0xb8;
	[tilespmem:$0x1D800] =	vst v63  }
0x1bc: {  	_ =	swait.ge [sflag:s5], $0x4000  }
0x1bd: {  	[sflag:s5] =	ssyncset.done $0x0  }
0x1be: {  	[sflag:s5] =	ssyncadd.s32 $0xFFFFC000  }
0x1bf: {  	_ =	swait.ge [sflag:s5], $0x4000  }
0x1c0: {  	[sflag:s5] =	ssyncset.done $0x0  }
0x1c1: {  	[sflag:s5] =	ssyncadd.s32 $0xFFFFC000  }
0x1c2: {  	_ =	swait.ge [sflag:s5], $0x4000  }
0x1c3: {  	[sflag:s5] =	ssyncset.done $0x0  }
0x1c4: {  	[sflag:s5] =	ssyncadd.s32 $0xFFFFC000  }
0x1c5: {  	_ =	swait.ge [sflag:s5], $0x4000  }
0x1c6: {  	[sflag:s5] =	ssyncset.done $0x0  }
0x1c7: {  	[sflag:s5] =	ssyncadd.s32 $0xFFFFC000  }
0x1c8: {  	_ =	swait.ge [sflag:s5], $0x4000  }
0x1c9: {  	[sflag:s5] =	ssyncset.done $0x0  }
0x1ca: {  	[sflag:s5] =	ssyncadd.s32 $0xFFFFC000  }
0x1cb: {  	_ =	swait.ge [sflag:s5], $0x4000  }
0x1cc: {  	[sflag:s5] =	ssyncset.done $0x0  }
0x1cd: {  	s11 =	simm.s32 $0x300;
	[sflag:s5] =	ssyncadd.s32 $0xFFFFC000  }
0x1ce: {  	[hbm4b:s2+s4] =	stream.indirect.scatter [tilespmem:s6], [sflag:$0x2], $0x80, s11, s4, $0xb8;
	[tilespmem:$0x1D800] =	vst v63  }
0x1cf: {  	_ = 	snop  }
0x1d0: {  	[hbm4b:s2+s4] =	stream.indirect.scatter [tilespmem:s8], [sflag:$0x2], $0x80, s23, s4, $0xb8;
	[tilespmem:$0x1D800] =	vst v63  }
0x1d1: {  	_ = 	snop  }
0x1d2: {  	[hbm4b:s2+s4] =	stream.indirect.scatter [tilespmem:s9], [sflag:$0x2], $0x80, s24, s4, $0xb8;
	[tilespmem:$0x1D800] =	vst v63  }
0x1d3: {  	_ = 	snop  }
0x1d4: {  	[hbm4b:s2+s4] =	stream.indirect.scatter [tilespmem:s10], [sflag:$0x2], $0x80, s25, s4, $0xb8;
	[tilespmem:$0x1D800] =	vst v63  }
0x1d5: {  	_ = 	snop  }
0x1d6: {  	[hbm4b:s2+s4] =	stream.indirect.scatter [tilespmem:s19], [sflag:$0x2], $0x80, s26, s4, $0xb8;
	[tilespmem:$0x1D800] =	vst v63  }
0x1d7: {  	_ = 	snop  }
0x1d8: {  	[hbm4b:s2+s4] =	stream.indirect.scatter [tilespmem:s20], [sflag:$0x2], $0x80, s22, s4, $0xb8;
	[tilespmem:$0x1D800] =	vst v63  }
0x1d9: {  	_ =	swait.ge [sflag:s7], $0x4000  }
0x1da: {  	[sflag:s7] =	ssyncset.done $0x0  }
0x1db: {  	[sflag:s7] =	ssyncadd.s32 $0xFFFFC000  }
0x1dc: {  	_ =	swait.ge [sflag:s7], $0x4000  }
0x1dd: {  	[sflag:s7] =	ssyncset.done $0x0  }
0x1de: {  	[sflag:s7] =	ssyncadd.s32 $0xFFFFC000  }
0x1df: {  	_ =	swait.ge [sflag:s7], $0x4000  }
0x1e0: {  	[sflag:s7] =	ssyncset.done $0x0  }
0x1e1: {  	[sflag:s7] =	ssyncadd.s32 $0xFFFFC000  }
0x1e2: {  	_ =	swait.ge [sflag:s7], $0x4000  }
0x1e3: {  	[sflag:s7] =	ssyncset.done $0x0  }
0x1e4: {  	[sflag:s7] =	ssyncadd.s32 $0xFFFFC000  }
0x1e5: {  	_ =	swait.ge [sflag:s7], $0x4000  }
0x1e6: {  	[sflag:s7] =	ssyncset.done $0x0  }
0x1e7: {  	[sflag:s7] =	ssyncadd.s32 $0xFFFFC000  }
0x1e8: {  	_ =	swait.ge [sflag:s7], $0x4000  }
0x1e9: {  	[sflag:s7] =	ssyncset.done $0x0  }
0x1ea: {  	[sflag:s7] =	ssyncadd.s32 $0xFFFFC000  }
0x1eb: {  	[tilespmem:s6], [sflag:$0x1] =	stream.indirect.gather [hbm4b:s3+s4], $0x80, s16, s4, $0xb8;
	[tilespmem:$0x1D800] =	vst v63  }
0x1ec: {  	_ = 	snop  }
0x1ed: {  	[tilespmem:s8], [sflag:$0x1] =	stream.indirect.gather [hbm4b:s3+s4], $0x80, s17, s4, $0xb8;
	[tilespmem:$0x1D800] =	vst v63  }
0x1ee: {  	_ = 	snop  }
0x1ef: {  	[tilespmem:s9], [sflag:$0x1] =	stream.indirect.gather [hbm4b:s3+s4], $0x80, s18, s4, $0xb8;
	[tilespmem:$0x1D800] =	vst v63  }
0x1f0: {  	_ = 	snop  }
0x1f1: {  	[tilespmem:s10], [sflag:$0x1] =	stream.indirect.gather [hbm4b:s3+s4], $0x80, s21, s4, $0xb8;
	[tilespmem:$0x1D800] =	vst v63  }
0x1f2: {  	_ =	swait.ge [sflag:s5], $0x4000  }
0x1f3: {  	[sflag:s5] =	ssyncset.done $0x0  }
0x1f4: {  	[sflag:s5] =	ssyncadd.s32 $0xFFFFC000  }
0x1f5: {  	_ =	swait.ge [sflag:s5], $0x4000  }
0x1f6: {  	[sflag:s5] =	ssyncset.done $0x0  }
0x1f7: {  	[sflag:s5] =	ssyncadd.s32 $0xFFFFC000  }
0x1f8: {  	_ =	swait.ge [sflag:s5], $0x4000  }
0x1f9: {  	[sflag:s5] =	ssyncset.done $0x0  }
0x1fa: {  	[sflag:s5] =	ssyncadd.s32 $0xFFFFC000  }
0x1fb: {  	_ =	swait.ge [sflag:s5], $0x4000  }
0x1fc: {  	[sflag:s5] =	ssyncset.done $0x0  }
0x1fd: {  	[sflag:s5] =	ssyncadd.s32 $0xFFFFC000  }
0x1fe: {  	[hbm4b:s2+s4] =	stream.indirect.scatter [tilespmem:s6], [sflag:$0x2], $0x80, s12, s4, $0xb8;
	[tilespmem:$0x1D800] =	vst v63  }
0x1ff: {  	_ = 	snop  }
0x200: {  	[hbm4b:s2+s4] =	stream.indirect.scatter [tilespmem:s8], [sflag:$0x2], $0x80, s13, s4, $0xb8;
	[tilespmem:$0x1D800] =	vst v63  }
0x201: {  	_ = 	snop  }
0x202: {  	[hbm4b:s2+s4] =	stream.indirect.scatter [tilespmem:s9], [sflag:$0x2], $0x80, s14, s4, $0xb8;
	[tilespmem:$0x1D800] =	vst v63  }
0x203: {  	_ = 	snop  }
0x204: {  	[hbm4b:s2+s4] =	stream.indirect.scatter [tilespmem:s10], [sflag:$0x2], $0x80, s15, s4, $0xb8;
	[tilespmem:$0x1D800] =	vst v63  }
0x205: {  	_ =	swait.ge [sflag:s7], $0x4000  }
0x206: {  	[sflag:s7] =	ssyncset.done $0x0  }
0x207: {  	[sflag:s7] =	ssyncadd.s32 $0xFFFFC000  }
0x208: {  	_ =	swait.ge [sflag:s7], $0x4000  }
0x209: {  	[sflag:s7] =	ssyncset.done $0x0  }
0x20a: {  	p1 =	sne.s32 s0, $0x1;
	[sflag:s7] =	ssyncadd.s32 $0xFFFFC000  }
.Ltmp2:
0x20b: {  	_ =	swait.ge [sflag:s7], $0x4000;
	(pc) =	sbr.rel @p1 .LBB2_4-.Ltmp2, $4  }
0x20c: {  	[sflag:s7] =	ssyncset.done $0x0  }
0x20d: {  	[sflag:s7] =	ssyncadd.s32 $0xFFFFC000  }
0x20e: {  	_ =	swait.ge [sflag:s7], $0x4000  }
0x20f: {  	s0 =	sadd.s32 $0xFFFFFFFF, s0;
	s1 =	rddreg [dreg:$0x5];
	[sflag:s7] =	ssyncset.done $0x0  }
0x210: {  	s15 =	simm.s32 $0x580;
	s26 =	simm.s32 $0x500  }
0x211: {  	s25 =	simm.s32 $0x480;
	s24 =	simm.s32 $0x400;
	s23 =	simm.s32 $0x380  }
0x212: {  	s22 =	simm.s32 $0x300;
	s21 =	simm.s32 $0xF80;
	s18 =	simm.s32 $0xF00  }
0x213: {  	s17 =	simm.s32 $0xE80;
	s16 =	simm.s32 $0xE00;
	s14 =	simm.s32 $0x700  }
0x214: {  	s13 =	simm.s32 $0x680;
	s12 =	simm.s32 $0x600;
	s11 =	rddreg [dreg:$0x3]  }
.LBB2_6:
0x215: {  	[sflag:s7] =	ssyncadd.s32 @p0 $0xFFFFC000  }
0x216: {  	[tilespmem:s28], [sflag:$0x1] =	stream.linear.gather [hbm4b:s1+s28], $0x800, $0x38;
	[tilespmem:$0x1D800] =	vst v63  }
0x217: {  	s0 =	rddreg [dreg:$0x6]  }
0x218: {  	[tilespmem:s31], [sflag:$0x1] =	stream.linear.gather [hbm4b:s0+s28], $0x800, $0x38;
	[tilespmem:$0x1D800] =	vst v63  }
0x219: {  	s1 =	rddreg [dreg:$0x7]  }
0x21a: {  	[tilespmem:s30], [sflag:$0x1] =	stream.linear.gather [hbm4b:s1+s28], $0x700, $0x38;
	[tilespmem:$0x1D800] =	vst v63  }
0x21b: {  	s0 =	rddreg [dreg:$0x4]  }
0x21c: {  	[tilespmem:s29], [sflag:$0x1] =	stream.linear.gather [hbm4b:s0+s28], $0x4000, $0x38;
	[tilespmem:$0x1D800] =	vst v63  }
0x21d: {  	_ =	swait.ge [sflag:s5], $0x800  }
0x21e: {  	[sflag:s5] =	ssyncset.done $0x0  }
0x21f: {  	[sflag:s5] =	ssyncadd.s32 $0xFFFFF800  }
0x220: {  	_ =	swait.ge [sflag:s5], $0x800  }
0x221: {  	[sflag:s5] =	ssyncset.done $0x0  }
0x222: {  	[sflag:s5] =	ssyncadd.s32 $0xFFFFF800  }
0x223: {  	_ =	swait.ge [sflag:s5], $0x700  }
0x224: {  	[sflag:s5] =	ssyncset.done $0x0  }
0x225: {  	[sflag:s5] =	ssyncadd.s32 $0xFFFFF900  }
0x226: {  	_ =	swait.ge [sflag:s5], $0x4000  }
0x227: {  	[sflag:s5] =	ssyncset.done $0x0  }
0x228: {  	[sflag:s5] =	ssyncadd.s32 $0xFFFFC000  }
0x229: {  	[tilespmem:s6], [sflag:$0x1] =	stream.indirect.gather [hbm4b:s3+s4], $0x80, s31, s4, $0xb8;
	[tilespmem:$0x1D800] =	vst v63  }
0x22a: {  	s0 =	rddreg [dreg:$0x8]  }
0x22b: {  	[tilespmem:s8], [sflag:$0x1] =	stream.indirect.gather [hbm4b:s3+s4], $0x80, s0, s4, $0xb8;
	[tilespmem:$0x1D800] =	vst v63  }
0x22c: {  	s1 =	rddreg [dreg:$0x9]  }
0x22d: {  	[tilespmem:s9], [sflag:$0x1] =	stream.indirect.gather [hbm4b:s3+s4], $0x80, s1, s4, $0xb8;
	[tilespmem:$0x1D800] =	vst v63  }
0x22e: {  	s31 =	rddreg [dreg:$0xa]  }
0x22f: {  	[tilespmem:s10], [sflag:$0x1] =	stream.indirect.gather [hbm4b:s3+s4], $0x80, s31, s4, $0xb8;
	[tilespmem:$0x1D800] =	vst v63  }
0x230: {  	s1 =	rddreg [dreg:$0xb]  }
0x231: {  	[tilespmem:s19], [sflag:$0x1] =	stream.indirect.gather [hbm4b:s3+s4], $0x80, s1, s4, $0xb8;
	[tilespmem:$0x1D800] =	vst v63  }
0x232: {  	s31 =	rddreg [dreg:$0xc]  }
0x233: {  	[tilespmem:s20], [sflag:$0x1] =	stream.indirect.gather [hbm4b:s3+s4], $0x80, s31, s4, $0xb8;
	[tilespmem:$0x1D800] =	vst v63  }
0x234: {  	_ =	swait.ge [sflag:s5], $0x4000  }
0x235: {  	[sflag:s5] =	ssyncset.done $0x0  }
0x236: {  	[sflag:s5] =	ssyncadd.s32 $0xFFFFC000  }
0x237: {  	_ =	swait.ge [sflag:s5], $0x4000  }
0x238: {  	[sflag:s5] =	ssyncset.done $0x0  }
0x239: {  	[sflag:s5] =	ssyncadd.s32 $0xFFFFC000  }
0x23a: {  	_ =	swait.ge [sflag:s5], $0x4000  }
0x23b: {  	[sflag:s5] =	ssyncset.done $0x0  }
0x23c: {  	[sflag:s5] =	ssyncadd.s32 $0xFFFFC000  }
0x23d: {  	_ =	swait.ge [sflag:s5], $0x4000  }
0x23e: {  	[sflag:s5] =	ssyncset.done $0x0  }
0x23f: {  	[sflag:s5] =	ssyncadd.s32 $0xFFFFC000  }
0x240: {  	_ =	swait.ge [sflag:s5], $0x4000  }
0x241: {  	[sflag:s5] =	ssyncset.done $0x0  }
0x242: {  	[sflag:s5] =	ssyncadd.s32 $0xFFFFC000  }
0x243: {  	_ =	swait.ge [sflag:s5], $0x4000  }
0x244: {  	[sflag:s5] =	ssyncset.done $0x0  }
0x245: {  	[sflag:s5] =	ssyncadd.s32 $0xFFFFC000  }
0x246: {  	[hbm4b:s2+s4] =	stream.indirect.scatter [tilespmem:s6], [sflag:$0x2], $0x80, s28, s4, $0xb8;
	[tilespmem:$0x1D800] =	vst v63  }
0x247: {  	_ = 	snop  }
0x248: {  	[hbm4b:s2+s4] =	stream.indirect.scatter [tilespmem:s8], [sflag:$0x2], $0x80, s4, s4, $0xb8;
	[tilespmem:$0x1D800] =	vst v63  }
0x249: {  	s28 =	rddreg [dreg:$0xd]  }
0x24a: {  	[hbm4b:s2+s4] =	stream.indirect.scatter [tilespmem:s9], [sflag:$0x2], $0x80, s28, s4, $0xb8;
	[tilespmem:$0x1D800] =	vst v63  }
0x24b: {  	s31 =	rddreg [dreg:$0xe]  }
0x24c: {  	[hbm4b:s2+s4] =	stream.indirect.scatter [tilespmem:s10], [sflag:$0x2], $0x80, s31, s4, $0xb8;
	[tilespmem:$0x1D800] =	vst v63  }
0x24d: {  	s28 =	rddreg [dreg:$0xf]  }
0x24e: {  	[hbm4b:s2+s4] =	stream.indirect.scatter [tilespmem:s19], [sflag:$0x2], $0x80, s28, s4, $0xb8;
	[tilespmem:$0x1D800] =	vst v63  }
0x24f: {  	s31 =	rddreg [dreg:$0x10]  }
0x250: {  	[hbm4b:s2+s4] =	stream.indirect.scatter [tilespmem:s20], [sflag:$0x2], $0x80, s31, s4, $0xb8;
	[tilespmem:$0x1D800] =	vst v63  }
0x251: {  	_ = 	snop  }
0x252: {  	[hbm4b:s2+s4] =	stream.indirect.scatter [tilespmem:s29], [sflag:$0x2], $0x80, s30, s4, $0xb8;
	[tilespmem:$0x1D800] =	vst v63  }
0x253: {  	s1 =	rddreg [dreg:$0x11]  }
0x254: {  	[hbm4b:s2+s4] =	stream.indirect.scatter [tilespmem:s29], [sflag:$0x2], $0x80, s1, s4, $0xb8;
	[tilespmem:$0x1D800] =	vst v63  }
0x255: {  	s28 =	rddreg [dreg:$0x12]  }
0x256: {  	[hbm4b:s2+s4] =	stream.indirect.scatter [tilespmem:s29], [sflag:$0x2], $0x80, s28, s4, $0xb8;
	[tilespmem:$0x1D800] =	vst v63  }
0x257: {  	s30 =	rddreg [dreg:$0x13]  }
0x258: {  	[hbm4b:s2+s4] =	stream.indirect.scatter [tilespmem:s29], [sflag:$0x2], $0x80, s30, s4, $0xb8;
	[tilespmem:$0x1D800] =	vst v63  }
0x259: {  	s31 =	rddreg [dreg:$0x14]  }
0x25a: {  	[hbm4b:s2+s4] =	stream.indirect.scatter [tilespmem:s29], [sflag:$0x2], $0x80, s31, s4, $0xb8;
	[tilespmem:$0x1D800] =	vst v63  }
0x25b: {  	s28 =	rddreg [dreg:$0x15]  }
0x25c: {  	[hbm4b:s2+s4] =	stream.indirect.scatter [tilespmem:s29], [sflag:$0x2], $0x80, s28, s4, $0xb8;
	[tilespmem:$0x1D800] =	vst v63  }
0x25d: {  	s30 =	rddreg [dreg:$0x16]  }
0x25e: {  	[hbm4b:s2+s4] =	stream.indirect.scatter [tilespmem:s29], [sflag:$0x2], $0x80, s30, s4, $0xb8;
	[tilespmem:$0x1D800] =	vst v63  }
0x25f: {  	s31 =	rddreg [dreg:$0x17]  }
0x260: {  	[hbm4b:s2+s4] =	stream.indirect.scatter [tilespmem:s29], [sflag:$0x2], $0x80, s31, s4, $0xb8;
	[tilespmem:$0x1D800] =	vst v63  }
0x261: {  	s28 =	rddreg [dreg:$0x18]  }
0x262: {  	[hbm4b:s2+s4] =	stream.indirect.scatter [tilespmem:s29], [sflag:$0x2], $0x80, s28, s4, $0xb8;
	[tilespmem:$0x1D800] =	vst v63  }
0x263: {  	s30 =	rddreg [dreg:$0x19]  }
0x264: {  	[hbm4b:s2+s4] =	stream.indirect.scatter [tilespmem:s29], [sflag:$0x2], $0x80, s30, s4, $0xb8;
	[tilespmem:$0x1D800] =	vst v63  }
0x265: {  	s31 =	rddreg [dreg:$0x1a]  }
0x266: {  	[hbm4b:s2+s4] =	stream.indirect.scatter [tilespmem:s29], [sflag:$0x2], $0x80, s31, s4, $0xb8;
	[tilespmem:$0x1D800] =	vst v63  }
0x267: {  	s28 =	rddreg [dreg:$0x1b]  }
0x268: {  	[hbm4b:s2+s4] =	stream.indirect.scatter [tilespmem:s29], [sflag:$0x2], $0x80, s28, s4, $0xb8;
	[tilespmem:$0x1D800] =	vst v63  }
0x269: {  	s30 =	rddreg [dreg:$0x1c]  }
0x26a: {  	[hbm4b:s2+s4] =	stream.indirect.scatter [tilespmem:s29], [sflag:$0x2], $0x80, s30, s4, $0xb8;
	[tilespmem:$0x1D800] =	vst v63  }
0x26b: {  	s31 =	rddreg [dreg:$0x1d]  }
0x26c: {  	[hbm4b:s2+s4] =	stream.indirect.scatter [tilespmem:s29], [sflag:$0x2], $0x80, s31, s4, $0xb8;
	[tilespmem:$0x1D800] =	vst v63  }
0x26d: {  	_ =	swait.ge [sflag:s7], $0x4000  }
0x26e: {  	[sflag:s7] =	ssyncset.done $0x0  }
0x26f: {  	[sflag:s7] =	ssyncadd.s32 $0xFFFFC000  }
0x270: {  	_ =	swait.ge [sflag:s7], $0x4000  }
0x271: {  	[sflag:s7] =	ssyncset.done $0x0  }
0x272: {  	[sflag:s7] =	ssyncadd.s32 $0xFFFFC000  }
0x273: {  	_ =	swait.ge [sflag:s7], $0x4000  }
0x274: {  	[sflag:s7] =	ssyncset.done $0x0  }
0x275: {  	[sflag:s7] =	ssyncadd.s32 $0xFFFFC000  }
0x276: {  	_ =	swait.ge [sflag:s7], $0x4000  }
0x277: {  	[sflag:s7] =	ssyncset.done $0x0  }
0x278: {  	[sflag:s7] =	ssyncadd.s32 $0xFFFFC000  }
0x279: {  	_ =	swait.ge [sflag:s7], $0x4000  }
0x27a: {  	[sflag:s7] =	ssyncset.done $0x0  }
0x27b: {  	[sflag:s7] =	ssyncadd.s32 $0xFFFFC000  }
0x27c: {  	_ =	swait.ge [sflag:s7], $0x4000  }
0x27d: {  	[sflag:s7] =	ssyncset.done $0x0  }
0x27e: {  	[sflag:s7] =	ssyncadd.s32 $0xFFFFC000  }
0x27f: {  	_ =	swait.ge [sflag:s7], $0x4000  }
0x280: {  	[sflag:s7] =	ssyncset.done $0x0  }
0x281: {  	[sflag:s7] =	ssyncadd.s32 $0xFFFFC000  }
0x282: {  	_ =	swait.ge [sflag:s7], $0x4000  }
0x283: {  	[sflag:s7] =	ssyncset.done $0x0  }
0x284: {  	[sflag:s7] =	ssyncadd.s32 $0xFFFFC000  }
0x285: {  	_ =	swait.ge [sflag:s7], $0x4000  }
0x286: {  	[sflag:s7] =	ssyncset.done $0x0  }
0x287: {  	[sflag:s7] =	ssyncadd.s32 $0xFFFFC000  }
0x288: {  	_ =	swait.ge [sflag:s7], $0x4000  }
0x289: {  	[sflag:s7] =	ssyncset.done $0x0  }
0x28a: {  	[sflag:s7] =	ssyncadd.s32 $0xFFFFC000  }
0x28b: {  	_ =	swait.ge [sflag:s7], $0x4000  }
0x28c: {  	[sflag:s7] =	ssyncset.done $0x0  }
0x28d: {  	[sflag:s7] =	ssyncadd.s32 $0xFFFFC000  }
0x28e: {  	_ =	swait.ge [sflag:s7], $0x4000  }
0x28f: {  	[sflag:s7] =	ssyncset.done $0x0  }
0x290: {  	[sflag:s7] =	ssyncadd.s32 $0xFFFFC000  }
0x291: {  	_ =	swait.ge [sflag:s7], $0x4000  }
0x292: {  	[sflag:s7] =	ssyncset.done $0x0  }
0x293: {  	[sflag:s7] =	ssyncadd.s32 $0xFFFFC000  }
0x294: {  	_ =	swait.ge [sflag:s7], $0x4000  }
0x295: {  	[sflag:s7] =	ssyncset.done $0x0  }
0x296: {  	[sflag:s7] =	ssyncadd.s32 $0xFFFFC000  }
0x297: {  	_ =	swait.ge [sflag:s7], $0x4000  }
0x298: {  	[sflag:s7] =	ssyncset.done $0x0  }
0x299: {  	[sflag:s7] =	ssyncadd.s32 $0xFFFFC000  }
0x29a: {  	_ =	swait.ge [sflag:s7], $0x4000  }
0x29b: {  	[sflag:s7] =	ssyncset.done $0x0  }
0x29c: {  	[sflag:s7] =	ssyncadd.s32 $0xFFFFC000  }
0x29d: {  	_ =	swait.ge [sflag:s7], $0x4000  }
0x29e: {  	[sflag:s7] =	ssyncset.done $0x0  }
0x29f: {  	[sflag:s7] =	ssyncadd.s32 $0xFFFFC000  }
0x2a0: {  	_ =	swait.ge [sflag:s7], $0x4000  }
0x2a1: {  	[sflag:s7] =	ssyncset.done $0x0  }
0x2a2: {  	[sflag:s7] =	ssyncadd.s32 $0xFFFFC000  }
0x2a3: {  	_ =	swait.ge [sflag:s7], $0x4000  }
0x2a4: {  	[sflag:s7] =	ssyncset.done $0x0  }
0x2a5: {  	[sflag:s7] =	ssyncadd.s32 $0xFFFFC000  }
0x2a6: {  	_ =	swait.ge [sflag:s7], $0x4000  }
0x2a7: {  	s28 =	rddreg [dreg:$0x1e];
	[sflag:s7] =	ssyncset.done $0x0  }
0x2a8: {  	s29 =	rddreg [dreg:$0x1f];
	[sflag:s7] =	ssyncadd.s32 $0xFFFFC000  }
0x2a9: {  	[tilespmem:s6], [sflag:$0x1] =	stream.indirect.gather [hbm4b:s3+s4], $0x80, s28, s4, $0xb8;
	[tilespmem:$0x1D800] =	vst v63  }
0x2aa: {  	s30 =	sld [smem:$0x7FA]  }
0x2ab: {  	[tilespmem:s8], [sflag:$0x1] =	stream.indirect.gather [hbm4b:s3+s4], $0x80, s29, s4, $0xb8;
	[tilespmem:$0x1D800] =	vst v63  }
0x2ac: {  	s31 =	sld [smem:$0x7FB]  }
0x2ad: {  	[tilespmem:s9], [sflag:$0x1] =	stream.indirect.gather [hbm4b:s3+s4], $0x80, s30, s4, $0xb8;
	[tilespmem:$0x1D800] =	vst v63  }
0x2ae: {  	s28 =	sld [smem:$0x7FC]  }
0x2af: {  	[tilespmem:s10], [sflag:$0x1] =	stream.indirect.gather [hbm4b:s3+s4], $0x80, s31, s4, $0xb8;
	[tilespmem:$0x1D800] =	vst v63  }
0x2b0: {  	s29 =	sld [smem:$0x7FD]  }
0x2b1: {  	[tilespmem:s19], [sflag:$0x1] =	stream.indirect.gather [hbm4b:s3+s4], $0x80, s28, s4, $0xb8;
	[tilespmem:$0x1D800] =	vst v63  }
0x2b2: {  	_ = 	snop  }
0x2b3: {  	[tilespmem:s20], [sflag:$0x1] =	stream.indirect.gather [hbm4b:s3+s4], $0x80, s29, s4, $0xb8;
	[tilespmem:$0x1D800] =	vst v63  }
0x2b4: {  	_ =	swait.ge [sflag:s5], $0x4000  }
0x2b5: {  	[sflag:s5] =	ssyncset.done $0x0  }
0x2b6: {  	[sflag:s5] =	ssyncadd.s32 $0xFFFFC000  }
0x2b7: {  	_ =	swait.ge [sflag:s5], $0x4000  }
0x2b8: {  	[sflag:s5] =	ssyncset.done $0x0  }
0x2b9: {  	[sflag:s5] =	ssyncadd.s32 $0xFFFFC000  }
0x2ba: {  	_ =	swait.ge [sflag:s5], $0x4000  }
0x2bb: {  	[sflag:s5] =	ssyncset.done $0x0  }
0x2bc: {  	[sflag:s5] =	ssyncadd.s32 $0xFFFFC000  }
0x2bd: {  	_ =	swait.ge [sflag:s5], $0x4000  }
0x2be: {  	[sflag:s5] =	ssyncset.done $0x0  }
0x2bf: {  	[sflag:s5] =	ssyncadd.s32 $0xFFFFC000  }
0x2c0: {  	_ =	swait.ge [sflag:s5], $0x4000  }
0x2c1: {  	[sflag:s5] =	ssyncset.done $0x0  }
0x2c2: {  	[sflag:s5] =	ssyncadd.s32 $0xFFFFC000  }
0x2c3: {  	_ =	swait.ge [sflag:s5], $0x4000  }
0x2c4: {  	[sflag:s5] =	ssyncset.done $0x0  }
0x2c5: {  	[sflag:s5] =	ssyncadd.s32 $0xFFFFC000  }
0x2c6: {  	[hbm4b:s2+s4] =	stream.indirect.scatter [tilespmem:s6], [sflag:$0x2], $0x80, s22, s4, $0xb8;
	[tilespmem:$0x1D800] =	vst v63  }
0x2c7: {  	_ = 	snop  }
0x2c8: {  	[hbm4b:s2+s4] =	stream.indirect.scatter [tilespmem:s8], [sflag:$0x2], $0x80, s23, s4, $0xb8;
	[tilespmem:$0x1D800] =	vst v63  }
0x2c9: {  	_ = 	snop  }
0x2ca: {  	[hbm4b:s2+s4] =	stream.indirect.scatter [tilespmem:s9], [sflag:$0x2], $0x80, s24, s4, $0xb8;
	[tilespmem:$0x1D800] =	vst v63  }
0x2cb: {  	_ = 	snop  }
0x2cc: {  	[hbm4b:s2+s4] =	stream.indirect.scatter [tilespmem:s10], [sflag:$0x2], $0x80, s25, s4, $0xb8;
	[tilespmem:$0x1D800] =	vst v63  }
0x2cd: {  	_ = 	snop  }
0x2ce: {  	[hbm4b:s2+s4] =	stream.indirect.scatter [tilespmem:s19], [sflag:$0x2], $0x80, s26, s4, $0xb8;
	[tilespmem:$0x1D800] =	vst v63  }
0x2cf: {  	_ = 	snop  }
0x2d0: {  	[hbm4b:s2+s4] =	stream.indirect.scatter [tilespmem:s20], [sflag:$0x2], $0x80, s15, s4, $0xb8;
	[tilespmem:$0x1D800] =	vst v63  }
0x2d1: {  	_ =	swait.ge [sflag:s7], $0x4000  }
0x2d2: {  	[sflag:s7] =	ssyncset.done $0x0  }
0x2d3: {  	[sflag:s7] =	ssyncadd.s32 $0xFFFFC000  }
0x2d4: {  	_ =	swait.ge [sflag:s7], $0x4000  }
0x2d5: {  	[sflag:s7] =	ssyncset.done $0x0  }
0x2d6: {  	[sflag:s7] =	ssyncadd.s32 $0xFFFFC000  }
0x2d7: {  	_ =	swait.ge [sflag:s7], $0x4000  }
0x2d8: {  	[sflag:s7] =	ssyncset.done $0x0  }
0x2d9: {  	[sflag:s7] =	ssyncadd.s32 $0xFFFFC000  }
0x2da: {  	_ =	swait.ge [sflag:s7], $0x4000  }
0x2db: {  	[sflag:s7] =	ssyncset.done $0x0  }
0x2dc: {  	[sflag:s7] =	ssyncadd.s32 $0xFFFFC000  }
0x2dd: {  	_ =	swait.ge [sflag:s7], $0x4000  }
0x2de: {  	[sflag:s7] =	ssyncset.done $0x0  }
0x2df: {  	[sflag:s7] =	ssyncadd.s32 $0xFFFFC000  }
0x2e0: {  	_ =	swait.ge [sflag:s7], $0x4000  }
0x2e1: {  	[sflag:s7] =	ssyncset.done $0x0  }
0x2e2: {  	[sflag:s7] =	ssyncadd.s32 $0xFFFFC000  }
0x2e3: {  	[tilespmem:s6], [sflag:$0x1] =	stream.indirect.gather [hbm4b:s3+s4], $0x80, s16, s4, $0xb8;
	[tilespmem:$0x1D800] =	vst v63  }
0x2e4: {  	_ = 	snop  }
0x2e5: {  	[tilespmem:s8], [sflag:$0x1] =	stream.indirect.gather [hbm4b:s3+s4], $0x80, s17, s4, $0xb8;
	[tilespmem:$0x1D800] =	vst v63  }
0x2e6: {  	_ = 	snop  }
0x2e7: {  	[tilespmem:s9], [sflag:$0x1] =	stream.indirect.gather [hbm4b:s3+s4], $0x80, s18, s4, $0xb8;
	[tilespmem:$0x1D800] =	vst v63  }
0x2e8: {  	_ = 	snop  }
0x2e9: {  	[tilespmem:s10], [sflag:$0x1] =	stream.indirect.gather [hbm4b:s3+s4], $0x80, s21, s4, $0xb8;
	[tilespmem:$0x1D800] =	vst v63  }
0x2ea: {  	_ =	swait.ge [sflag:s5], $0x4000  }
0x2eb: {  	[sflag:s5] =	ssyncset.done $0x0  }
0x2ec: {  	[sflag:s5] =	ssyncadd.s32 $0xFFFFC000  }
0x2ed: {  	_ =	swait.ge [sflag:s5], $0x4000  }
0x2ee: {  	[sflag:s5] =	ssyncset.done $0x0  }
0x2ef: {  	[sflag:s5] =	ssyncadd.s32 $0xFFFFC000  }
0x2f0: {  	_ =	swait.ge [sflag:s5], $0x4000  }
0x2f1: {  	[sflag:s5] =	ssyncset.done $0x0  }
0x2f2: {  	[sflag:s5] =	ssyncadd.s32 $0xFFFFC000  }
0x2f3: {  	_ =	swait.ge [sflag:s5], $0x4000  }
0x2f4: {  	[sflag:s5] =	ssyncset.done $0x0  }
0x2f5: {  	[sflag:s5] =	ssyncadd.s32 $0xFFFFC000  }
0x2f6: {  	[hbm4b:s2+s4] =	stream.indirect.scatter [tilespmem:s6], [sflag:$0x2], $0x80, s12, s4, $0xb8;
	[tilespmem:$0x1D800] =	vst v63  }
0x2f7: {  	_ = 	snop  }
0x2f8: {  	[hbm4b:s2+s4] =	stream.indirect.scatter [tilespmem:s8], [sflag:$0x2], $0x80, s13, s4, $0xb8;
	[tilespmem:$0x1D800] =	vst v63  }
0x2f9: {  	_ = 	snop  }
0x2fa: {  	[hbm4b:s2+s4] =	stream.indirect.scatter [tilespmem:s9], [sflag:$0x2], $0x80, s14, s4, $0xb8;
	[tilespmem:$0x1D800] =	vst v63  }
0x2fb: {  	s30 =	simm.s32 $0x780  }
0x2fc: {  	[hbm4b:s2+s4] =	stream.indirect.scatter [tilespmem:s10], [sflag:$0x2], $0x80, s30, s4, $0xb8;
	[tilespmem:$0x1D800] =	vst v63  }
0x2fd: {  	_ =	swait.ge [sflag:s7], $0x4000  }
0x2fe: {  	[sflag:s7] =	ssyncset.done $0x0  }
0x2ff: {  	[sflag:s7] =	ssyncadd.s32 $0xFFFFC000  }
0x300: {  	_ =	swait.ge [sflag:s7], $0x4000  }
0x301: {  	[sflag:s7] =	ssyncset.done $0x0  }
0x302: {  	[sflag:s7] =	ssyncadd.s32 $0xFFFFC000  }
0x303: {  	_ =	swait.ge [sflag:s7], $0x4000  }
0x304: {  	[sflag:s7] =	ssyncset.done $0x0  }
0x305: {  	[sflag:s7] =	ssyncadd.s32 $0xFFFFC000  }
0x306: {  	_ =	swait.ge [sflag:s7], $0x4000  }
0x307: {  	[sflag:s7] =	ssyncset.done $0x0  }
0x308: {  	[sflag:s7] =	ssyncadd.s32 $0xFFFFC000  }
0x309: {  	_ =	sfence.sel $0x180000  }
0x30a: {  	s31 =	stileid.u32;
	[bflag:$0x0] =	sbarrier.arrive $0xFFFF  }
0x30b: {  	p0 =	sne.s32 s31, $0x0;
	_ =	strace $0x90000047  }
0x30c: {  	s0 =	sadd.s32 @!p0 $0x100000, s11;
	[bflag:$0x2] =	sbarrier.arrive $0xFFFF  }
0x30d: {  	[sflag:s0] =	ssyncadd.tile.s32 @!p0 $0x1;
	_ =	shalt  }
.LBB2_1:
.Ltmp3:
0x30e: {  	s15 =	simm.s32 $0x580;
	(pc) =	sbr.rel .LBB2_6-.Ltmp3, $4  }
0x30f: {  	s26 =	simm.s32 $0x500;
	s25 =	simm.s32 $0x480;
	s24 =	simm.s32 $0x400  }
0x310: {  	s23 =	simm.s32 $0x380;
	s22 =	simm.s32 $0x300;
	s21 =	simm.s32 $0xF80  }
0x311: {  	s18 =	simm.s32 $0xF00;
	s17 =	simm.s32 $0xE80;
	s16 =	simm.s32 $0xE00  }
0x312: {  	s14 =	simm.s32 $0x700;
	s13 =	simm.s32 $0x680;
	s12 =	simm.s32 $0x600  }
.LBB2_3:
.Ltmp4:
0x313: {  	s15 =	simm.s32 $0x580;
	s26 =	simm.s32 $0x500;
	(pc) =	sbr.rel .LBB2_6-.Ltmp4, $4  }
0x314: {  	s25 =	simm.s32 $0x480;
	s24 =	simm.s32 $0x400;
	s23 =	simm.s32 $0x380  }
0x315: {  	s22 =	simm.s32 $0x300;
	s21 =	simm.s32 $0xF80;
	s18 =	simm.s32 $0xF00  }
0x316: {  	s17 =	simm.s32 $0xE80;
	s16 =	simm.s32 $0xE00;
	s14 =	simm.s32 $0x700  }
0x317: {  	s13 =	simm.s32 $0x680;
	s12 =	simm.s32 $0x600;
	s11 =	rddreg [dreg:$0x3]  }
.Lfunc_end2:
_tile_overlayer_lowered:
.L_overlay_start_2:
0x318: {  	(tag) =	ssettag $0x2  }
0x319: {  	s0 =	rddreg [dreg:$0x0];
	s2 =	stileid.u32  }
0x31a: {  	s1 =	rddreg [dreg:$0x1];
	p0 =	sne.s32 s2, $0x0  }
0x31b: {  	s3 =	rddreg [dreg:$0x2];
	[bflag:$0x3] =	sbarrier.arrive $0xFFFF;
	s2 =	simm.s32 @!p0 $0x1C03  }
0x31c: {  	[timem:s3], [sflag:s2] =	dma.local @!p0 [hbm:s0], s1  }
0x31d: {  	s0 =	simm.s32 @!p0 $0x3  }
0x31e: {  	_ =	swait.ge @!p0 [sflag:s0], s1  }
0x31f: {  	s1 =	ssub.s32 @!p0 $0x0, s1;
	[sflag:s0] =	ssyncset.done @!p0 $0x0  }
0x320: {  	[sflag:s0] =	ssyncadd.s32 @!p0 s1  }
0x321: {  	[bflag:$0x3] =	sbarrier.arrive $0xFFFF  }
0x322: {  	_ =	shalt  }

// kernel: sparse-core-data-format-call.cloned.1.call-start
scs
called_computation_lowered:
.L_overlay_start_0:
0x0: {  	s2 =	sld [smem:$0x3FD9]  }
0x1: {  	s3 =	sld [smem:$0x3FFE];
	_ =	sdelay $0x1  }
0x2: {  	s1 =	srdreg.scid  }
0x3: {  	s0 =	sand.u32 $0x1, s1  }
0x4: {  	s18 =	sshll.u32 s0, $0xA;
	s2 =	sadd.s32 s3, s2  }
0x5: {  	s2 =	sadd.s32 s2, s18  }
0x6: {  	[smem:$0x3FC7] =	sst s2  }
0x7: {  	_ = 	snop  }
0x8: {  	s2 =	sld [smem:$0x3FD0];
	(tm) =	ssettm $0x1  }
0x9: {  	s19 =	sld [smem:$0x3FFB];
	_ =	sdelay $0x3  }
0xa: {  	_ =	strace s19  }
0xb: {  	s3 =	sld [smem:$0x3FFC];
	_ =	sdelay $0x3  }
0xc: {  	_ =	strace s3  }
0xd: {  	s3 =	sld [smem:$0x3FFD];
	_ =	sdelay $0x3  }
0xe: {  	_ =	strace s3  }
0xf: {  	_ =	strace $0x8FFFFFFF  }
0x10: {  	s20 =	sld [smem:$0x3FDB];
	_ =	sdelay $0x1  }
0x11: {  	s4 =	simm.s32 $_scs_section_size  }
0x12: {  	s5 =	simm.s32 $_size__tile_overlayer_lowered;
	s6 =	simm.s32 $_tile_overlayer_lowered  }
0x13: {  	s23 =	simm.s32 $0x1BFF;
	s22 =	sshll.u32 s6, $0x1;
	s3 =	sadd.s32 s4, s20  }
0x14: {  	s7 =	simm.s32 $0x0;
	s21 =	sshll.u32 s5, $0x1;
	s5 =	sadd.s32 s22, s3  }
0x15: {  	[timem:s7], [sflag:s23] =	dma.local [hbm:s5], s21  }
0x16: {  	_ =	swait.ge [sflag:s23], s21  }
0x17: {  	s4 =	ssub.s32 $0x0, s21;
	[sflag:s23] =	ssyncset.done $0x0  }
0x18: {  	[sflag:s23] =	ssyncadd.s32 s4;
	_ =	sdelay $0x1  }
0x19: {  	s24 =	simm.s32 $0x1B8B  }
0x1a: {  	_ =	swait.ge [sflag:s24], $0x1  }
0x1b: {  	[sflag:s24] =	ssyncset.done $0x0  }
0x1c: {  	s26 =	simm.s32 $0x1B8E;
	s25 =	sld [smem:$0x3FFE];
	[sflag:s24] =	ssyncadd.s32 $0xFFFFFFFF  }
0x1d: {  	s27 =	simm.s32 $execute0_lowered;
	[smem:$0x3FD2] =	sst s26  }
0x1e: {  	s5 =	sshll.u32 s27, $0x1;
	_ =	strace $0x80000049;
	[dreg:$0x1] =	wrdreg $0xFFFFFFFF  }
0x1f: {  	s28 =	simm.s32 $_size_execute0_lowered;
	s3 =	sadd.s32 s3, s5;
	[dreg:$0x0] =	wrdreg $0x0  }
0x20: {  	s5 =	sshll.u32 s28, $0x1;
	[dreg:$0x2] =	wrdreg s3  }
0x21: {  	[dreg:$0x3] =	wrdreg s5  }
0x22: {  	[dreg:$0x4] =	wrdreg $0xC0  }
0x23: {  	_ =	task [dreg:s7], $0x5FFFF  }
0x24: {  	[dreg:$0x1] =	wrdreg $0xFFFFFFFF  }
0x25: {  	[dreg:$0x0] =	wrdreg $0x60  }
0x26: {  	[dreg:$0x2] =	wrdreg s25  }
0x27: {  	[dreg:$0x3] =	wrdreg s2  }
0x28: {  	[dreg:$0x4] =	wrdreg $0x9  }
0x29: {  	_ =	task.clear_ibuf [dreg:s7], $0x5FFFF;
	_ =	strace $0x90000049  }
0x2a: {  	s29 =	simm.s32 $0x9;
	_ =	strace $0x8000004B  }
0x2b: {  	_ =	swait.ge [sflag:s29], $0x1  }
0x2c: {  	[sflag:s29] =	ssyncadd.s32 $0xFFFFFFFF  }
0x2d: {  	_ =	strace $0x9000004B  }
0x2e: {  	_ =	sfence  }
0x2f: {  	s30 =	sld [smem:$0x0];
	_ =	sdelay $0x2  }
0x30: {  	s31 =	sshll.u32 s1, $0xD;
	s1 =	sshrl.u32 s1, $0x2  }
0x31: {  	s3 =	sand.u32 $0x4000, s31;
	s1 =	sadd.s32 s1, s30  }
0x32: {  	s0 =	sor.u32 s3, s0;
	s1 =	sshll.u32 s1, $0x11  }
0x33: {  	s0 =	sor.u32 s1, s0  }
0x34: {  	s0 =	sadd.s32 $0x8F2B, s0  }
0x35: {  	[sflag:s0] =	ssyncadd.remote.s32 $0x1  }
0x36: {  	_ =	sfence.sel $0xFFFF  }
0x37: {  	[dreg:$0x0] =	wrdreg $0xFFFFFFFF;
	(pc) =	sbr.abs _section_cstart, $3  }
0x38: {  	[dreg:$0x1] =	wrdreg $0xFFFFFFFF  }
0x39: {  	_ =	task.clear_ibuf [dreg:s7], $0x2FFFF;
	_ =	strace $0x9FFFFFFF  }
0x3a: {  	(tm) =	ssettm $0x7FFFFFFF  }
0x3b: {  	_ =	shalt  }
tec
execute0_lowered:
.L_overlay_start_1:
0x0: {  	(tag) =	ssettag $0x1  }
0x1: {  	s6 =	rddreg [dreg:$0x0]  }
0x2: {  	s0 =	srdreg.scid;
	s2 =	rddreg [dreg:$0x1];
	s4 =	simm.s32 $0x1  }
0x3: {  	s7 =	simm.s32 $0x2;
	s8 =	simm.s32 $0x0;
	s9 =	simm.s32 $0x0  }
0x4: {  	s17 =	simm.s32 $0x0;
	s19 =	simm.s32 $0x0;
	s1 =	sshll.u32 s0, $0x4  }
0x5: {  	s18 =	simm.s32 $0x0;
	s0 =	stileid.u32;
	s1 =	sand.u32 $0x10, s1  }
0x6: {  	s10 =	simm.s32 $0x0;
	s11 =	simm.s32 $0x0;
	s3 =	sor.u32 s0, s1  }
.Ltmp0:
0x7: {  	s12 =	simm.s32 $0x0;
	s5 =	ssub.s32 $0x76, s3;
	(pc) =	sbr.rel .LBB1_1-.Ltmp0, $4  }
0x8: {  	s13 =	simm.s32 $0x0;
	s15 =	simm.s32 $0x0;
	s5 =	sshrl.u32 s5, $0x5  }
0x9: {  	s1 =	rddreg [dreg:$0x2];
	_ =	strace $0x8000004A;
	s5 =	smul.u32 $0xB, s5  }
0xa: {  	s16 =	simm.s32 $0x0;
	s6 =	sadd.s32 $0x800, s6;
	[sflag:s4] =	ssyncpa.u1 $0x0  }
0xb: {  	s14 =	smov.u32 s3;
	[sflag:s7] =	ssyncpa.u1 $0x0;
	s7 =	sadd.s32 $0x1, s5  }
.LBB1_7:
0xc: {  	p0 =	slt.u32 s16, $0x2  }
0xd: {  	p1 =	sgt.s32 @!p0 s19, $0x56  }
0xe: {  	s20 =	smov.u32 s19;
	s21 =	sshra.s32 @!p0 s19, $0x1F;
	p1 =	por !p1, p0  }
0xf: {  	p2 =	sgt.s32 @!p0 s17, $0x4F;
	s19 =	sand.u32 @!p0 s21, s19;
	s20 =	simm.s32 @p1 $0x56  }
0x10: {  	p2 =	por !p2, p0;
	s21 =	smov.u32 s17;
	s19 =	ssub.s32 @!p0 s20, s19  }
0x11: {  	s21 =	simm.s32 @p2 $0x4F;
	s20 =	sadd.s32 @!p0 $0xFFFFFFAA, s19  }
0x12: {  	s19 =	ssub.s32 @!p0 $0x57, s19;
	p1 =	sgt.s32 @!p0 s20, $0x0;
	s20 =	sshra.s32 @!p0 s17, $0x1F  }
0x13: {  	p1 =	por !p1, p0;
	s17 =	sand.u32 @!p0 s20, s17;
	s20 =	ssub.s32 @!p0 $0x0, s18  }
0x14: {  	s19 =	simm.s32 @!p1 $0x0;
	s18 =	smin.u32 @!p0 s18, s20;
	s17 =	ssub.s32 @!p0 s21, s17  }
0x15: {  	s21 =	smov.u32 s14;
	p1 =	sgt.s32 @!p0 s18, $0xF;
	s18 =	sshll.u32 @!p0 s18, $0x7  }
0x16: {  	s20 =	sadd.s32 @!p0 $0xFFFFFFB1, s17;
	s18 =	ssub.s32 @!p0 $0x800, s18;
	p1 =	por !p1, p0  }
0x17: {  	s17 =	ssub.s32 @!p0 $0x57, s17;
	p2 =	sgt.s32 @!p0 s20, $0x7;
	s18 =	simm.s32 @!p1 $0x0  }
0x18: {  	s20 =	sadd.s32 $0x8, s13;
	p1 =	por !p2, p0;
	s18 =	smul.u32 @!p0 s19, s18  }
0x19: {  	s17 =	simm.s32 @!p1 $0x0;
	p1 =	sgt.s32 s20, $0x56;
	s19 =	sadd.s32 $0x20, s14  }
0x1a: {  	s22 =	smov.u32 s15;
	s21 =	smov.u32 @p1 s19  }
0x1b: {  	s17 =	smul.u32 @!p0 s17, s18;
	p2 =	sgt.s32 s21, $0x56;
	s18 =	sadd.s32 $0x10, s15  }
0x1c: {  	s9 =	sadd.s32 $0x4000, s9;
	s23 =	simm.s32 @!p0 $0x2;
	s22 =	smov.u32 @p2 s18  }
0x1d: {  	s20 =	simm.s32 @p1 $0x0;
	s19 =	smov.u32 s11;
	p1 =	sgt.s32 s22, $0xF  }
0x1e: {  	s11 =	smov.u32 s14;
	s22 =	simm.s32 @p1 $0x0;
	p1 =	sne.s32 s16, s7  }
.Ltmp1:
0x1f: {  	s21 =	smov.u32 @p2 s3;
	s18 =	smov.u32 s12;
	(pc) =	sbr.rel @!p1 .LBB1_8-.Ltmp1, $4  }
0x20: {  	s12 =	smov.u32 s15;
	s17 =	sand.u32 @!p0 $0x3FFFFF80, s17;
	s14 =	smov.u32 s21  }
0x21: {  	_ =	swait.ge @!p0 [sflag:s23], s17;
	s24 =	ssub.s32 @!p0 $0x0, s17;
	s17 =	smov.u32 s10  }
0x22: {  	s16 =	sadd.s32 $0x1, s16;
	s10 =	smov.u32 s13;
	[sflag:s23] =	ssyncset.done @!p0 $0x0  }
0x23: {  	s13 =	smov.u32 s20;
	s15 =	smov.u32 s22;
	[sflag:s23] =	ssyncadd.s32 @!p0 s24  }
.LBB1_1:
0x24: {  	p0 =	sge.u32 s16, s5  }
0x25: {  	s20 =	sand.u32 @!p0 $0x1FFFFFF, s13;
	s22 =	smul.u32 @!p0 $0x1DE80, s15  }
0x26: {  	s21 =	smulhi.u32 @!p0 $0x2E8BA2F, s20  }
0x27: {  	s24 =	smul.u32 @!p0 $0x580, s14  }
0x28: {  	s21 =	smul.u32 @!p0 $0x58, s21  }
0x29: {  	s31 =	sadd.s32 $0xFFFFFFFF, s16;
	s22 =	sadd.s32 @!p0 s6, s22  }
0x2a: {  	s23 =	sxor.u32 @!p0 $0xFFFFFFFF, s16;
	s22 =	sadd.s32 @!p0 s24, s22;
	s20 =	ssub.s32 @!p0 s20, s21  }
0x2b: {  	s21 =	sshll.u32 @!p0 s23, $0xE;
	s23 =	simm.s32 @!p0 $0xEF400;
	s20 =	sshll.u32 @!p0 s20, $0x4  }
0x2c: {  	s21 =	sand.u32 @!p0 $0x4000, s21;
	s20 =	sadd.s32 @!p0 s20, s22;
	s22 =	simm.s32 @!p0 $0x400  }
0x2d: {  	[tilespmem:s21], [sflag:$0x1] =	stream.strided.gather @!p0 [hbm4b:s20+s22], $0x4000, s23, s22, $0x38;
	[tilespmem:$0x10000] =	vst v63  }
0x2e: {  	p0 =	sge.u32 s31, s5  }
.Ltmp2:
0x2f: {  	_ = 	snop;
	(pc) =	sbr.rel @p0 .LBB1_7-.Ltmp2, $1  }
0x30: {  	_ =	sdelay $0x3  }
0x31: {  	s20 =	sand.u32 $0x4000, s9  }
0x32: {  	_ =	swait.ge [sflag:s4], $0x4000;
	s23 =	sshll.u32 s16, $0xE;
	s21 =	sor.u32 $0x8040, s20  }
0x33: {  	s22 =	sor.u32 $0x40, s20;
	[sflag:s4] =	ssyncset.done $0x0;
	s31 =	sand.u32 $0x4000, s23  }
0x34: {  	s23 =	simm.s32 $0x0;
	[sflag:s4] =	ssyncadd.s32 $0xFFFFC000;
	s20 =	sor.u32 $0x8000, s31  }
.LBB1_3:
0x35: {  	v0 =	vmov s22;
	_ =	sdelay $0x3  }
0x36: {  	s25 =	simm.s32 $0x0  }
0x37: {  	v6 =	vld.idx.msk [tilespmem:v0+s25+$0x30 ss:$0x1], $0xffff  }
0x38: {  	v7 =	vld.idx.msk [tilespmem:v0+s25+$0xFFFFFFC0 ss:$0x1], $0xffff  }
0x39: {  	v5 =	vld.idx.msk [tilespmem:v0+s25+$0xFFFFFFD0 ss:$0x1], $0xffff  }
0x3a: {  	v4 =	vld.idx.msk [tilespmem:v0+s25+$0xFFFFFFE0 ss:$0x1], $0xffff  }
0x3b: {  	v3 =	vld.idx.msk [tilespmem:v0+s25+$0xFFFFFFF0 ss:$0x1], $0xffff  }
0x3c: {  	v1 =	vld.idx.msk [tilespmem:v0+s25+$0x0 ss:$0x1], $0xffff  }
0x3d: {  	v2 =	vld.idx.msk [tilespmem:v0+s25+$0x10 ss:$0x1], $0xffff;
	[tilespmem:s21+$0x30] =	vst v6  }
0x3e: {  	s24 =	simm.s32 $0x80;
	s26 =	simm.s32 $0x400;
	[tilespmem:s21+$0xFFFFFFC0] =	vst v7;
	v6 =	vld.idx.msk [tilespmem:v0+s25+$0x20 ss:$0x1], $0xffff;
	s25 =	smov.u32 s21  }
.LBB1_4:
0x3f: {  	p0 =	sne.s32 s26, $0xE00;
	v7 =	vld.idx.msk [tilespmem:v0+s24+$0x30 ss:$0x1], $0xffff;
	[tilespmem:s25+$0xFFFFFFD0] =	vst v5  }
0x40: {  	v8 =	vld.idx.msk [tilespmem:v0+s24+$0xFFFFFFC0 ss:$0x1], $0xffff;
	[tilespmem:s25+$0xFFFFFFE0] =	vst v4  }
0x41: {  	v5 =	vld.idx.msk [tilespmem:v0+s24+$0xFFFFFFD0 ss:$0x1], $0xffff;
	[tilespmem:s25+$0xFFFFFFF0] =	vst v3  }
.Ltmp3:
0x42: {  	v4 =	vld.idx.msk [tilespmem:v0+s24+$0xFFFFFFE0 ss:$0x1], $0xffff;
	[tilespmem:s25+$0x0] =	vst v1;
	(pc) =	sbr.rel @p0 .LBB1_4-.Ltmp3, $4  }
0x43: {  	v3 =	vld.idx.msk [tilespmem:v0+s24+$0xFFFFFFF0 ss:$0x1], $0xffff;
	[tilespmem:s25+$0x10] =	vst v2  }
0x44: {  	v1 =	vld.idx.msk [tilespmem:v0+s24+$0x0 ss:$0x1], $0xffff;
	[tilespmem:s25+$0x20] =	vst v6;
	s25 =	sadd.s32 $0x800, s25  }
0x45: {  	v2 =	vld.idx.msk [tilespmem:v0+s24+$0x10 ss:$0x1], $0xffff;
	[tilespmem:s25+$0x30] =	vst v7  }
0x46: {  	[tilespmem:s25+$0xFFFFFFC0] =	vst v8;
	v6 =	vld.idx.msk [tilespmem:v0+s24+$0x20 ss:$0x1], $0xffff;
	s24 =	sshra.s32 s26, $0x2;
	s26 =	sadd.s32 $0x200, s26  }
0x47: {  	_ =	sdelay $0x2  }
0x48: {  	[tilespmem:s25+$0xFFFFFFD0] =	vst v5  }
0x49: {  	v56 =	vld.idx.msk [tilespmem:v0+s24+$0x30 ss:$0x1], $0xffff;
	[tilespmem:s25+$0xFFFFFFE0] =	vst v4  }
0x4a: {  	v57 =	vld.idx.msk [tilespmem:v0+s24+$0xFFFFFFC0 ss:$0x1], $0xffff;
	[tilespmem:s25+$0xFFFFFFF0] =	vst v3  }
0x4b: {  	v58 =	vld.idx.msk [tilespmem:v0+s24+$0xFFFFFFD0 ss:$0x1], $0xffff;
	[tilespmem:s25+$0x0] =	vst v1  }
0x4c: {  	v59 =	vld.idx.msk [tilespmem:v0+s24+$0xFFFFFFE0 ss:$0x1], $0xffff;
	[tilespmem:s25+$0x10] =	vst v2  }
0x4d: {  	v60 =	vld.idx.msk [tilespmem:v0+s24+$0xFFFFFFF0 ss:$0x1], $0xffff;
	s31 =	sadd.s32 $0x800, s25;
	[tilespmem:s25+$0x20] =	vst v6  }
0x4e: {  	v61 =	vld.idx.msk [tilespmem:v0+s24+$0x0 ss:$0x1], $0xffff;
	[tilespmem:s31+$0x30] =	vst v56  }
0x4f: {  	v62 =	vld.idx.msk [tilespmem:v0+s24+$0x10 ss:$0x1], $0xffff;
	s23 =	sadd.s32 $0x1, s23;
	[tilespmem:s31+$0xFFFFFFC0] =	vst v57  }
0x50: {  	v63 =	vld.idx.msk [tilespmem:v0+s24+$0x20 ss:$0x1], $0xffff;
	p0 =	sne.s32 s23, $0x10;
	[tilespmem:s31+$0xFFFFFFD0] =	vst v58  }
.Ltmp4:
0x51: {  	[tilespmem:s31+$0xFFFFFFE0] =	vst v59;
	(pc) =	sbr.rel @p0 .LBB1_3-.Ltmp4, $4  }
0x52: {  	[tilespmem:s31+$0xFFFFFFF0] =	vst v60  }
0x53: {  	[tilespmem:s31+$0x0] =	vst v61  }
0x54: {  	[tilespmem:s31+$0x10] =	vst v62  }
0x55: {  	s21 =	sadd.s32 $0x80, s21;
	s22 =	sadd.s32 $0x400, s22;
	[tilespmem:s31+$0x20] =	vst v63  }
0x56: {  	p0 =	sgt.s32 s11, $0x56;
	s21 =	smov.u32 s11;
	s22 =	sshra.s32 s11, $0x1F  }
0x57: {  	s23 =	smov.u32 s10;
	s24 =	ssub.s32 $0x0, s12;
	s27 =	sshra.s32 s10, $0x1F  }
0x58: {  	s28 =	smul.u32 $0x5700, s11;
	s21 =	simm.s32 @!p0 $0x56;
	s22 =	sand.u32 s22, s11  }
0x59: {  	p0 =	sgt.s32 s10, $0x4F;
	s26 =	smin.u32 s12, s24;
	s21 =	ssub.s32 s21, s22  }
0x5a: {  	s24 =	sand.u32 s27, s10;
	s23 =	simm.s32 @!p0 $0x4F;
	s22 =	sadd.s32 $0xFFFFFFAA, s21  }
0x5b: {  	p0 =	sgt.s32 s26, $0xF;
	p1 =	sgt.s32 s22, $0x0;
	s22 =	sshll.u32 s26, $0x7  }
0x5c: {  	s21 =	ssub.s32 $0x57, s21;
	s23 =	ssub.s32 s23, s24;
	s22 =	ssub.s32 $0x800, s22  }
0x5d: {  	s24 =	sadd.s32 $0xFFFFFFB1, s23;
	s21 =	simm.s32 @p1 $0x0;
	s22 =	simm.s32 @p0 $0x0  }
0x5e: {  	p0 =	sgt.s32 s24, $0x7;
	s21 =	smul.u32 s21, s22;
	s22 =	ssub.s32 $0x57, s23  }
.Ltmp5:
0x5f: {  	s29 =	sshll.u32 s12, $0x4;
	s22 =	simm.s32 @p0 $0x0;
	(pc) =	sbr.rel .LBB1_7-.Ltmp5, $4  }
0x60: {  	s30 =	sand.u32 $0xF0, s29;
	s23 =	sadd.s32 s2, s28;
	s21 =	smul.u32 s22, s21  }
0x61: {  	s31 =	sshll.u32 s10, $0x8;
	s22 =	sadd.s32 s30, s23  }
0x62: {  	s22 =	sadd.s32 s31, s22;
	s21 =	sand.u32 $0x3FFFFF80, s21  }
0x63: {  	[hbm4b:s22+s8] =	stream.linear.scatter [tilespmem:s20], [sflag:$0x2], s21, $0x38;
	[tilespmem:$0x10000] =	vst v63  }
.LBB1_8:
0x64: {  	_ =	sfence.sel $0x180000  }
0x65: {  	s2 =	simm.s32 $0x1;
	[bflag:$0x0] =	sbarrier.arrive $0xFFFF  }
0x66: {  	s31 =	simm.s32 $0x2;
	[sflag:s2] =	ssyncpa.u1 $0x1  }
0x67: {  	[sflag:s31] =	ssyncpa.u1 $0x1  }
0x68: {  	p0 =	sne.s32 s0, $0x0;
	_ =	strace $0x9000004A  }
0x69: {  	s0 =	sadd.s32 @!p0 $0x100000, s1;
	[bflag:$0x2] =	sbarrier.arrive $0xFFFF  }
0x6a: {  	[sflag:s0] =	ssyncadd.tile.s32 @!p0 $0x1;
	_ =	shalt  }
.Lfunc_end1:
_tile_overlayer_lowered:
.L_overlay_start_2:
0x6b: {  	(tag) =	ssettag $0x2  }
0x6c: {  	s0 =	rddreg [dreg:$0x0];
	s2 =	stileid.u32  }
0x6d: {  	s1 =	rddreg [dreg:$0x1];
	p0 =	sne.s32 s2, $0x0  }
0x6e: {  	s3 =	rddreg [dreg:$0x2];
	[bflag:$0x3] =	sbarrier.arrive $0xFFFF;
	s2 =	simm.s32 @!p0 $0x1C01  }
0x6f: {  	[timem:s3], [sflag:s2] =	dma.local @!p0 [hbm:s0], s1  }
0x70: {  	s0 =	simm.s32 @!p0 $0x1  }
0x71: {  	_ =	swait.ge @!p0 [sflag:s0], s1  }
0x72: {  	s1 =	ssub.s32 @!p0 $0x0, s1;
	[sflag:s0] =	ssyncset.done @!p0 $0x0  }
0x73: {  	[sflag:s0] =	ssyncadd.s32 @!p0 s1  }
0x74: {  	[bflag:$0x3] =	sbarrier.arrive $0xFFFF  }
0x75: {  	_ =	shalt  }

</sc_bundles>
